<compile_context>
chip_gen: v7x
topology: tpu7x:2x2x1
jax: 0.10.2.dev20260603
libtpu: 0.0.44.dev20260713+nightly
codegen_flags: <defaults>
</compile_context>

<pallas_src>
import jax
import jax.numpy as jnp
from jax import lax
from jax.experimental import pallas as pl
from jax.experimental.pallas import tpu as pltpu
from jax.experimental.pallas import tpu_sc as plsc

N = 100000
M = 35000
NS = 16
C = 128
VX, VY, VZ = 0.1, 0.1, 0.15
X0, Y0, Z0 = 0.0, -40.0, -3.0
KN = VX * VX + VY * VY + VZ * VZ
S0, S1, S2 = VX * VX / KN, VY * VY / KN, VZ * VZ / KN
CX0, CY0, CZ0 = 0.5 + X0 / VX, 0.5 + Y0 / VY, 0.5 + Z0 / VZ

NC, NSC = 2, 16
NW = NC * NSC

NPAD = 100096
SLC = NPAD // NSC
VTOT = M * NS
RND_A = 18
QW = RND_A * 8 * 128
VTOT_PAD = NW * QW
NQCH = 26
NQW = NQCH * 128
QTPAD = NW * NQW

CH = 8
ROWSN = CH * NS
WCH = 138
MPAD = NW * WCH * CH

_SC_PARAMS = pltpu.CompilerParams(use_tc_tiling_on_sc=False,
                                  needs_layout_passes=False)


def _sc_mesh():
    return plsc.VectorSubcoreMesh(core_axis_name="c", subcore_axis_name="s",
                                  num_cores=NC, num_subcores=NSC)



def _counts_body(vmap_hbm, pc_hbm, out_hbm, qtab_hbm,
                 idx_a, idx_b, pc0, pc1, qb0, qb1, ones_v, zbuf_v, csh,
                 isem_a, isem_b, asem_a, asem_b,
                 psem0, psem1, qsem0, qsem1):
    cid = lax.axis_index("c")
    sid = lax.axis_index("s")
    wid = sid * NC + cid
    base = wid * QW
    qbase = wid * NQW

    iota = lax.iota(jnp.int32, 16)
    c1v = iota * 0 + 1
    c2v = iota * 0 + 2
    c3v = iota * 0 + 3

    ones16 = jnp.full((16,), 1.0, jnp.float32)
    for b in range(8):
        ones_v[pl.ds(b * 16, 16)] = ones16

    z16 = jnp.zeros((16,), jnp.float32)

    @pl.loop(0, SLC // 16)
    def _zero(i):
        zbuf_v[pl.ds(i * 16, 16)] = z16

    pltpu.sync_copy(zbuf_v, csh.at[pl.ds(sid * SLC, SLC)])

    PC = (pc0, pc1)
    QB = (qb0, qb1)
    PSEM = (psem0, psem1)
    QSEM = (qsem0, qsem1)

    def issue_pc(p, k):
        pltpu.async_copy(pc_hbm.at[pl.ds(qbase + k * 128, 128)], PC[p],
                         PSEM[p])

    def wait_pc(p):
        pltpu.make_async_copy(pc_hbm.at[pl.ds(0, 128)], PC[p],
                              PSEM[p]).wait()

    def issue_qst(p, k):
        pltpu.async_copy(QB[p], qtab_hbm.at[pl.ds(qbase + k * 128, 128)],
                         QSEM[p])

    def wait_qst(p):
        pltpu.make_async_copy(QB[p], qtab_hbm.at[pl.ds(0, 128)],
                              QSEM[p]).wait()

    def qcompute(p):
        for g in range(8):
            rv = g * 16 + iota
            xs = plsc.load_gather(PC[p], [rv, c1v])
            ys = plsc.load_gather(PC[p], [rv, c2v])
            zs = plsc.load_gather(PC[p], [rv, c3v])
            plsc.store_scatter(QB[p], [rv, c1v * 0], xs * (1.0 / VX))
            plsc.store_scatter(QB[p], [rv, c1v], ys * (1.0 / VY))
            plsc.store_scatter(QB[p], [rv, c2v], zs * (1.0 / VZ))

    issue_pc(0, 0)
    issue_pc(1, 1)

    @pl.loop(0, NQCH // 2)
    def _qt(t):
        for p in (0, 1):
            k = 2 * t + p
            wait_pc(p)

            @pl.when(k >= 2)
            def _():
                wait_qst(p)
            qcompute(p)
            issue_qst(p, k)

            @pl.when(k + 2 < NQCH)
            def _():
                issue_pc(p, k + 2)

    wait_qst(0)
    wait_qst(1)

    plsc.subcore_barrier()

    def issue_idx(idx_ref, sem, r):
        for b in range(8):
            pltpu.async_copy(
                vmap_hbm.at[pl.ds(base + (r * 8 + b) * 128, 128)],
                idx_ref.at[b], sem)

    def drain_idx(idx_ref, sem):
        for b in range(8):
            pltpu.make_async_copy(vmap_hbm.at[pl.ds(base, 128)],
                                  idx_ref.at[b], sem).wait()

    def issue_add(idx_ref, sem):
        for b in range(8):
            pltpu.async_copy(ones_v, csh.at[idx_ref.at[b]], sem, add=True)

    def drain_add(idx_ref, sem):
        for b in range(8):
            pltpu.make_async_copy(ones_v, csh.at[idx_ref.at[b]], sem).wait()

    issue_idx(idx_a, isem_a, 0)

    @pl.loop(0, RND_A // 2)
    def _t(t):
        @pl.when(t > 0)
        def _():
            drain_add(idx_b, asem_b)
        issue_idx(idx_b, isem_b, 2 * t + 1)
        drain_idx(idx_a, isem_a)
        issue_add(idx_a, asem_a)
        drain_add(idx_a, asem_a)

        @pl.when(t < RND_A // 2 - 1)
        def _():
            issue_idx(idx_a, isem_a, 2 * t + 2)
        drain_idx(idx_b, isem_b)
        issue_add(idx_b, asem_b)

    drain_add(idx_b, asem_b)
    plsc.subcore_barrier()
    pltpu.sync_copy(csh.at[pl.ds(sid * SLC, SLC)], zbuf_v)
    pltpu.sync_copy(zbuf_v, out_hbm.at[pl.ds(cid * NPAD + sid * SLC, SLC)])


@jax.jit
def _counts_call(vmap_pad, pc_pad):
    return pl.kernel(
        _counts_body,
        out_type=(jax.ShapeDtypeStruct((NC * NPAD,), jnp.float32),
                  jax.ShapeDtypeStruct((QTPAD, 16), jnp.float32)),
        mesh=_sc_mesh(),
        compiler_params=_SC_PARAMS,
        scratch_types=[
            pltpu.VMEM((8, 128), jnp.int32),
            pltpu.VMEM((8, 128), jnp.int32),
            pltpu.VMEM((128, 4), jnp.float32),
            pltpu.VMEM((128, 4), jnp.float32),
            pltpu.VMEM((128, 16), jnp.float32),
            pltpu.VMEM((128, 16), jnp.float32),
            pltpu.VMEM((128,), jnp.float32),
            pltpu.VMEM((SLC,), jnp.float32),
            pltpu.VMEM_SHARED((NPAD,), jnp.float32),
            pltpu.SemaphoreType.DMA,
            pltpu.SemaphoreType.DMA,
            pltpu.SemaphoreType.DMA,
            pltpu.SemaphoreType.DMA,
            pltpu.SemaphoreType.DMA,
            pltpu.SemaphoreType.DMA,
            pltpu.SemaphoreType.DMA,
            pltpu.SemaphoreType.DMA,
        ],
    )(vmap_pad, pc_pad)



BN = 2000
NB = N // BN


def _stats_body(cnt_ref, pf_ref, wt_ref, out_ref):
    i = pl.program_id(0)

    @pl.when(i == 0)
    def _():
        out_ref[...] = jnp.zeros_like(out_ref)

    h = jnp.dot(pf_ref[...], wt_ref[...], preferred_element_type=jnp.float32)
    cw = cnt_ref[0, 0, 0:1, :] + cnt_ref[1, 0, 0:1, :]
    out_ref[0:1, :] += jnp.dot(cw, h, preferred_element_type=jnp.float32)
    out_ref[1:2, :] += jnp.dot(cw, h * h,
                               preferred_element_type=jnp.float32)


@jax.jit
def _stats_call(counts4, p_features, wt):
    return pl.pallas_call(
        _stats_body,
        grid=(NB,),
        in_specs=[
            pl.BlockSpec((2, 1, 1, BN), lambda i: (0, i, 0, 0)),
            pl.BlockSpec((BN, C), lambda i: (i, 0)),
            pl.BlockSpec((C, C), lambda i: (0, 0)),
        ],
        out_specs=pl.BlockSpec((2, C), lambda i: (0, 0)),
        out_shape=jax.ShapeDtypeStruct((2, C), jnp.float32),
    )(counts4, p_features, wt)



def _apply_body(pf_ref, wt_ref, ab_ref, out_ref):
    h = jnp.dot(pf_ref[...], wt_ref[...], preferred_element_type=jnp.float32)
    out_ref[...] = jnp.maximum(h * ab_ref[0:1, :] + ab_ref[1:2, :], 0.0)


@jax.jit
def _apply_call(p_features, wt, ab):
    return pl.pallas_call(
        _apply_body,
        grid=(NB,),
        in_specs=[
            pl.BlockSpec((BN, C), lambda i: (i, 0)),
            pl.BlockSpec((C, C), lambda i: (0, 0)),
            pl.BlockSpec((2, C), lambda i: (0, 0)),
        ],
        out_specs=pl.BlockSpec((BN, C), lambda i: (i, 0)),
        out_shape=jax.ShapeDtypeStruct((N, C), jnp.float32),
    )(p_features, wt, ab)



def _pool_body(hpp_hbm, qtab_hbm, vmapf_hbm, vi_hbm, vm_hbm, vf_hbm, out_hbm,
               idx0, idx1, rows0, rows1, qrows0, qrows1,
               vib0, vib1, vmb0, vmb1, vfb0, vfb1, outb0, outb1, wbuf,
               isem0, isem1, gsem0, gsem1, qsem0, qsem1, ssem0, ssem1,
               osem0, osem1):
    cid = lax.axis_index("c")
    sid = lax.axis_index("s")
    wid = sid * NC + cid
    cbase = wid * WCH

    IDX = (idx0, idx1)
    ROWS = (rows0, rows1)
    QROWS = (qrows0, qrows1)
    VIB = (vib0, vib1)
    VMB = (vmb0, vmb1)
    VFB = (vfb0, vfb1)
    OUTB = (outb0, outb1)
    ISEM = (isem0, isem1)
    GSEM = (gsem0, gsem1)
    QSEM = (qsem0, qsem1)
    SSEM = (ssem0, ssem1)
    OSEM = (osem0, osem1)

    iota = lax.iota(jnp.int32, 16)
    c0v = iota * 0
    c1v = c0v + 1
    c2v = c0v + 2
    RIDX = [i * NS + iota for i in range(CH)]
    FULLI = [c0v + i for i in range(CH)]
    WIDX = [(iota % 4) * 16 + s for s in range(NS)]

    def vbase(k):
        return (cbase + k) * CH

    def issue_idx(p, k):
        pltpu.async_copy(vmapf_hbm.at[pl.ds(vbase(k) * NS, ROWSN)],
                         IDX[p], ISEM[p])

    def wait_idx(p):
        pltpu.make_async_copy(vmapf_hbm.at[pl.ds(0, ROWSN)],
                              IDX[p], ISEM[p]).wait()

    def issue_main(p, k):
        pltpu.async_copy(hpp_hbm.at[IDX[p]], ROWS[p], GSEM[p])
        pltpu.async_copy(qtab_hbm.at[IDX[p]], QROWS[p], QSEM[p])
        vb = vbase(k)
        pltpu.async_copy(vi_hbm.at[pl.ds(vb, CH)], VIB[p], SSEM[p])
        pltpu.async_copy(vm_hbm.at[pl.ds(vb, CH)], VMB[p], SSEM[p])
        pltpu.async_copy(vf_hbm.at[pl.ds(vb, CH)], VFB[p], SSEM[p])

    def wait_main(p):
        pltpu.make_async_copy(hpp_hbm.at[IDX[p]], ROWS[p], GSEM[p]).wait()
        pltpu.make_async_copy(qtab_hbm.at[IDX[p]], QROWS[p],
                              QSEM[p]).wait()
        pltpu.make_async_copy(vi_hbm.at[pl.ds(0, CH)], VIB[p],
                              SSEM[p]).wait()
        pltpu.make_async_copy(vm_hbm.at[pl.ds(0, CH)], VMB[p],
                              SSEM[p]).wait()
        pltpu.make_async_copy(vf_hbm.at[pl.ds(0, CH)], VFB[p],
                              SSEM[p]).wait()

    def issue_out(p, k):
        pltpu.async_copy(OUTB[p], out_hbm.at[pl.ds(vbase(k), CH)], OSEM[p])

    def wait_out(p):
        pltpu.make_async_copy(OUTB[p], out_hbm.at[pl.ds(0, CH)],
                              OSEM[p]).wait()

    def compute(p):
        rows_v = ROWS[p]
        qrows_v = QROWS[p]
        vi_v = VIB[p]
        vm_v = VMB[p]
        vf_v = VFB[p]
        out_v = OUTB[p]
        for i in range(CH):
            qx = plsc.load_gather(qrows_v, [RIDX[i], c0v])
            qy = plsc.load_gather(qrows_v, [RIDX[i], c1v])
            qz = plsc.load_gather(qrows_v, [RIDX[i], c2v])
            xi = plsc.load_gather(vi_v, [FULLI[i], c2v + 1])
            yi = plsc.load_gather(vi_v, [FULLI[i], c2v])
            zi = plsc.load_gather(vi_v, [FULLI[i], c1v])
            ux = xi.astype(jnp.float32) + CX0
            uy = yi.astype(jnp.float32) + CY0
            uz = zi.astype(jnp.float32) + CZ0
            vm_row = vm_v[i, :]
            den = jnp.maximum(jnp.zeros((16,), jnp.float32)
                              + jnp.sum(vm_row), 1.0)
            mds = vm_row / den
            g0 = qx - ux
            g1 = qy - uy
            g2 = qz - uz
            g3 = S0 * (g0 * g0) + S1 * (g1 * g1) + S2 * (g2 * g2)
            wbuf[i, pl.ds(0, 16)] = g0 * mds
            wbuf[i, pl.ds(16, 16)] = g1 * mds
            wbuf[i, pl.ds(32, 16)] = g2 * mds
            wbuf[i, pl.ds(48, 16)] = g3 * mds
        for i in range(CH):
            acc = [vf_v[i, pl.ds(j * 16, 16)] for j in range(8)]
            for s in range(NS):
                wv = plsc.load_gather(wbuf, [FULLI[i], WIDX[s]])
                r = i * NS + s
                for j in range(8):
                    acc[j] = acc[j] + wv * rows_v[r, pl.ds(j * 16, 16)]
            for j in range(8):
                out_v[i, pl.ds(j * 16, 16)] = acc[j]

    issue_idx(0, 0)
    wait_idx(0)
    issue_main(0, 0)
    issue_idx(1, 1)

    @pl.loop(0, WCH // 2)
    def _t(t):
        for p in (0, 1):
            k = 2 * t + p

            @pl.when(k + 1 < WCH)
            def _():
                wait_idx(1 - p)
                issue_main(1 - p, k + 1)
            wait_main(p)

            @pl.when(k + 2 < WCH)
            def _():
                issue_idx(p, k + 2)

            @pl.when(k >= 2)
            def _():
                wait_out(p)
            compute(p)
            issue_out(p, k)

    wait_out(0)
    wait_out(1)


@jax.jit
def _pool_call(hpp, qtab, vmapf, vi_pad, vm_pad, vf_pad):
    return pl.kernel(
        _pool_body,
        out_type=jax.ShapeDtypeStruct((MPAD, C), jnp.float32),
        mesh=_sc_mesh(),
        compiler_params=_SC_PARAMS,
        scratch_types=[
            pltpu.VMEM((ROWSN,), jnp.int32),
            pltpu.VMEM((ROWSN,), jnp.int32),
            pltpu.VMEM((ROWSN, C), jnp.float32),
            pltpu.VMEM((ROWSN, C), jnp.float32),
            pltpu.VMEM((ROWSN, 16), jnp.float32),
            pltpu.VMEM((ROWSN, 16), jnp.float32),
            pltpu.VMEM((CH, 4), jnp.int32),
            pltpu.VMEM((CH, 4), jnp.int32),
            pltpu.VMEM((CH, 16), jnp.float32),
            pltpu.VMEM((CH, 16), jnp.float32),
            pltpu.VMEM((CH, C), jnp.float32),
            pltpu.VMEM((CH, C), jnp.float32),
            pltpu.VMEM((CH, C), jnp.float32),
            pltpu.VMEM((CH, C), jnp.float32),
            pltpu.VMEM((CH, 64), jnp.float32),
            pltpu.SemaphoreType.DMA,
            pltpu.SemaphoreType.DMA,
            pltpu.SemaphoreType.DMA,
            pltpu.SemaphoreType.DMA,
            pltpu.SemaphoreType.DMA,
            pltpu.SemaphoreType.DMA,
            pltpu.SemaphoreType.DMA,
            pltpu.SemaphoreType.DMA,
            pltpu.SemaphoreType.DMA,
            pltpu.SemaphoreType.DMA,
        ],
    )(hpp, qtab, vmapf, vi_pad, vm_pad, vf_pad)



def kernel(p_coords, p_features, v_indices, v_features, v_map, v_mask, W,
           gamma, beta):
    vmap_flat = v_map.astype(jnp.int32).reshape(-1)
    vmap_a = jnp.concatenate(
        [vmap_flat, jnp.full((VTOT_PAD - VTOT,), N, jnp.int32)])
    pc_pad = jnp.pad(p_coords, ((0, QTPAD - N), (0, 0)))
    counts_flat, qtab = _counts_call(vmap_a, pc_pad)
    counts4 = jnp.stack([counts_flat[:N].reshape(NB, 1, BN),
                         counts_flat[NPAD:NPAD + N].reshape(NB, 1, BN)])

    wt = W.T
    stats = _stats_call(counts4, p_features, wt)
    rtot = float(M * NS)
    mean = stats[0] / rtot
    var = stats[1] / rtot - mean * mean
    a = gamma * lax.rsqrt(var + 1e-5)
    b = beta - mean * a
    ab = jnp.stack([a, b])

    hpp = _apply_call(p_features, wt, ab)

    vi_pad = jnp.pad(v_indices.astype(jnp.int32), ((0, MPAD - M), (0, 0)))
    vm_pad = jnp.pad(v_mask, ((0, MPAD - M), (0, 0)))
    vf_pad = jnp.pad(v_features, ((0, MPAD - M), (0, 0)))
    vmap_c = jnp.pad(vmap_flat, (0, (MPAD - M) * NS))

    out = _pool_call(hpp, qtab, vmap_c, vi_pad, vm_pad, vf_pad)
    return out[:M]

# --- scband reference (transcript-rebuilt; emitter-appended) ---
"""Pipeline reference for scband-p2-vmodule-26259430048620 (READ-ONLY COPY).

The authoritative reference and input builder live on the scoring server;
editing this copy changes nothing except your own understanding.
"""

import jax, jax.numpy as jnp
import numpy as np

N = 100000   # points
M = 35000    # voxels
NS = 16      # num_samples
C = 128      # feature dim
V_SIZE = [0.1, 0.1, 0.15]
P_RANGE = [0.0, -40.0, -3.0, 70.4, 40.0, 1.0]


def setup_inputs(seed: int = 0) -> dict:
    key = jax.random.key(seed)
    k1, k2, k3, k4, k5, k6, k7, k8, k9 = jax.random.split(key, 9)
    # p_coords: [N,4] = [bs_idx, x, y, z]; single-batch -> bs col zeros
    x = jax.random.uniform(k1, (N, 1), minval=0.0, maxval=70.4)
    y = jax.random.uniform(k2, (N, 1), minval=-40.0, maxval=40.0)
    z = jax.random.uniform(k3, (N, 1), minval=-3.0, maxval=1.0)
    p_coords = jnp.concatenate([jnp.zeros((N, 1), jnp.float32), x, y, z], axis=1)
    p_features = jax.random.normal(k4, (N, C), dtype=jnp.float32)
    # v_indices: [M,4] = [bs, z_i, y_i, x_i]
    zi = jax.random.randint(k5, (M, 1), 0, 41)
    yi = jax.random.randint(k6, (M, 1), 0, 1600)
    xi = jax.random.randint(k7, (M, 1), 0, 1408)
    v_indices = jnp.concatenate([jnp.zeros((M, 1), jnp.int64), zi.astype(jnp.int64), yi.astype(jnp.int64), xi.astype(jnp.int64)], axis=1)
    v_features = jax.random.normal(k8, (M, C), dtype=jnp.float32)
    # v_map / v_mask emulate pv_utils.point_voxel_query_stack output
    km1, km2, kw1, kw2 = jax.random.split(k9, 4)
    v_map = jax.random.randint(km1, (M, NS), 0, N).astype(jnp.int64)
    v_mask = (jax.random.uniform(km2, (M, NS)) > 0.2).astype(jnp.float32)
    # learned params: Linear(128,128,bias=False) + BatchNorm1d(128)
    W = jax.random.normal(kw1, (C, C), dtype=jnp.float32) * 0.05
    gamma = jnp.ones((C,), jnp.float32)
    beta = jnp.zeros((C,), jnp.float32)
    return {"p_coords": p_coords, "p_features": p_features, "v_indices": v_indices,
            "v_features": v_features, "v_map": v_map, "v_mask": v_mask,
            "W": W, "gamma": gamma, "beta": beta}


def reference(p_coords, p_features, v_indices, v_features, v_map, v_mask, W, gamma, beta):
    vx, vy, vz = V_SIZE
    v_size = jnp.array(V_SIZE, jnp.float32)
    min_range = jnp.array(P_RANGE[0:3], jnp.float32)
    # get_v_coords: voxel centers [M,3] (x,y,z)
    centers = (v_indices[:, jnp.array([3, 2, 1])].astype(jnp.float32) + 0.5) * v_size + min_range
    # gather_stack (single batch): gather point features/coords per voxel
    grouped_features = jnp.take(p_features, v_map, axis=0)        # [M, NS, C]
    grouped_coords = jnp.take(p_coords[:, 1:4], v_map, axis=0)    # [M, NS, 3]
    # PosPool (kernel='xyz'), geo features computed under no_grad
    relative_coords = grouped_coords - centers[:, None, :]
    relative_dist = (relative_coords ** 2).sum(2, keepdims=True)
    normalizer = jnp.array([vx, vy, vz, vx**2 + vy**2 + vz**2], jnp.float32).reshape(1, 1, 4)
    geo = jnp.concatenate([relative_coords, relative_dist], axis=2) / normalizer
    geo = jax.lax.stop_gradient(geo)
    # proj_layer: Linear(no bias) -> BatchNorm1d (training-mode batch stats) -> ReLU
    flat = grouped_features.reshape(-1, C)
    h = flat @ W.T
    mean = h.mean(axis=0)
    var = h.var(axis=0)
    h = (h - mean) / jnp.sqrt(var + 1e-5) * gamma + beta
    h = jax.nn.relu(h)
    feats = h.reshape(M, NS, C)
    feats = feats * jnp.tile(geo, (1, 1, C // 4))
    denom = jnp.clip(v_mask.sum(1, keepdims=True), 1.0, None)
    pooled = (feats * v_mask[..., None]).sum(1) / denom   # [M, C]
    # fusion_mode='sum' with sparse voxel features
    return v_features + pooled

if __name__ == "__main__":
    import jax
    _d = setup_inputs()
    print(jax.jit(kernel)(*tuple(_d.values())))

</pallas_src>

<mosaic_0001>
#map = affine_map<(d0, d1) -> (0)>
#map1 = affine_map<(d0, d1) -> (0, 0)>
module attributes {stable_mosaic.version = 14 : i64} {
  func.func @_counts_body(%arg0: i32, %arg1: i32, %arg2: memref<589824xi32, #tpu.memory_space<hbm>>, %arg3: memref<106496x4xf32, #tpu.memory_space<hbm>>, %arg4: memref<200192xf32, #tpu.memory_space<hbm>>, %arg5: memref<106496x16xf32, #tpu.memory_space<hbm>>, %arg6: memref<8x128xi32, #tpu.memory_space<vmem>>, %arg7: memref<8x128xi32, #tpu.memory_space<vmem>>, %arg8: memref<128x4xf32, #tpu.memory_space<vmem>>, %arg9: memref<128x4xf32, #tpu.memory_space<vmem>>, %arg10: memref<128x16xf32, #tpu.memory_space<vmem>>, %arg11: memref<128x16xf32, #tpu.memory_space<vmem>>, %arg12: memref<128xf32, #tpu.memory_space<vmem>>, %arg13: memref<6256xf32, #tpu.memory_space<vmem>>, %arg14: memref<100096xf32, #tpu.memory_space<vmem_shared>>, %arg15: memref<!tpu.dma_semaphore, #tpu.memory_space<semaphore_mem>>, %arg16: memref<!tpu.dma_semaphore, #tpu.memory_space<semaphore_mem>>, %arg17: memref<!tpu.dma_semaphore, #tpu.memory_space<semaphore_mem>>, %arg18: memref<!tpu.dma_semaphore, #tpu.memory_space<semaphore_mem>>, %arg19: memref<!tpu.dma_semaphore, #tpu.memory_space<semaphore_mem>>, %arg20: memref<!tpu.dma_semaphore, #tpu.memory_space<semaphore_mem>>, %arg21: memref<!tpu.dma_semaphore, #tpu.memory_space<semaphore_mem>>, %arg22: memref<!tpu.dma_semaphore, #tpu.memory_space<semaphore_mem>>) attributes {dimension_semantics = [#tpu.dimension_semantics<core_parallel>, #tpu.dimension_semantics<subcore_parallel>], iteration_bounds = array<i64: 2, 16>, scalar_prefetch = 0 : i64, scratch_operands = 17 : i64, tpu.core_type = #tpu.core_type<sc_vector_subcore>, window_params = [{transform_indices = #map}, {transform_indices = #map1}, {transform_indices = #map}, {transform_indices = #map1}]} {
    %mul3A = arith.constant 2 : i32
    %mul3A_0 = arith.muli %arg1, %mul3A : i32
    %add3A = arith.addi %mul3A_0, %arg0 : i32
    %mul3A_1 = arith.constant 18432 : i32
    %mul3A_2 = arith.muli %add3A, %mul3A_1 : i32
    %mul3A_3 = arith.constant 3328 : i32
    %mul3A_4 = arith.muli %add3A, %mul3A_3 : i32
    %iota3A = tpu.iota {dimensions = array<i32: 0>} : vector<16xi32>
    %mul3A_5 = arith.constant 0 : i32
    %mul3A_6 = vector.broadcast %mul3A_5 : i32 to vector<16xi32>
    %mul3A_7 = arith.muli %iota3A, %mul3A_6 : vector<16xi32>
    %add3A_8 = arith.constant 1 : i32
    %add3A_9 = vector.broadcast %add3A_8 : i32 to vector<16xi32>
    %add3A_10 = arith.addi %mul3A_7, %add3A_9 : vector<16xi32>
    %mul3A_11 = arith.constant 0 : i32
    %mul3A_12 = vector.broadcast %mul3A_11 : i32 to vector<16xi32>
    %mul3A_13 = arith.muli %iota3A, %mul3A_12 : vector<16xi32>
    %add3A_14 = arith.constant 2 : i32
    %add3A_15 = vector.broadcast %add3A_14 : i32 to vector<16xi32>
    %add3A_16 = arith.addi %mul3A_13, %add3A_15 : vector<16xi32>
    %mul3A_17 = arith.constant 0 : i32
    %mul3A_18 = vector.broadcast %mul3A_17 : i32 to vector<16xi32>
    %mul3A_19 = arith.muli %iota3A, %mul3A_18 : vector<16xi32>
    %add3A_20 = arith.constant 3 : i32
    %add3A_21 = vector.broadcast %add3A_20 : i32 to vector<16xi32>
    %add3A_22 = arith.addi %mul3A_19, %add3A_21 : vector<16xi32>
    %broadcast_in_dim3A = arith.constant 1.000000e+00 : f32
    %broadcast_in_dim3A_23 = vector.broadcast %broadcast_in_dim3A : f32 to vector<16xf32>
    %swap3A = arith.constant 0 : index
    %swap3A_24 = tpu.vector_load %arg12[%swap3A] {strides = array<i32>} : memref<128xf32, #tpu.memory_space<vmem>>, vector<16xf32>,
    tpu.vector_store %arg12[%swap3A], %broadcast_in_dim3A_23 {strides = array<i32>} : memref<128xf32, #tpu.memory_space<vmem>>, vector<16xf32>,
    %swap3A_25 = arith.constant 16 : index
    %swap3A_26 = tpu.vector_load %arg12[%swap3A_25] {strides = array<i32>} : memref<128xf32, #tpu.memory_space<vmem>>, vector<16xf32>,
    tpu.vector_store %arg12[%swap3A_25], %broadcast_in_dim3A_23 {strides = array<i32>} : memref<128xf32, #tpu.memory_space<vmem>>, vector<16xf32>,
    %swap3A_27 = arith.constant 32 : index
    %swap3A_28 = tpu.vector_load %arg12[%swap3A_27] {strides = array<i32>} : memref<128xf32, #tpu.memory_space<vmem>>, vector<16xf32>,
    tpu.vector_store %arg12[%swap3A_27], %broadcast_in_dim3A_23 {strides = array<i32>} : memref<128xf32, #tpu.memory_space<vmem>>, vector<16xf32>,
    %swap3A_29 = arith.constant 48 : index
    %swap3A_30 = tpu.vector_load %arg12[%swap3A_29] {strides = array<i32>} : memref<128xf32, #tpu.memory_space<vmem>>, vector<16xf32>,
    tpu.vector_store %arg12[%swap3A_29], %broadcast_in_dim3A_23 {strides = array<i32>} : memref<128xf32, #tpu.memory_space<vmem>>, vector<16xf32>,
    %swap3A_31 = arith.constant 64 : index
    %swap3A_32 = tpu.vector_load %arg12[%swap3A_31] {strides = array<i32>} : memref<128xf32, #tpu.memory_space<vmem>>, vector<16xf32>,
    tpu.vector_store %arg12[%swap3A_31], %broadcast_in_dim3A_23 {strides = array<i32>} : memref<128xf32, #tpu.memory_space<vmem>>, vector<16xf32>,
    %swap3A_33 = arith.constant 80 : index
    %swap3A_34 = tpu.vector_load %arg12[%swap3A_33] {strides = array<i32>} : memref<128xf32, #tpu.memory_space<vmem>>, vector<16xf32>,
    tpu.vector_store %arg12[%swap3A_33], %broadcast_in_dim3A_23 {strides = array<i32>} : memref<128xf32, #tpu.memory_space<vmem>>, vector<16xf32>,
    %swap3A_35 = arith.constant 96 : index
    %swap3A_36 = tpu.vector_load %arg12[%swap3A_35] {strides = array<i32>} : memref<128xf32, #tpu.memory_space<vmem>>, vector<16xf32>,
    tpu.vector_store %arg12[%swap3A_35], %broadcast_in_dim3A_23 {strides = array<i32>} : memref<128xf32, #tpu.memory_space<vmem>>, vector<16xf32>,
    %swap3A_37 = arith.constant 112 : index
    %swap3A_38 = tpu.vector_load %arg12[%swap3A_37] {strides = array<i32>} : memref<128xf32, #tpu.memory_space<vmem>>, vector<16xf32>,
    tpu.vector_store %arg12[%swap3A_37], %broadcast_in_dim3A_23 {strides = array<i32>} : memref<128xf32, #tpu.memory_space<vmem>>, vector<16xf32>,
    %broadcast_in_dim3A_39 = arith.constant 0.000000e+00 : f32
    %broadcast_in_dim3A_40 = vector.broadcast %broadcast_in_dim3A_39 : f32 to vector<16xf32>
    %scan3A = arith.constant 0 : i32
    %scan3A_41 = arith.constant 391 : i32
    %scan3A_42 = arith.addi %scan3A, %scan3A_41 : i32
    %scan3A_43 = arith.constant 1 : i32
    scf.for %scan3A_223 = %scan3A to %scan3A_42 step %scan3A_43  : i32 {
      %mul3A_224 = arith.constant 1 : i32
      %mul3A_225 = arith.muli %scan3A_223, %mul3A_224 : i32
      %add3A_226 = arith.constant 0 : i32
      %add3A_227 = arith.addi %add3A_226, %mul3A_225 : i32
      %mul3A_228 = arith.constant 16 : i32
      %mul3A_229 = arith.muli %add3A_227, %mul3A_228 : i32
      %swap3A_230 = arith.index_cast %mul3A_229 : i32 to index
      %swap3A_231 = tpu.vector_load %arg13[%swap3A_230] {strides = array<i32>} : memref<6256xf32, #tpu.memory_space<vmem>>, vector<16xf32>,
      tpu.vector_store %arg13[%swap3A_230], %broadcast_in_dim3A_40 {strides = array<i32>} : memref<6256xf32, #tpu.memory_space<vmem>>, vector<16xf32>,
    }
    %scan3A_44 = arith.constant 391 : i32
    %mul3A_45 = arith.constant 6256 : i32
    %mul3A_46 = arith.muli %arg1, %mul3A_45 : i32
    "tpu.region"() ({
      %run_scoped3A = tpu.sem_alloc : memref<!tpu.dma_semaphore, #tpu.memory_space<semaphore_mem>>
      %dma_start3A_223 = tpu.memref_slice %arg14[%mul3A_46] : memref<100096xf32, #tpu.memory_space<vmem_shared>> -> memref<6256xf32, #tpu.memory_space<vmem_shared>>
      %dma_start3A_224 = tpu.memref_slice %arg14[%mul3A_46] : memref<100096xf32, #tpu.memory_space<vmem_shared>> -> memref<6256xf32, #tpu.memory_space<vmem_shared>>
      tpu.enqueue_dma source(%arg13 : memref<6256xf32, #tpu.memory_space<vmem>>) target(%dma_start3A_224 : memref<6256xf32, #tpu.memory_space<vmem_shared>>) target_semaphore(%run_scoped3A : memref<!tpu.dma_semaphore, #tpu.memory_space<semaphore_mem>>)
      %dma_wait3A_225 = tpu.memref_slice %arg14[%mul3A_46] : memref<100096xf32, #tpu.memory_space<vmem_shared>> -> memref<6256xf32, #tpu.memory_space<vmem_shared>>
      %dma_wait3A_226 = tpu.memref_slice %arg14[%mul3A_46] : memref<100096xf32, #tpu.memory_space<vmem_shared>> -> memref<6256xf32, #tpu.memory_space<vmem_shared>>
      tpu.wait_dma2 semaphore(%run_scoped3A : memref<!tpu.dma_semaphore, #tpu.memory_space<semaphore_mem>>) src(%arg13 : memref<6256xf32, #tpu.memory_space<vmem>>) dst(%dma_wait3A_226 : memref<6256xf32, #tpu.memory_space<vmem_shared>>)
      tpu.yield
    }) : () -> ()
    %add3A_47 = arith.constant 0 : i32
    %add3A_48 = arith.addi %mul3A_4, %add3A_47 : i32
    %dma_start3A = arith.constant 0 : i32
    %dma_start3A_49 = tpu.memref_slice %arg3[%add3A_48, %dma_start3A] : memref<106496x4xf32, #tpu.memory_space<hbm>> -> memref<128x4xf32, #tpu.memory_space<hbm>>
    %dma_start3A_50 = arith.constant 0 : i32
    %dma_start3A_51 = tpu.memref_slice %arg3[%add3A_48, %dma_start3A_50] : memref<106496x4xf32, #tpu.memory_space<hbm>> -> memref<128x4xf32, #tpu.memory_space<hbm>>
    tpu.enqueue_dma source(%dma_start3A_51 : memref<128x4xf32, #tpu.memory_space<hbm>>) target(%arg8 : memref<128x4xf32, #tpu.memory_space<vmem>>) target_semaphore(%arg19 : memref<!tpu.dma_semaphore, #tpu.memory_space<semaphore_mem>>)
    %add3A_52 = arith.constant 128 : i32
    %add3A_53 = arith.addi %mul3A_4, %add3A_52 : i32
    %dma_start3A_54 = arith.constant 0 : i32
    %dma_start3A_55 = tpu.memref_slice %arg3[%add3A_53, %dma_start3A_54] : memref<106496x4xf32, #tpu.memory_space<hbm>> -> memref<128x4xf32, #tpu.memory_space<hbm>>
    %dma_start3A_56 = arith.constant 0 : i32
    %dma_start3A_57 = tpu.memref_slice %arg3[%add3A_53, %dma_start3A_56] : memref<106496x4xf32, #tpu.memory_space<hbm>> -> memref<128x4xf32, #tpu.memory_space<hbm>>
    tpu.enqueue_dma source(%dma_start3A_57 : memref<128x4xf32, #tpu.memory_space<hbm>>) target(%arg9 : memref<128x4xf32, #tpu.memory_space<vmem>>) target_semaphore(%arg20 : memref<!tpu.dma_semaphore, #tpu.memory_space<semaphore_mem>>)
    %scan3A_58 = arith.constant 0 : i32
    %scan3A_59 = arith.constant 13 : i32
    %scan3A_60 = arith.addi %scan3A_58, %scan3A_59 : i32
    %scan3A_61 = arith.constant 1 : i32
    scf.for %scan3A_223 = %scan3A_58 to %scan3A_60 step %scan3A_61  : i32 {
      %mul3A_224 = arith.constant 1 : i32
      %mul3A_225 = arith.muli %scan3A_223, %mul3A_224 : i32
      %add3A_226 = arith.constant 0 : i32
      %add3A_227 = arith.addi %add3A_226, %mul3A_225 : i32
      %mul3A_228 = arith.constant 2 : i32
      %mul3A_229 = arith.muli %mul3A_228, %add3A_227 : i32
      %add3A_230 = arith.constant 0 : i32
      %add3A_231 = arith.addi %mul3A_229, %add3A_230 : i32
      %dma_wait3A_232 = arith.constant 0 : i32
      %dma_wait3A_233 = arith.constant 0 : i32
      %dma_wait3A_234 = tpu.memref_slice %arg3[%dma_wait3A_232, %dma_wait3A_233] : memref<106496x4xf32, #tpu.memory_space<hbm>> -> memref<128x4xf32, #tpu.memory_space<hbm>>
      %dma_wait3A_235 = arith.constant 0 : i32
      %dma_wait3A_236 = arith.constant 0 : i32
      %dma_wait3A_237 = tpu.memref_slice %arg3[%dma_wait3A_235, %dma_wait3A_236] : memref<106496x4xf32, #tpu.memory_space<hbm>> -> memref<128x4xf32, #tpu.memory_space<hbm>>
      tpu.wait_dma2 semaphore(%arg19 : memref<!tpu.dma_semaphore, #tpu.memory_space<semaphore_mem>>) src(%dma_wait3A_237 : memref<128x4xf32, #tpu.memory_space<hbm>>) dst(%arg8 : memref<128x4xf32, #tpu.memory_space<vmem>>)
      %ge3A = arith.constant 2 : i32
      %ge3A_238 = arith.cmpi sge, %add3A_231, %ge3A : i32
      %convert_element_type3A = arith.extui %ge3A_238 : i1 to i32
      %cond3A = arith.constant 0 : i32
      %cond3A_239 = arith.cmpi ne, %convert_element_type3A, %cond3A : i32
      scf.if %cond3A_239 {
        %dma_wait3A_569 = arith.constant 0 : i32
        %dma_wait3A_570 = arith.constant 0 : i32
        %dma_wait3A_571 = tpu.memref_slice %arg5[%dma_wait3A_569, %dma_wait3A_570] : memref<106496x16xf32, #tpu.memory_space<hbm>> -> memref<128x16xf32, #tpu.memory_space<hbm>>
        %dma_wait3A_572 = arith.constant 0 : i32
        %dma_wait3A_573 = arith.constant 0 : i32
        %dma_wait3A_574 = tpu.memref_slice %arg5[%dma_wait3A_572, %dma_wait3A_573] : memref<106496x16xf32, #tpu.memory_space<hbm>> -> memref<128x16xf32, #tpu.memory_space<hbm>>
        tpu.wait_dma2 semaphore(%arg21 : memref<!tpu.dma_semaphore, #tpu.memory_space<semaphore_mem>>) src(%arg10 : memref<128x16xf32, #tpu.memory_space<vmem>>) dst(%dma_wait3A_574 : memref<128x16xf32, #tpu.memory_space<hbm>>)
      } else {
      }
      %add3A_240 = arith.constant 0 : i32
      %add3A_241 = vector.broadcast %add3A_240 : i32 to vector<16xi32>
      %add3A_242 = arith.addi %add3A_241, %iota3A : vector<16xi32>
      %gather3A = tpu.vector_load_idx %arg8[%add3A_242, %add3A_10] : memref<128x4xf32, #tpu.memory_space<vmem>>[vector<16xi32>, vector<16xi32>], vector<16xf32>,
      %gather3A_243 = tpu.vector_load_idx %arg8[%add3A_242, %add3A_16] : memref<128x4xf32, #tpu.memory_space<vmem>>[vector<16xi32>, vector<16xi32>], vector<16xf32>,
      %gather3A_244 = tpu.vector_load_idx %arg8[%add3A_242, %add3A_22] : memref<128x4xf32, #tpu.memory_space<vmem>>[vector<16xi32>, vector<16xi32>], vector<16xf32>,
      %mul3A_245 = arith.constant 0 : i32
      %mul3A_246 = vector.broadcast %mul3A_245 : i32 to vector<16xi32>
      %mul3A_247 = arith.muli %add3A_10, %mul3A_246 : vector<16xi32>
      %mul3A_248 = arith.constant 1.000000e+01 : f32
      %mul3A_249 = vector.broadcast %mul3A_248 : f32 to vector<16xf32>
      %mul3A_250 = arith.mulf %gather3A, %mul3A_249 : vector<16xf32>
      tpu.vector_store_idx %arg10[%add3A_242, %mul3A_247], %mul3A_250 : memref<128x16xf32, #tpu.memory_space<vmem>>[vector<16xi32>, vector<16xi32>], vector<16xf32>,
      %mul3A_251 = arith.constant 1.000000e+01 : f32
      %mul3A_252 = vector.broadcast %mul3A_251 : f32 to vector<16xf32>
      %mul3A_253 = arith.mulf %gather3A_243, %mul3A_252 : vector<16xf32>
      tpu.vector_store_idx %arg10[%add3A_242, %add3A_10], %mul3A_253 : memref<128x16xf32, #tpu.memory_space<vmem>>[vector<16xi32>, vector<16xi32>], vector<16xf32>,
      %mul3A_254 = arith.constant 6.66666651 : f32
      %mul3A_255 = vector.broadcast %mul3A_254 : f32 to vector<16xf32>
      %mul3A_256 = arith.mulf %gather3A_244, %mul3A_255 : vector<16xf32>
      tpu.vector_store_idx %arg10[%add3A_242, %add3A_16], %mul3A_256 : memref<128x16xf32, #tpu.memory_space<vmem>>[vector<16xi32>, vector<16xi32>], vector<16xf32>,
      %add3A_257 = arith.constant 16 : i32
      %add3A_258 = vector.broadcast %add3A_257 : i32 to vector<16xi32>
      %add3A_259 = arith.addi %add3A_258, %iota3A : vector<16xi32>
      %gather3A_260 = tpu.vector_load_idx %arg8[%add3A_259, %add3A_10] : memref<128x4xf32, #tpu.memory_space<vmem>>[vector<16xi32>, vector<16xi32>], vector<16xf32>,
      %gather3A_261 = tpu.vector_load_idx %arg8[%add3A_259, %add3A_16] : memref<128x4xf32, #tpu.memory_space<vmem>>[vector<16xi32>, vector<16xi32>], vector<16xf32>,
      %gather3A_262 = tpu.vector_load_idx %arg8[%add3A_259, %add3A_22] : memref<128x4xf32, #tpu.memory_space<vmem>>[vector<16xi32>, vector<16xi32>], vector<16xf32>,
      %mul3A_263 = arith.constant 0 : i32
      %mul3A_264 = vector.broadcast %mul3A_263 : i32 to vector<16xi32>
      %mul3A_265 = arith.muli %add3A_10, %mul3A_264 : vector<16xi32>
      %mul3A_266 = arith.constant 1.000000e+01 : f32
      %mul3A_267 = vector.broadcast %mul3A_266 : f32 to vector<16xf32>
      %mul3A_268 = arith.mulf %gather3A_260, %mul3A_267 : vector<16xf32>
      tpu.vector_store_idx %arg10[%add3A_259, %mul3A_265], %mul3A_268 : memref<128x16xf32, #tpu.memory_space<vmem>>[vector<16xi32>, vector<16xi32>], vector<16xf32>,
      %mul3A_269 = arith.constant 1.000000e+01 : f32
      %mul3A_270 = vector.broadcast %mul3A_269 : f32 to vector<16xf32>
      %mul3A_271 = arith.mulf %gather3A_261, %mul3A_270 : vector<16xf32>
      tpu.vector_store_idx %arg10[%add3A_259, %add3A_10], %mul3A_271 : memref<128x16xf32, #tpu.memory_space<vmem>>[vector<16xi32>, vector<16xi32>], vector<16xf32>,
      %mul3A_272 = arith.constant 6.66666651 : f32
      %mul3A_273 = vector.broadcast %mul3A_272 : f32 to vector<16xf32>
      %mul3A_274 = arith.mulf %gather3A_262, %mul3A_273 : vector<16xf32>
      tpu.vector_store_idx %arg10[%add3A_259, %add3A_16], %mul3A_274 : memref<128x16xf32, #tpu.memory_space<vmem>>[vector<16xi32>, vector<16xi32>], vector<16xf32>,
      %add3A_275 = arith.constant 32 : i32
      %add3A_276 = vector.broadcast %add3A_275 : i32 to vector<16xi32>
      %add3A_277 = arith.addi %add3A_276, %iota3A : vector<16xi32>
      %gather3A_278 = tpu.vector_load_idx %arg8[%add3A_277, %add3A_10] : memref<128x4xf32, #tpu.memory_space<vmem>>[vector<16xi32>, vector<16xi32>], vector<16xf32>,
      %gather3A_279 = tpu.vector_load_idx %arg8[%add3A_277, %add3A_16] : memref<128x4xf32, #tpu.memory_space<vmem>>[vector<16xi32>, vector<16xi32>], vector<16xf32>,
      %gather3A_280 = tpu.vector_load_idx %arg8[%add3A_277, %add3A_22] : memref<128x4xf32, #tpu.memory_space<vmem>>[vector<16xi32>, vector<16xi32>], vector<16xf32>,
      %mul3A_281 = arith.constant 0 : i32
      %mul3A_282 = vector.broadcast %mul3A_281 : i32 to vector<16xi32>
      %mul3A_283 = arith.muli %add3A_10, %mul3A_282 : vector<16xi32>
      %mul3A_284 = arith.constant 1.000000e+01 : f32
      %mul3A_285 = vector.broadcast %mul3A_284 : f32 to vector<16xf32>
      %mul3A_286 = arith.mulf %gather3A_278, %mul3A_285 : vector<16xf32>
      tpu.vector_store_idx %arg10[%add3A_277, %mul3A_283], %mul3A_286 : memref<128x16xf32, #tpu.memory_space<vmem>>[vector<16xi32>, vector<16xi32>], vector<16xf32>,
      %mul3A_287 = arith.constant 1.000000e+01 : f32
      %mul3A_288 = vector.broadcast %mul3A_287 : f32 to vector<16xf32>
      %mul3A_289 = arith.mulf %gather3A_279, %mul3A_288 : vector<16xf32>
      tpu.vector_store_idx %arg10[%add3A_277, %add3A_10], %mul3A_289 : memref<128x16xf32, #tpu.memory_space<vmem>>[vector<16xi32>, vector<16xi32>], vector<16xf32>,
      %mul3A_290 = arith.constant 6.66666651 : f32
      %mul3A_291 = vector.broadcast %mul3A_290 : f32 to vector<16xf32>
      %mul3A_292 = arith.mulf %gather3A_280, %mul3A_291 : vector<16xf32>
      tpu.vector_store_idx %arg10[%add3A_277, %add3A_16], %mul3A_292 : memref<128x16xf32, #tpu.memory_space<vmem>>[vector<16xi32>, vector<16xi32>], vector<16xf32>,
      %add3A_293 = arith.constant 48 : i32
      %add3A_294 = vector.broadcast %add3A_293 : i32 to vector<16xi32>
      %add3A_295 = arith.addi %add3A_294, %iota3A : vector<16xi32>
      %gather3A_296 = tpu.vector_load_idx %arg8[%add3A_295, %add3A_10] : memref<128x4xf32, #tpu.memory_space<vmem>>[vector<16xi32>, vector<16xi32>], vector<16xf32>,
      %gather3A_297 = tpu.vector_load_idx %arg8[%add3A_295, %add3A_16] : memref<128x4xf32, #tpu.memory_space<vmem>>[vector<16xi32>, vector<16xi32>], vector<16xf32>,
      %gather3A_298 = tpu.vector_load_idx %arg8[%add3A_295, %add3A_22] : memref<128x4xf32, #tpu.memory_space<vmem>>[vector<16xi32>, vector<16xi32>], vector<16xf32>,
      %mul3A_299 = arith.constant 0 : i32
      %mul3A_300 = vector.broadcast %mul3A_299 : i32 to vector<16xi32>
      %mul3A_301 = arith.muli %add3A_10, %mul3A_300 : vector<16xi32>
      %mul3A_302 = arith.constant 1.000000e+01 : f32
      %mul3A_303 = vector.broadcast %mul3A_302 : f32 to vector<16xf32>
      %mul3A_304 = arith.mulf %gather3A_296, %mul3A_303 : vector<16xf32>
      tpu.vector_store_idx %arg10[%add3A_295, %mul3A_301], %mul3A_304 : memref<128x16xf32, #tpu.memory_space<vmem>>[vector<16xi32>, vector<16xi32>], vector<16xf32>,
      %mul3A_305 = arith.constant 1.000000e+01 : f32
      %mul3A_306 = vector.broadcast %mul3A_305 : f32 to vector<16xf32>
      %mul3A_307 = arith.mulf %gather3A_297, %mul3A_306 : vector<16xf32>
      tpu.vector_store_idx %arg10[%add3A_295, %add3A_10], %mul3A_307 : memref<128x16xf32, #tpu.memory_space<vmem>>[vector<16xi32>, vector<16xi32>], vector<16xf32>,
      %mul3A_308 = arith.constant 6.66666651 : f32
      %mul3A_309 = vector.broadcast %mul3A_308 : f32 to vector<16xf32>
      %mul3A_310 = arith.mulf %gather3A_298, %mul3A_309 : vector<16xf32>
      tpu.vector_store_idx %arg10[%add3A_295, %add3A_16], %mul3A_310 : memref<128x16xf32, #tpu.memory_space<vmem>>[vector<16xi32>, vector<16xi32>], vector<16xf32>,
      %add3A_311 = arith.constant 64 : i32
      %add3A_312 = vector.broadcast %add3A_311 : i32 to vector<16xi32>
      %add3A_313 = arith.addi %add3A_312, %iota3A : vector<16xi32>
      %gather3A_314 = tpu.vector_load_idx %arg8[%add3A_313, %add3A_10] : memref<128x4xf32, #tpu.memory_space<vmem>>[vector<16xi32>, vector<16xi32>], vector<16xf32>,
      %gather3A_315 = tpu.vector_load_idx %arg8[%add3A_313, %add3A_16] : memref<128x4xf32, #tpu.memory_space<vmem>>[vector<16xi32>, vector<16xi32>], vector<16xf32>,
      %gather3A_316 = tpu.vector_load_idx %arg8[%add3A_313, %add3A_22] : memref<128x4xf32, #tpu.memory_space<vmem>>[vector<16xi32>, vector<16xi32>], vector<16xf32>,
      %mul3A_317 = arith.constant 0 : i32
      %mul3A_318 = vector.broadcast %mul3A_317 : i32 to vector<16xi32>
      %mul3A_319 = arith.muli %add3A_10, %mul3A_318 : vector<16xi32>
      %mul3A_320 = arith.constant 1.000000e+01 : f32
      %mul3A_321 = vector.broadcast %mul3A_320 : f32 to vector<16xf32>
      %mul3A_322 = arith.mulf %gather3A_314, %mul3A_321 : vector<16xf32>
      tpu.vector_store_idx %arg10[%add3A_313, %mul3A_319], %mul3A_322 : memref<128x16xf32, #tpu.memory_space<vmem>>[vector<16xi32>, vector<16xi32>], vector<16xf32>,
      %mul3A_323 = arith.constant 1.000000e+01 : f32
      %mul3A_324 = vector.broadcast %mul3A_323 : f32 to vector<16xf32>
      %mul3A_325 = arith.mulf %gather3A_315, %mul3A_324 : vector<16xf32>
      tpu.vector_store_idx %arg10[%add3A_313, %add3A_10], %mul3A_325 : memref<128x16xf32, #tpu.memory_space<vmem>>[vector<16xi32>, vector<16xi32>], vector<16xf32>,
      %mul3A_326 = arith.constant 6.66666651 : f32
      %mul3A_327 = vector.broadcast %mul3A_326 : f32 to vector<16xf32>
      %mul3A_328 = arith.mulf %gather3A_316, %mul3A_327 : vector<16xf32>
      tpu.vector_store_idx %arg10[%add3A_313, %add3A_16], %mul3A_328 : memref<128x16xf32, #tpu.memory_space<vmem>>[vector<16xi32>, vector<16xi32>], vector<16xf32>,
      %add3A_329 = arith.constant 80 : i32
      %add3A_330 = vector.broadcast %add3A_329 : i32 to vector<16xi32>
      %add3A_331 = arith.addi %add3A_330, %iota3A : vector<16xi32>
      %gather3A_332 = tpu.vector_load_idx %arg8[%add3A_331, %add3A_10] : memref<128x4xf32, #tpu.memory_space<vmem>>[vector<16xi32>, vector<16xi32>], vector<16xf32>,
      %gather3A_333 = tpu.vector_load_idx %arg8[%add3A_331, %add3A_16] : memref<128x4xf32, #tpu.memory_space<vmem>>[vector<16xi32>, vector<16xi32>], vector<16xf32>,
      %gather3A_334 = tpu.vector_load_idx %arg8[%add3A_331, %add3A_22] : memref<128x4xf32, #tpu.memory_space<vmem>>[vector<16xi32>, vector<16xi32>], vector<16xf32>,
      %mul3A_335 = arith.constant 0 : i32
      %mul3A_336 = vector.broadcast %mul3A_335 : i32 to vector<16xi32>
      %mul3A_337 = arith.muli %add3A_10, %mul3A_336 : vector<16xi32>
      %mul3A_338 = arith.constant 1.000000e+01 : f32
      %mul3A_339 = vector.broadcast %mul3A_338 : f32 to vector<16xf32>
      %mul3A_340 = arith.mulf %gather3A_332, %mul3A_339 : vector<16xf32>
      tpu.vector_store_idx %arg10[%add3A_331, %mul3A_337], %mul3A_340 : memref<128x16xf32, #tpu.memory_space<vmem>>[vector<16xi32>, vector<16xi32>], vector<16xf32>,
      %mul3A_341 = arith.constant 1.000000e+01 : f32
      %mul3A_342 = vector.broadcast %mul3A_341 : f32 to vector<16xf32>
      %mul3A_343 = arith.mulf %gather3A_333, %mul3A_342 : vector<16xf32>
      tpu.vector_store_idx %arg10[%add3A_331, %add3A_10], %mul3A_343 : memref<128x16xf32, #tpu.memory_space<vmem>>[vector<16xi32>, vector<16xi32>], vector<16xf32>,
      %mul3A_344 = arith.constant 6.66666651 : f32
      %mul3A_345 = vector.broadcast %mul3A_344 : f32 to vector<16xf32>
      %mul3A_346 = arith.mulf %gather3A_334, %mul3A_345 : vector<16xf32>
      tpu.vector_store_idx %arg10[%add3A_331, %add3A_16], %mul3A_346 : memref<128x16xf32, #tpu.memory_space<vmem>>[vector<16xi32>, vector<16xi32>], vector<16xf32>,
      %add3A_347 = arith.constant 96 : i32
      %add3A_348 = vector.broadcast %add3A_347 : i32 to vector<16xi32>
      %add3A_349 = arith.addi %add3A_348, %iota3A : vector<16xi32>
      %gather3A_350 = tpu.vector_load_idx %arg8[%add3A_349, %add3A_10] : memref<128x4xf32, #tpu.memory_space<vmem>>[vector<16xi32>, vector<16xi32>], vector<16xf32>,
      %gather3A_351 = tpu.vector_load_idx %arg8[%add3A_349, %add3A_16] : memref<128x4xf32, #tpu.memory_space<vmem>>[vector<16xi32>, vector<16xi32>], vector<16xf32>,
      %gather3A_352 = tpu.vector_load_idx %arg8[%add3A_349, %add3A_22] : memref<128x4xf32, #tpu.memory_space<vmem>>[vector<16xi32>, vector<16xi32>], vector<16xf32>,
      %mul3A_353 = arith.constant 0 : i32
      %mul3A_354 = vector.broadcast %mul3A_353 : i32 to vector<16xi32>
      %mul3A_355 = arith.muli %add3A_10, %mul3A_354 : vector<16xi32>
      %mul3A_356 = arith.constant 1.000000e+01 : f32
      %mul3A_357 = vector.broadcast %mul3A_356 : f32 to vector<16xf32>
      %mul3A_358 = arith.mulf %gather3A_350, %mul3A_357 : vector<16xf32>
      tpu.vector_store_idx %arg10[%add3A_349, %mul3A_355], %mul3A_358 : memref<128x16xf32, #tpu.memory_space<vmem>>[vector<16xi32>, vector<16xi32>], vector<16xf32>,
      %mul3A_359 = arith.constant 1.000000e+01 : f32
      %mul3A_360 = vector.broadcast %mul3A_359 : f32 to vector<16xf32>
      %mul3A_361 = arith.mulf %gather3A_351, %mul3A_360 : vector<16xf32>
      tpu.vector_store_idx %arg10[%add3A_349, %add3A_10], %mul3A_361 : memref<128x16xf32, #tpu.memory_space<vmem>>[vector<16xi32>, vector<16xi32>], vector<16xf32>,
      %mul3A_362 = arith.constant 6.66666651 : f32
      %mul3A_363 = vector.broadcast %mul3A_362 : f32 to vector<16xf32>
      %mul3A_364 = arith.mulf %gather3A_352, %mul3A_363 : vector<16xf32>
      tpu.vector_store_idx %arg10[%add3A_349, %add3A_16], %mul3A_364 : memref<128x16xf32, #tpu.memory_space<vmem>>[vector<16xi32>, vector<16xi32>], vector<16xf32>,
      %add3A_365 = arith.constant 112 : i32
      %add3A_366 = vector.broadcast %add3A_365 : i32 to vector<16xi32>
      %add3A_367 = arith.addi %add3A_366, %iota3A : vector<16xi32>
      %gather3A_368 = tpu.vector_load_idx %arg8[%add3A_367, %add3A_10] : memref<128x4xf32, #tpu.memory_space<vmem>>[vector<16xi32>, vector<16xi32>], vector<16xf32>,
      %gather3A_369 = tpu.vector_load_idx %arg8[%add3A_367, %add3A_16] : memref<128x4xf32, #tpu.memory_space<vmem>>[vector<16xi32>, vector<16xi32>], vector<16xf32>,
      %gather3A_370 = tpu.vector_load_idx %arg8[%add3A_367, %add3A_22] : memref<128x4xf32, #tpu.memory_space<vmem>>[vector<16xi32>, vector<16xi32>], vector<16xf32>,
      %mul3A_371 = arith.constant 0 : i32
      %mul3A_372 = vector.broadcast %mul3A_371 : i32 to vector<16xi32>
      %mul3A_373 = arith.muli %add3A_10, %mul3A_372 : vector<16xi32>
      %mul3A_374 = arith.constant 1.000000e+01 : f32
      %mul3A_375 = vector.broadcast %mul3A_374 : f32 to vector<16xf32>
      %mul3A_376 = arith.mulf %gather3A_368, %mul3A_375 : vector<16xf32>
      tpu.vector_store_idx %arg10[%add3A_367, %mul3A_373], %mul3A_376 : memref<128x16xf32, #tpu.memory_space<vmem>>[vector<16xi32>, vector<16xi32>], vector<16xf32>,
      %mul3A_377 = arith.constant 1.000000e+01 : f32
      %mul3A_378 = vector.broadcast %mul3A_377 : f32 to vector<16xf32>
      %mul3A_379 = arith.mulf %gather3A_369, %mul3A_378 : vector<16xf32>
      tpu.vector_store_idx %arg10[%add3A_367, %add3A_10], %mul3A_379 : memref<128x16xf32, #tpu.memory_space<vmem>>[vector<16xi32>, vector<16xi32>], vector<16xf32>,
      %mul3A_380 = arith.constant 6.66666651 : f32
      %mul3A_381 = vector.broadcast %mul3A_380 : f32 to vector<16xf32>
      %mul3A_382 = arith.mulf %gather3A_370, %mul3A_381 : vector<16xf32>
      tpu.vector_store_idx %arg10[%add3A_367, %add3A_16], %mul3A_382 : memref<128x16xf32, #tpu.memory_space<vmem>>[vector<16xi32>, vector<16xi32>], vector<16xf32>,
      %mul3A_383 = arith.constant 128 : i32
      %mul3A_384 = arith.muli %add3A_231, %mul3A_383 : i32
      %add3A_385 = arith.addi %mul3A_4, %mul3A_384 : i32
      %dma_start3A_386 = arith.constant 0 : i32
      %dma_start3A_387 = tpu.memref_slice %arg5[%add3A_385, %dma_start3A_386] : memref<106496x16xf32, #tpu.memory_space<hbm>> -> memref<128x16xf32, #tpu.memory_space<hbm>>
      %dma_start3A_388 = arith.constant 0 : i32
      %dma_start3A_389 = tpu.memref_slice %arg5[%add3A_385, %dma_start3A_388] : memref<106496x16xf32, #tpu.memory_space<hbm>> -> memref<128x16xf32, #tpu.memory_space<hbm>>
      tpu.enqueue_dma source(%arg10 : memref<128x16xf32, #tpu.memory_space<vmem>>) target(%dma_start3A_389 : memref<128x16xf32, #tpu.memory_space<hbm>>) target_semaphore(%arg21 : memref<!tpu.dma_semaphore, #tpu.memory_space<semaphore_mem>>)
      %add3A_390 = arith.constant 2 : i32
      %add3A_391 = arith.addi %add3A_231, %add3A_390 : i32
      %lt3A = arith.constant 26 : i32
      %lt3A_392 = arith.cmpi slt, %add3A_391, %lt3A : i32
      %convert_element_type3A_393 = arith.extui %lt3A_392 : i1 to i32
      %cond3A_394 = arith.constant 0 : i32
      %cond3A_395 = arith.cmpi ne, %convert_element_type3A_393, %cond3A_394 : i32
      scf.if %cond3A_395 {
        %add3A_569 = arith.constant 2 : i32
        %add3A_570 = arith.addi %add3A_231, %add3A_569 : i32
        %mul3A_571 = arith.constant 128 : i32
        %mul3A_572 = arith.muli %add3A_570, %mul3A_571 : i32
        %add3A_573 = arith.addi %mul3A_4, %mul3A_572 : i32
        %dma_start3A_574 = arith.constant 0 : i32
        %dma_start3A_575 = tpu.memref_slice %arg3[%add3A_573, %dma_start3A_574] : memref<106496x4xf32, #tpu.memory_space<hbm>> -> memref<128x4xf32, #tpu.memory_space<hbm>>
        %dma_start3A_576 = arith.constant 0 : i32
        %dma_start3A_577 = tpu.memref_slice %arg3[%add3A_573, %dma_start3A_576] : memref<106496x4xf32, #tpu.memory_space<hbm>> -> memref<128x4xf32, #tpu.memory_space<hbm>>
        tpu.enqueue_dma source(%dma_start3A_577 : memref<128x4xf32, #tpu.memory_space<hbm>>) target(%arg8 : memref<128x4xf32, #tpu.memory_space<vmem>>) target_semaphore(%arg19 : memref<!tpu.dma_semaphore, #tpu.memory_space<semaphore_mem>>)
      } else {
      }
      %mul3A_396 = arith.constant 2 : i32
      %mul3A_397 = arith.muli %mul3A_396, %add3A_227 : i32
      %add3A_398 = arith.constant 1 : i32
      %add3A_399 = arith.addi %mul3A_397, %add3A_398 : i32
      %dma_wait3A_400 = arith.constant 0 : i32
      %dma_wait3A_401 = arith.constant 0 : i32
      %dma_wait3A_402 = tpu.memref_slice %arg3[%dma_wait3A_400, %dma_wait3A_401] : memref<106496x4xf32, #tpu.memory_space<hbm>> -> memref<128x4xf32, #tpu.memory_space<hbm>>
      %dma_wait3A_403 = arith.constant 0 : i32
      %dma_wait3A_404 = arith.constant 0 : i32
      %dma_wait3A_405 = tpu.memref_slice %arg3[%dma_wait3A_403, %dma_wait3A_404] : memref<106496x4xf32, #tpu.memory_space<hbm>> -> memref<128x4xf32, #tpu.memory_space<hbm>>
      tpu.wait_dma2 semaphore(%arg20 : memref<!tpu.dma_semaphore, #tpu.memory_space<semaphore_mem>>) src(%dma_wait3A_405 : memref<128x4xf32, #tpu.memory_space<hbm>>) dst(%arg9 : memref<128x4xf32, #tpu.memory_space<vmem>>)
      %ge3A_406 = arith.constant 2 : i32
      %ge3A_407 = arith.cmpi sge, %add3A_399, %ge3A_406 : i32
      %convert_element_type3A_408 = arith.extui %ge3A_407 : i1 to i32
      %cond3A_409 = arith.constant 0 : i32
      %cond3A_410 = arith.cmpi ne, %convert_element_type3A_408, %cond3A_409 : i32
      scf.if %cond3A_410 {
        %dma_wait3A_569 = arith.constant 0 : i32
        %dma_wait3A_570 = arith.constant 0 : i32
        %dma_wait3A_571 = tpu.memref_slice %arg5[%dma_wait3A_569, %dma_wait3A_570] : memref<106496x16xf32, #tpu.memory_space<hbm>> -> memref<128x16xf32, #tpu.memory_space<hbm>>
        %dma_wait3A_572 = arith.constant 0 : i32
        %dma_wait3A_573 = arith.constant 0 : i32
        %dma_wait3A_574 = tpu.memref_slice %arg5[%dma_wait3A_572, %dma_wait3A_573] : memref<106496x16xf32, #tpu.memory_space<hbm>> -> memref<128x16xf32, #tpu.memory_space<hbm>>
        tpu.wait_dma2 semaphore(%arg22 : memref<!tpu.dma_semaphore, #tpu.memory_space<semaphore_mem>>) src(%arg11 : memref<128x16xf32, #tpu.memory_space<vmem>>) dst(%dma_wait3A_574 : memref<128x16xf32, #tpu.memory_space<hbm>>)
      } else {
      }
      %add3A_411 = arith.constant 0 : i32
      %add3A_412 = vector.broadcast %add3A_411 : i32 to vector<16xi32>
      %add3A_413 = arith.addi %add3A_412, %iota3A : vector<16xi32>
      %gather3A_414 = tpu.vector_load_idx %arg9[%add3A_413, %add3A_10] : memref<128x4xf32, #tpu.memory_space<vmem>>[vector<16xi32>, vector<16xi32>], vector<16xf32>,
      %gather3A_415 = tpu.vector_load_idx %arg9[%add3A_413, %add3A_16] : memref<128x4xf32, #tpu.memory_space<vmem>>[vector<16xi32>, vector<16xi32>], vector<16xf32>,
      %gather3A_416 = tpu.vector_load_idx %arg9[%add3A_413, %add3A_22] : memref<128x4xf32, #tpu.memory_space<vmem>>[vector<16xi32>, vector<16xi32>], vector<16xf32>,
      %mul3A_417 = arith.constant 0 : i32
      %mul3A_418 = vector.broadcast %mul3A_417 : i32 to vector<16xi32>
      %mul3A_419 = arith.muli %add3A_10, %mul3A_418 : vector<16xi32>
      %mul3A_420 = arith.constant 1.000000e+01 : f32
      %mul3A_421 = vector.broadcast %mul3A_420 : f32 to vector<16xf32>
      %mul3A_422 = arith.mulf %gather3A_414, %mul3A_421 : vector<16xf32>
      tpu.vector_store_idx %arg11[%add3A_413, %mul3A_419], %mul3A_422 : memref<128x16xf32, #tpu.memory_space<vmem>>[vector<16xi32>, vector<16xi32>], vector<16xf32>,
      %mul3A_423 = arith.constant 1.000000e+01 : f32
      %mul3A_424 = vector.broadcast %mul3A_423 : f32 to vector<16xf32>
      %mul3A_425 = arith.mulf %gather3A_415, %mul3A_424 : vector<16xf32>
      tpu.vector_store_idx %arg11[%add3A_413, %add3A_10], %mul3A_425 : memref<128x16xf32, #tpu.memory_space<vmem>>[vector<16xi32>, vector<16xi32>], vector<16xf32>,
      %mul3A_426 = arith.constant 6.66666651 : f32
      %mul3A_427 = vector.broadcast %mul3A_426 : f32 to vector<16xf32>
      %mul3A_428 = arith.mulf %gather3A_416, %mul3A_427 : vector<16xf32>
      tpu.vector_store_idx %arg11[%add3A_413, %add3A_16], %mul3A_428 : memref<128x16xf32, #tpu.memory_space<vmem>>[vector<16xi32>, vector<16xi32>], vector<16xf32>,
      %add3A_429 = arith.constant 16 : i32
      %add3A_430 = vector.broadcast %add3A_429 : i32 to vector<16xi32>
      %add3A_431 = arith.addi %add3A_430, %iota3A : vector<16xi32>
      %gather3A_432 = tpu.vector_load_idx %arg9[%add3A_431, %add3A_10] : memref<128x4xf32, #tpu.memory_space<vmem>>[vector<16xi32>, vector<16xi32>], vector<16xf32>,
      %gather3A_433 = tpu.vector_load_idx %arg9[%add3A_431, %add3A_16] : memref<128x4xf32, #tpu.memory_space<vmem>>[vector<16xi32>, vector<16xi32>], vector<16xf32>,
      %gather3A_434 = tpu.vector_load_idx %arg9[%add3A_431, %add3A_22] : memref<128x4xf32, #tpu.memory_space<vmem>>[vector<16xi32>, vector<16xi32>], vector<16xf32>,
      %mul3A_435 = arith.constant 0 : i32
      %mul3A_436 = vector.broadcast %mul3A_435 : i32 to vector<16xi32>
      %mul3A_437 = arith.muli %add3A_10, %mul3A_436 : vector<16xi32>
      %mul3A_438 = arith.constant 1.000000e+01 : f32
      %mul3A_439 = vector.broadcast %mul3A_438 : f32 to vector<16xf32>
      %mul3A_440 = arith.mulf %gather3A_432, %mul3A_439 : vector<16xf32>
      tpu.vector_store_idx %arg11[%add3A_431, %mul3A_437], %mul3A_440 : memref<128x16xf32, #tpu.memory_space<vmem>>[vector<16xi32>, vector<16xi32>], vector<16xf32>,
      %mul3A_441 = arith.constant 1.000000e+01 : f32
      %mul3A_442 = vector.broadcast %mul3A_441 : f32 to vector<16xf32>
      %mul3A_443 = arith.mulf %gather3A_433, %mul3A_442 : vector<16xf32>
      tpu.vector_store_idx %arg11[%add3A_431, %add3A_10], %mul3A_443 : memref<128x16xf32, #tpu.memory_space<vmem>>[vector<16xi32>, vector<16xi32>], vector<16xf32>,
      %mul3A_444 = arith.constant 6.66666651 : f32
      %mul3A_445 = vector.broadcast %mul3A_444 : f32 to vector<16xf32>
      %mul3A_446 = arith.mulf %gather3A_434, %mul3A_445 : vector<16xf32>
      tpu.vector_store_idx %arg11[%add3A_431, %add3A_16], %mul3A_446 : memref<128x16xf32, #tpu.memory_space<vmem>>[vector<16xi32>, vector<16xi32>], vector<16xf32>,
      %add3A_447 = arith.constant 32 : i32
      %add3A_448 = vector.broadcast %add3A_447 : i32 to vector<16xi32>
      %add3A_449 = arith.addi %add3A_448, %iota3A : vector<16xi32>
      %gather3A_450 = tpu.vector_load_idx %arg9[%add3A_449, %add3A_10] : memref<128x4xf32, #tpu.memory_space<vmem>>[vector<16xi32>, vector<16xi32>], vector<16xf32>,
      %gather3A_451 = tpu.vector_load_idx %arg9[%add3A_449, %add3A_16] : memref<128x4xf32, #tpu.memory_space<vmem>>[vector<16xi32>, vector<16xi32>], vector<16xf32>,
      %gather3A_452 = tpu.vector_load_idx %arg9[%add3A_449, %add3A_22] : memref<128x4xf32, #tpu.memory_space<vmem>>[vector<16xi32>, vector<16xi32>], vector<16xf32>,
      %mul3A_453 = arith.constant 0 : i32
      %mul3A_454 = vector.broadcast %mul3A_453 : i32 to vector<16xi32>
      %mul3A_455 = arith.muli %add3A_10, %mul3A_454 : vector<16xi32>
      %mul3A_456 = arith.constant 1.000000e+01 : f32
      %mul3A_457 = vector.broadcast %mul3A_456 : f32 to vector<16xf32>
      %mul3A_458 = arith.mulf %gather3A_450, %mul3A_457 : vector<16xf32>
      tpu.vector_store_idx %arg11[%add3A_449, %mul3A_455], %mul3A_458 : memref<128x16xf32, #tpu.memory_space<vmem>>[vector<16xi32>, vector<16xi32>], vector<16xf32>,
      %mul3A_459 = arith.constant 1.000000e+01 : f32
      %mul3A_460 = vector.broadcast %mul3A_459 : f32 to vector<16xf32>
      %mul3A_461 = arith.mulf %gather3A_451, %mul3A_460 : vector<16xf32>
      tpu.vector_store_idx %arg11[%add3A_449, %add3A_10], %mul3A_461 : memref<128x16xf32, #tpu.memory_space<vmem>>[vector<16xi32>, vector<16xi32>], vector<16xf32>,
      %mul3A_462 = arith.constant 6.66666651 : f32
      %mul3A_463 = vector.broadcast %mul3A_462 : f32 to vector<16xf32>
      %mul3A_464 = arith.mulf %gather3A_452, %mul3A_463 : vector<16xf32>
      tpu.vector_store_idx %arg11[%add3A_449, %add3A_16], %mul3A_464 : memref<128x16xf32, #tpu.memory_space<vmem>>[vector<16xi32>, vector<16xi32>], vector<16xf32>,
      %add3A_465 = arith.constant 48 : i32
      %add3A_466 = vector.broadcast %add3A_465 : i32 to vector<16xi32>
      %add3A_467 = arith.addi %add3A_466, %iota3A : vector<16xi32>
      %gather3A_468 = tpu.vector_load_idx %arg9[%add3A_467, %add3A_10] : memref<128x4xf32, #tpu.memory_space<vmem>>[vector<16xi32>, vector<16xi32>], vector<16xf32>,
      %gather3A_469 = tpu.vector_load_idx %arg9[%add3A_467, %add3A_16] : memref<128x4xf32, #tpu.memory_space<vmem>>[vector<16xi32>, vector<16xi32>], vector<16xf32>,
      %gather3A_470 = tpu.vector_load_idx %arg9[%add3A_467, %add3A_22] : memref<128x4xf32, #tpu.memory_space<vmem>>[vector<16xi32>, vector<16xi32>], vector<16xf32>,
      %mul3A_471 = arith.constant 0 : i32
      %mul3A_472 = vector.broadcast %mul3A_471 : i32 to vector<16xi32>
      %mul3A_473 = arith.muli %add3A_10, %mul3A_472 : vector<16xi32>
      %mul3A_474 = arith.constant 1.000000e+01 : f32
      %mul3A_475 = vector.broadcast %mul3A_474 : f32 to vector<16xf32>
      %mul3A_476 = arith.mulf %gather3A_468, %mul3A_475 : vector<16xf32>
      tpu.vector_store_idx %arg11[%add3A_467, %mul3A_473], %mul3A_476 : memref<128x16xf32, #tpu.memory_space<vmem>>[vector<16xi32>, vector<16xi32>], vector<16xf32>,
      %mul3A_477 = arith.constant 1.000000e+01 : f32
      %mul3A_478 = vector.broadcast %mul3A_477 : f32 to vector<16xf32>
      %mul3A_479 = arith.mulf %gather3A_469, %mul3A_478 : vector<16xf32>
      tpu.vector_store_idx %arg11[%add3A_467, %add3A_10], %mul3A_479 : memref<128x16xf32, #tpu.memory_space<vmem>>[vector<16xi32>, vector<16xi32>], vector<16xf32>,
      %mul3A_480 = arith.constant 6.66666651 : f32
      %mul3A_481 = vector.broadcast %mul3A_480 : f32 to vector<16xf32>
      %mul3A_482 = arith.mulf %gather3A_470, %mul3A_481 : vector<16xf32>
      tpu.vector_store_idx %arg11[%add3A_467, %add3A_16], %mul3A_482 : memref<128x16xf32, #tpu.memory_space<vmem>>[vector<16xi32>, vector<16xi32>], vector<16xf32>,
      %add3A_483 = arith.constant 64 : i32
      %add3A_484 = vector.broadcast %add3A_483 : i32 to vector<16xi32>
      %add3A_485 = arith.addi %add3A_484, %iota3A : vector<16xi32>
      %gather3A_486 = tpu.vector_load_idx %arg9[%add3A_485, %add3A_10] : memref<128x4xf32, #tpu.memory_space<vmem>>[vector<16xi32>, vector<16xi32>], vector<16xf32>,
      %gather3A_487 = tpu.vector_load_idx %arg9[%add3A_485, %add3A_16] : memref<128x4xf32, #tpu.memory_space<vmem>>[vector<16xi32>, vector<16xi32>], vector<16xf32>,
      %gather3A_488 = tpu.vector_load_idx %arg9[%add3A_485, %add3A_22] : memref<128x4xf32, #tpu.memory_space<vmem>>[vector<16xi32>, vector<16xi32>], vector<16xf32>,
      %mul3A_489 = arith.constant 0 : i32
      %mul3A_490 = vector.broadcast %mul3A_489 : i32 to vector<16xi32>
      %mul3A_491 = arith.muli %add3A_10, %mul3A_490 : vector<16xi32>
      %mul3A_492 = arith.constant 1.000000e+01 : f32
      %mul3A_493 = vector.broadcast %mul3A_492 : f32 to vector<16xf32>
      %mul3A_494 = arith.mulf %gather3A_486, %mul3A_493 : vector<16xf32>
      tpu.vector_store_idx %arg11[%add3A_485, %mul3A_491], %mul3A_494 : memref<128x16xf32, #tpu.memory_space<vmem>>[vector<16xi32>, vector<16xi32>], vector<16xf32>,
      %mul3A_495 = arith.constant 1.000000e+01 : f32
      %mul3A_496 = vector.broadcast %mul3A_495 : f32 to vector<16xf32>
      %mul3A_497 = arith.mulf %gather3A_487, %mul3A_496 : vector<16xf32>
      tpu.vector_store_idx %arg11[%add3A_485, %add3A_10], %mul3A_497 : memref<128x16xf32, #tpu.memory_space<vmem>>[vector<16xi32>, vector<16xi32>], vector<16xf32>,
      %mul3A_498 = arith.constant 6.66666651 : f32
      %mul3A_499 = vector.broadcast %mul3A_498 : f32 to vector<16xf32>
      %mul3A_500 = arith.mulf %gather3A_488, %mul3A_499 : vector<16xf32>
      tpu.vector_store_idx %arg11[%add3A_485, %add3A_16], %mul3A_500 : memref<128x16xf32, #tpu.memory_space<vmem>>[vector<16xi32>, vector<16xi32>], vector<16xf32>,
      %add3A_501 = arith.constant 80 : i32
      %add3A_502 = vector.broadcast %add3A_501 : i32 to vector<16xi32>
      %add3A_503 = arith.addi %add3A_502, %iota3A : vector<16xi32>
      %gather3A_504 = tpu.vector_load_idx %arg9[%add3A_503, %add3A_10] : memref<128x4xf32, #tpu.memory_space<vmem>>[vector<16xi32>, vector<16xi32>], vector<16xf32>,
      %gather3A_505 = tpu.vector_load_idx %arg9[%add3A_503, %add3A_16] : memref<128x4xf32, #tpu.memory_space<vmem>>[vector<16xi32>, vector<16xi32>], vector<16xf32>,
      %gather3A_506 = tpu.vector_load_idx %arg9[%add3A_503, %add3A_22] : memref<128x4xf32, #tpu.memory_space<vmem>>[vector<16xi32>, vector<16xi32>], vector<16xf32>,
      %mul3A_507 = arith.constant 0 : i32
      %mul3A_508 = vector.broadcast %mul3A_507 : i32 to vector<16xi32>
      %mul3A_509 = arith.muli %add3A_10, %mul3A_508 : vector<16xi32>
      %mul3A_510 = arith.constant 1.000000e+01 : f32
      %mul3A_511 = vector.broadcast %mul3A_510 : f32 to vector<16xf32>
      %mul3A_512 = arith.mulf %gather3A_504, %mul3A_511 : vector<16xf32>
      tpu.vector_store_idx %arg11[%add3A_503, %mul3A_509], %mul3A_512 : memref<128x16xf32, #tpu.memory_space<vmem>>[vector<16xi32>, vector<16xi32>], vector<16xf32>,
      %mul3A_513 = arith.constant 1.000000e+01 : f32
      %mul3A_514 = vector.broadcast %mul3A_513 : f32 to vector<16xf32>
      %mul3A_515 = arith.mulf %gather3A_505, %mul3A_514 : vector<16xf32>
      tpu.vector_store_idx %arg11[%add3A_503, %add3A_10], %mul3A_515 : memref<128x16xf32, #tpu.memory_space<vmem>>[vector<16xi32>, vector<16xi32>], vector<16xf32>,
      %mul3A_516 = arith.constant 6.66666651 : f32
      %mul3A_517 = vector.broadcast %mul3A_516 : f32 to vector<16xf32>
      %mul3A_518 = arith.mulf %gather3A_506, %mul3A_517 : vector<16xf32>
      tpu.vector_store_idx %arg11[%add3A_503, %add3A_16], %mul3A_518 : memref<128x16xf32, #tpu.memory_space<vmem>>[vector<16xi32>, vector<16xi32>], vector<16xf32>,
      %add3A_519 = arith.constant 96 : i32
      %add3A_520 = vector.broadcast %add3A_519 : i32 to vector<16xi32>
      %add3A_521 = arith.addi %add3A_520, %iota3A : vector<16xi32>
      %gather3A_522 = tpu.vector_load_idx %arg9[%add3A_521, %add3A_10] : memref<128x4xf32, #tpu.memory_space<vmem>>[vector<16xi32>, vector<16xi32>], vector<16xf32>,
      %gather3A_523 = tpu.vector_load_idx %arg9[%add3A_521, %add3A_16] : memref<128x4xf32, #tpu.memory_space<vmem>>[vector<16xi32>, vector<16xi32>], vector<16xf32>,
      %gather3A_524 = tpu.vector_load_idx %arg9[%add3A_521, %add3A_22] : memref<128x4xf32, #tpu.memory_space<vmem>>[vector<16xi32>, vector<16xi32>], vector<16xf32>,
      %mul3A_525 = arith.constant 0 : i32
      %mul3A_526 = vector.broadcast %mul3A_525 : i32 to vector<16xi32>
      %mul3A_527 = arith.muli %add3A_10, %mul3A_526 : vector<16xi32>
      %mul3A_528 = arith.constant 1.000000e+01 : f32
      %mul3A_529 = vector.broadcast %mul3A_528 : f32 to vector<16xf32>
      %mul3A_530 = arith.mulf %gather3A_522, %mul3A_529 : vector<16xf32>
      tpu.vector_store_idx %arg11[%add3A_521, %mul3A_527], %mul3A_530 : memref<128x16xf32, #tpu.memory_space<vmem>>[vector<16xi32>, vector<16xi32>], vector<16xf32>,
      %mul3A_531 = arith.constant 1.000000e+01 : f32
      %mul3A_532 = vector.broadcast %mul3A_531 : f32 to vector<16xf32>
      %mul3A_533 = arith.mulf %gather3A_523, %mul3A_532 : vector<16xf32>
      tpu.vector_store_idx %arg11[%add3A_521, %add3A_10], %mul3A_533 : memref<128x16xf32, #tpu.memory_space<vmem>>[vector<16xi32>, vector<16xi32>], vector<16xf32>,
      %mul3A_534 = arith.constant 6.66666651 : f32
      %mul3A_535 = vector.broadcast %mul3A_534 : f32 to vector<16xf32>
      %mul3A_536 = arith.mulf %gather3A_524, %mul3A_535 : vector<16xf32>
      tpu.vector_store_idx %arg11[%add3A_521, %add3A_16], %mul3A_536 : memref<128x16xf32, #tpu.memory_space<vmem>>[vector<16xi32>, vector<16xi32>], vector<16xf32>,
      %add3A_537 = arith.constant 112 : i32
      %add3A_538 = vector.broadcast %add3A_537 : i32 to vector<16xi32>
      %add3A_539 = arith.addi %add3A_538, %iota3A : vector<16xi32>
      %gather3A_540 = tpu.vector_load_idx %arg9[%add3A_539, %add3A_10] : memref<128x4xf32, #tpu.memory_space<vmem>>[vector<16xi32>, vector<16xi32>], vector<16xf32>,
      %gather3A_541 = tpu.vector_load_idx %arg9[%add3A_539, %add3A_16] : memref<128x4xf32, #tpu.memory_space<vmem>>[vector<16xi32>, vector<16xi32>], vector<16xf32>,
      %gather3A_542 = tpu.vector_load_idx %arg9[%add3A_539, %add3A_22] : memref<128x4xf32, #tpu.memory_space<vmem>>[vector<16xi32>, vector<16xi32>], vector<16xf32>,
      %mul3A_543 = arith.constant 0 : i32
      %mul3A_544 = vector.broadcast %mul3A_543 : i32 to vector<16xi32>
      %mul3A_545 = arith.muli %add3A_10, %mul3A_544 : vector<16xi32>
      %mul3A_546 = arith.constant 1.000000e+01 : f32
      %mul3A_547 = vector.broadcast %mul3A_546 : f32 to vector<16xf32>
      %mul3A_548 = arith.mulf %gather3A_540, %mul3A_547 : vector<16xf32>
      tpu.vector_store_idx %arg11[%add3A_539, %mul3A_545], %mul3A_548 : memref<128x16xf32, #tpu.memory_space<vmem>>[vector<16xi32>, vector<16xi32>], vector<16xf32>,
      %mul3A_549 = arith.constant 1.000000e+01 : f32
      %mul3A_550 = vector.broadcast %mul3A_549 : f32 to vector<16xf32>
      %mul3A_551 = arith.mulf %gather3A_541, %mul3A_550 : vector<16xf32>
      tpu.vector_store_idx %arg11[%add3A_539, %add3A_10], %mul3A_551 : memref<128x16xf32, #tpu.memory_space<vmem>>[vector<16xi32>, vector<16xi32>], vector<16xf32>,
      %mul3A_552 = arith.constant 6.66666651 : f32
      %mul3A_553 = vector.broadcast %mul3A_552 : f32 to vector<16xf32>
      %mul3A_554 = arith.mulf %gather3A_542, %mul3A_553 : vector<16xf32>
      tpu.vector_store_idx %arg11[%add3A_539, %add3A_16], %mul3A_554 : memref<128x16xf32, #tpu.memory_space<vmem>>[vector<16xi32>, vector<16xi32>], vector<16xf32>,
      %mul3A_555 = arith.constant 128 : i32
      %mul3A_556 = arith.muli %add3A_399, %mul3A_555 : i32
      %add3A_557 = arith.addi %mul3A_4, %mul3A_556 : i32
      %dma_start3A_558 = arith.constant 0 : i32
      %dma_start3A_559 = tpu.memref_slice %arg5[%add3A_557, %dma_start3A_558] : memref<106496x16xf32, #tpu.memory_space<hbm>> -> memref<128x16xf32, #tpu.memory_space<hbm>>
      %dma_start3A_560 = arith.constant 0 : i32
      %dma_start3A_561 = tpu.memref_slice %arg5[%add3A_557, %dma_start3A_560] : memref<106496x16xf32, #tpu.memory_space<hbm>> -> memref<128x16xf32, #tpu.memory_space<hbm>>
      tpu.enqueue_dma source(%arg11 : memref<128x16xf32, #tpu.memory_space<vmem>>) target(%dma_start3A_561 : memref<128x16xf32, #tpu.memory_space<hbm>>) target_semaphore(%arg22 : memref<!tpu.dma_semaphore, #tpu.memory_space<semaphore_mem>>)
      %add3A_562 = arith.constant 2 : i32
      %add3A_563 = arith.addi %add3A_399, %add3A_562 : i32
      %lt3A_564 = arith.constant 26 : i32
      %lt3A_565 = arith.cmpi slt, %add3A_563, %lt3A_564 : i32
      %convert_element_type3A_566 = arith.extui %lt3A_565 : i1 to i32
      %cond3A_567 = arith.constant 0 : i32
      %cond3A_568 = arith.cmpi ne, %convert_element_type3A_566, %cond3A_567 : i32
      scf.if %cond3A_568 {
        %add3A_569 = arith.constant 2 : i32
        %add3A_570 = arith.addi %add3A_399, %add3A_569 : i32
        %mul3A_571 = arith.constant 128 : i32
        %mul3A_572 = arith.muli %add3A_570, %mul3A_571 : i32
        %add3A_573 = arith.addi %mul3A_4, %mul3A_572 : i32
        %dma_start3A_574 = arith.constant 0 : i32
        %dma_start3A_575 = tpu.memref_slice %arg3[%add3A_573, %dma_start3A_574] : memref<106496x4xf32, #tpu.memory_space<hbm>> -> memref<128x4xf32, #tpu.memory_space<hbm>>
        %dma_start3A_576 = arith.constant 0 : i32
        %dma_start3A_577 = tpu.memref_slice %arg3[%add3A_573, %dma_start3A_576] : memref<106496x4xf32, #tpu.memory_space<hbm>> -> memref<128x4xf32, #tpu.memory_space<hbm>>
        tpu.enqueue_dma source(%dma_start3A_577 : memref<128x4xf32, #tpu.memory_space<hbm>>) target(%arg9 : memref<128x4xf32, #tpu.memory_space<vmem>>) target_semaphore(%arg20 : memref<!tpu.dma_semaphore, #tpu.memory_space<semaphore_mem>>)
      } else {
      }
    }
    %scan3A_62 = arith.constant 13 : i32
    %dma_wait3A = arith.constant 0 : i32
    %dma_wait3A_63 = arith.constant 0 : i32
    %dma_wait3A_64 = tpu.memref_slice %arg5[%dma_wait3A, %dma_wait3A_63] : memref<106496x16xf32, #tpu.memory_space<hbm>> -> memref<128x16xf32, #tpu.memory_space<hbm>>
    %dma_wait3A_65 = arith.constant 0 : i32
    %dma_wait3A_66 = arith.constant 0 : i32
    %dma_wait3A_67 = tpu.memref_slice %arg5[%dma_wait3A_65, %dma_wait3A_66] : memref<106496x16xf32, #tpu.memory_space<hbm>> -> memref<128x16xf32, #tpu.memory_space<hbm>>
    tpu.wait_dma2 semaphore(%arg21 : memref<!tpu.dma_semaphore, #tpu.memory_space<semaphore_mem>>) src(%arg10 : memref<128x16xf32, #tpu.memory_space<vmem>>) dst(%dma_wait3A_67 : memref<128x16xf32, #tpu.memory_space<hbm>>)
    %dma_wait3A_68 = arith.constant 0 : i32
    %dma_wait3A_69 = arith.constant 0 : i32
    %dma_wait3A_70 = tpu.memref_slice %arg5[%dma_wait3A_68, %dma_wait3A_69] : memref<106496x16xf32, #tpu.memory_space<hbm>> -> memref<128x16xf32, #tpu.memory_space<hbm>>
    %dma_wait3A_71 = arith.constant 0 : i32
    %dma_wait3A_72 = arith.constant 0 : i32
    %dma_wait3A_73 = tpu.memref_slice %arg5[%dma_wait3A_71, %dma_wait3A_72] : memref<106496x16xf32, #tpu.memory_space<hbm>> -> memref<128x16xf32, #tpu.memory_space<hbm>>
    tpu.wait_dma2 semaphore(%arg22 : memref<!tpu.dma_semaphore, #tpu.memory_space<semaphore_mem>>) src(%arg11 : memref<128x16xf32, #tpu.memory_space<vmem>>) dst(%dma_wait3A_73 : memref<128x16xf32, #tpu.memory_space<hbm>>)
    %barrier3A = arith.constant 0 : index
    tpu.barrier barrier_id(%barrier3A)
    %add3A_74 = arith.constant 0 : i32
    %add3A_75 = arith.addi %mul3A_2, %add3A_74 : i32
    %dma_start3A_76 = arith.constant 0 : i32
    %dma_start3A_77 = arith.constant 0 : i32
    %dma_start3A_78 = tpu.memref_slice %arg6[%dma_start3A_76, %dma_start3A_77] : memref<8x128xi32, #tpu.memory_space<vmem>> -> memref<1x128xi32, #tpu.memory_space<vmem>>
    %dma_start3A_79 = tpu.memref_squeeze %dma_start3A_78 : memref<1x128xi32, #tpu.memory_space<vmem>> -> memref<128xi32, #tpu.memory_space<vmem>>
    %dma_start3A_80 = tpu.memref_slice %arg2[%add3A_75] : memref<589824xi32, #tpu.memory_space<hbm>> -> memref<128xi32, #tpu.memory_space<hbm>>
    %dma_start3A_81 = arith.constant 0 : i32
    %dma_start3A_82 = tpu.memref_slice %arg6[%dma_start3A_76, %dma_start3A_81] : memref<8x128xi32, #tpu.memory_space<vmem>> -> memref<1x128xi32, #tpu.memory_space<vmem>>
    %dma_start3A_83 = tpu.memref_squeeze %dma_start3A_82 : memref<1x128xi32, #tpu.memory_space<vmem>> -> memref<128xi32, #tpu.memory_space<vmem>>
    %dma_start3A_84 = tpu.memref_slice %arg2[%add3A_75] : memref<589824xi32, #tpu.memory_space<hbm>> -> memref<128xi32, #tpu.memory_space<hbm>>
    tpu.enqueue_dma source(%dma_start3A_84 : memref<128xi32, #tpu.memory_space<hbm>>) target(%dma_start3A_83 : memref<128xi32, #tpu.memory_space<vmem>>) target_semaphore(%arg15 : memref<!tpu.dma_semaphore, #tpu.memory_space<semaphore_mem>>)
    %add3A_85 = arith.constant 128 : i32
    %add3A_86 = arith.addi %mul3A_2, %add3A_85 : i32
    %dma_start3A_87 = arith.constant 1 : i32
    %dma_start3A_88 = arith.constant 0 : i32
    %dma_start3A_89 = tpu.memref_slice %arg6[%dma_start3A_87, %dma_start3A_88] : memref<8x128xi32, #tpu.memory_space<vmem>> -> memref<1x128xi32, #tpu.memory_space<vmem>>
    %dma_start3A_90 = tpu.memref_squeeze %dma_start3A_89 : memref<1x128xi32, #tpu.memory_space<vmem>> -> memref<128xi32, #tpu.memory_space<vmem>>
    %dma_start3A_91 = tpu.memref_slice %arg2[%add3A_86] : memref<589824xi32, #tpu.memory_space<hbm>> -> memref<128xi32, #tpu.memory_space<hbm>>
    %dma_start3A_92 = arith.constant 0 : i32
    %dma_start3A_93 = tpu.memref_slice %arg6[%dma_start3A_87, %dma_start3A_92] : memref<8x128xi32, #tpu.memory_space<vmem>> -> memref<1x128xi32, #tpu.memory_space<vmem>>
    %dma_start3A_94 = tpu.memref_squeeze %dma_start3A_93 : memref<1x128xi32, #tpu.memory_space<vmem>> -> memref<128xi32, #tpu.memory_space<vmem>>
    %dma_start3A_95 = tpu.memref_slice %arg2[%add3A_86] : memref<589824xi32, #tpu.memory_space<hbm>> -> memref<128xi32, #tpu.memory_space<hbm>>
    tpu.enqueue_dma source(%dma_start3A_95 : memref<128xi32, #tpu.memory_space<hbm>>) target(%dma_start3A_94 : memref<128xi32, #tpu.memory_space<vmem>>) target_semaphore(%arg15 : memref<!tpu.dma_semaphore, #tpu.memory_space<semaphore_mem>>)
    %add3A_96 = arith.constant 256 : i32
    %add3A_97 = arith.addi %mul3A_2, %add3A_96 : i32
    %dma_start3A_98 = arith.constant 2 : i32
    %dma_start3A_99 = arith.constant 0 : i32
    %dma_start3A_100 = tpu.memref_slice %arg6[%dma_start3A_98, %dma_start3A_99] : memref<8x128xi32, #tpu.memory_space<vmem>> -> memref<1x128xi32, #tpu.memory_space<vmem>>
    %dma_start3A_101 = tpu.memref_squeeze %dma_start3A_100 : memref<1x128xi32, #tpu.memory_space<vmem>> -> memref<128xi32, #tpu.memory_space<vmem>>
    %dma_start3A_102 = tpu.memref_slice %arg2[%add3A_97] : memref<589824xi32, #tpu.memory_space<hbm>> -> memref<128xi32, #tpu.memory_space<hbm>>
    %dma_start3A_103 = arith.constant 0 : i32
    %dma_start3A_104 = tpu.memref_slice %arg6[%dma_start3A_98, %dma_start3A_103] : memref<8x128xi32, #tpu.memory_space<vmem>> -> memref<1x128xi32, #tpu.memory_space<vmem>>
    %dma_start3A_105 = tpu.memref_squeeze %dma_start3A_104 : memref<1x128xi32, #tpu.memory_space<vmem>> -> memref<128xi32, #tpu.memory_space<vmem>>
    %dma_start3A_106 = tpu.memref_slice %arg2[%add3A_97] : memref<589824xi32, #tpu.memory_space<hbm>> -> memref<128xi32, #tpu.memory_space<hbm>>
    tpu.enqueue_dma source(%dma_start3A_106 : memref<128xi32, #tpu.memory_space<hbm>>) target(%dma_start3A_105 : memref<128xi32, #tpu.memory_space<vmem>>) target_semaphore(%arg15 : memref<!tpu.dma_semaphore, #tpu.memory_space<semaphore_mem>>)
    %add3A_107 = arith.constant 384 : i32
    %add3A_108 = arith.addi %mul3A_2, %add3A_107 : i32
    %dma_start3A_109 = arith.constant 3 : i32
    %dma_start3A_110 = arith.constant 0 : i32
    %dma_start3A_111 = tpu.memref_slice %arg6[%dma_start3A_109, %dma_start3A_110] : memref<8x128xi32, #tpu.memory_space<vmem>> -> memref<1x128xi32, #tpu.memory_space<vmem>>
    %dma_start3A_112 = tpu.memref_squeeze %dma_start3A_111 : memref<1x128xi32, #tpu.memory_space<vmem>> -> memref<128xi32, #tpu.memory_space<vmem>>
    %dma_start3A_113 = tpu.memref_slice %arg2[%add3A_108] : memref<589824xi32, #tpu.memory_space<hbm>> -> memref<128xi32, #tpu.memory_space<hbm>>
    %dma_start3A_114 = arith.constant 0 : i32
    %dma_start3A_115 = tpu.memref_slice %arg6[%dma_start3A_109, %dma_start3A_114] : memref<8x128xi32, #tpu.memory_space<vmem>> -> memref<1x128xi32, #tpu.memory_space<vmem>>
    %dma_start3A_116 = tpu.memref_squeeze %dma_start3A_115 : memref<1x128xi32, #tpu.memory_space<vmem>> -> memref<128xi32, #tpu.memory_space<vmem>>
    %dma_start3A_117 = tpu.memref_slice %arg2[%add3A_108] : memref<589824xi32, #tpu.memory_space<hbm>> -> memref<128xi32, #tpu.memory_space<hbm>>
    tpu.enqueue_dma source(%dma_start3A_117 : memref<128xi32, #tpu.memory_space<hbm>>) target(%dma_start3A_116 : memref<128xi32, #tpu.memory_space<vmem>>) target_semaphore(%arg15 : memref<!tpu.dma_semaphore, #tpu.memory_space<semaphore_mem>>)
    %add3A_118 = arith.constant 512 : i32
    %add3A_119 = arith.addi %mul3A_2, %add3A_118 : i32
    %dma_start3A_120 = arith.constant 4 : i32
    %dma_start3A_121 = arith.constant 0 : i32
    %dma_start3A_122 = tpu.memref_slice %arg6[%dma_start3A_120, %dma_start3A_121] : memref<8x128xi32, #tpu.memory_space<vmem>> -> memref<1x128xi32, #tpu.memory_space<vmem>>
    %dma_start3A_123 = tpu.memref_squeeze %dma_start3A_122 : memref<1x128xi32, #tpu.memory_space<vmem>> -> memref<128xi32, #tpu.memory_space<vmem>>
    %dma_start3A_124 = tpu.memref_slice %arg2[%add3A_119] : memref<589824xi32, #tpu.memory_space<hbm>> -> memref<128xi32, #tpu.memory_space<hbm>>
    %dma_start3A_125 = arith.constant 0 : i32
    %dma_start3A_126 = tpu.memref_slice %arg6[%dma_start3A_120, %dma_start3A_125] : memref<8x128xi32, #tpu.memory_space<vmem>> -> memref<1x128xi32, #tpu.memory_space<vmem>>
    %dma_start3A_127 = tpu.memref_squeeze %dma_start3A_126 : memref<1x128xi32, #tpu.memory_space<vmem>> -> memref<128xi32, #tpu.memory_space<vmem>>
    %dma_start3A_128 = tpu.memref_slice %arg2[%add3A_119] : memref<589824xi32, #tpu.memory_space<hbm>> -> memref<128xi32, #tpu.memory_space<hbm>>
    tpu.enqueue_dma source(%dma_start3A_128 : memref<128xi32, #tpu.memory_space<hbm>>) target(%dma_start3A_127 : memref<128xi32, #tpu.memory_space<vmem>>) target_semaphore(%arg15 : memref<!tpu.dma_semaphore, #tpu.memory_space<semaphore_mem>>)
    %add3A_129 = arith.constant 640 : i32
    %add3A_130 = arith.addi %mul3A_2, %add3A_129 : i32
    %dma_start3A_131 = arith.constant 5 : i32
    %dma_start3A_132 = arith.constant 0 : i32
    %dma_start3A_133 = tpu.memref_slice %arg6[%dma_start3A_131, %dma_start3A_132] : memref<8x128xi32, #tpu.memory_space<vmem>> -> memref<1x128xi32, #tpu.memory_space<vmem>>
    %dma_start3A_134 = tpu.memref_squeeze %dma_start3A_133 : memref<1x128xi32, #tpu.memory_space<vmem>> -> memref<128xi32, #tpu.memory_space<vmem>>
    %dma_start3A_135 = tpu.memref_slice %arg2[%add3A_130] : memref<589824xi32, #tpu.memory_space<hbm>> -> memref<128xi32, #tpu.memory_space<hbm>>
    %dma_start3A_136 = arith.constant 0 : i32
    %dma_start3A_137 = tpu.memref_slice %arg6[%dma_start3A_131, %dma_start3A_136] : memref<8x128xi32, #tpu.memory_space<vmem>> -> memref<1x128xi32, #tpu.memory_space<vmem>>
    %dma_start3A_138 = tpu.memref_squeeze %dma_start3A_137 : memref<1x128xi32, #tpu.memory_space<vmem>> -> memref<128xi32, #tpu.memory_space<vmem>>
    %dma_start3A_139 = tpu.memref_slice %arg2[%add3A_130] : memref<589824xi32, #tpu.memory_space<hbm>> -> memref<128xi32, #tpu.memory_space<hbm>>
    tpu.enqueue_dma source(%dma_start3A_139 : memref<128xi32, #tpu.memory_space<hbm>>) target(%dma_start3A_138 : memref<128xi32, #tpu.memory_space<vmem>>) target_semaphore(%arg15 : memref<!tpu.dma_semaphore, #tpu.memory_space<semaphore_mem>>)
    %add3A_140 = arith.constant 768 : i32
    %add3A_141 = arith.addi %mul3A_2, %add3A_140 : i32
    %dma_start3A_142 = arith.constant 6 : i32
    %dma_start3A_143 = arith.constant 0 : i32
    %dma_start3A_144 = tpu.memref_slice %arg6[%dma_start3A_142, %dma_start3A_143] : memref<8x128xi32, #tpu.memory_space<vmem>> -> memref<1x128xi32, #tpu.memory_space<vmem>>
    %dma_start3A_145 = tpu.memref_squeeze %dma_start3A_144 : memref<1x128xi32, #tpu.memory_space<vmem>> -> memref<128xi32, #tpu.memory_space<vmem>>
    %dma_start3A_146 = tpu.memref_slice %arg2[%add3A_141] : memref<589824xi32, #tpu.memory_space<hbm>> -> memref<128xi32, #tpu.memory_space<hbm>>
    %dma_start3A_147 = arith.constant 0 : i32
    %dma_start3A_148 = tpu.memref_slice %arg6[%dma_start3A_142, %dma_start3A_147] : memref<8x128xi32, #tpu.memory_space<vmem>> -> memref<1x128xi32, #tpu.memory_space<vmem>>
    %dma_start3A_149 = tpu.memref_squeeze %dma_start3A_148 : memref<1x128xi32, #tpu.memory_space<vmem>> -> memref<128xi32, #tpu.memory_space<vmem>>
    %dma_start3A_150 = tpu.memref_slice %arg2[%add3A_141] : memref<589824xi32, #tpu.memory_space<hbm>> -> memref<128xi32, #tpu.memory_space<hbm>>
    tpu.enqueue_dma source(%dma_start3A_150 : memref<128xi32, #tpu.memory_space<hbm>>) target(%dma_start3A_149 : memref<128xi32, #tpu.memory_space<vmem>>) target_semaphore(%arg15 : memref<!tpu.dma_semaphore, #tpu.memory_space<semaphore_mem>>)
    %add3A_151 = arith.constant 896 : i32
    %add3A_152 = arith.addi %mul3A_2, %add3A_151 : i32
    %dma_start3A_153 = arith.constant 7 : i32
    %dma_start3A_154 = arith.constant 0 : i32
    %dma_start3A_155 = tpu.memref_slice %arg6[%dma_start3A_153, %dma_start3A_154] : memref<8x128xi32, #tpu.memory_space<vmem>> -> memref<1x128xi32, #tpu.memory_space<vmem>>
    %dma_start3A_156 = tpu.memref_squeeze %dma_start3A_155 : memref<1x128xi32, #tpu.memory_space<vmem>> -> memref<128xi32, #tpu.memory_space<vmem>>
    %dma_start3A_157 = tpu.memref_slice %arg2[%add3A_152] : memref<589824xi32, #tpu.memory_space<hbm>> -> memref<128xi32, #tpu.memory_space<hbm>>
    %dma_start3A_158 = arith.constant 0 : i32
    %dma_start3A_159 = tpu.memref_slice %arg6[%dma_start3A_153, %dma_start3A_158] : memref<8x128xi32, #tpu.memory_space<vmem>> -> memref<1x128xi32, #tpu.memory_space<vmem>>
    %dma_start3A_160 = tpu.memref_squeeze %dma_start3A_159 : memref<1x128xi32, #tpu.memory_space<vmem>> -> memref<128xi32, #tpu.memory_space<vmem>>
    %dma_start3A_161 = tpu.memref_slice %arg2[%add3A_152] : memref<589824xi32, #tpu.memory_space<hbm>> -> memref<128xi32, #tpu.memory_space<hbm>>
    tpu.enqueue_dma source(%dma_start3A_161 : memref<128xi32, #tpu.memory_space<hbm>>) target(%dma_start3A_160 : memref<128xi32, #tpu.memory_space<vmem>>) target_semaphore(%arg15 : memref<!tpu.dma_semaphore, #tpu.memory_space<semaphore_mem>>)
    %scan3A_162 = arith.constant 0 : i32
    %scan3A_163 = arith.constant 9 : i32
    %scan3A_164 = arith.addi %scan3A_162, %scan3A_163 : i32
    %scan3A_165 = arith.constant 1 : i32
    scf.for %scan3A_223 = %scan3A_162 to %scan3A_164 step %scan3A_165  : i32 {
      %mul3A_224 = arith.constant 1 : i32
      %mul3A_225 = arith.muli %scan3A_223, %mul3A_224 : i32
      %add3A_226 = arith.constant 0 : i32
      %add3A_227 = arith.addi %add3A_226, %mul3A_225 : i32
      %gt3A = arith.constant 0 : i32
      %gt3A_228 = arith.cmpi sgt, %add3A_227, %gt3A : i32
      %convert_element_type3A = arith.extui %gt3A_228 : i1 to i32
      %cond3A = arith.constant 0 : i32
      %cond3A_229 = arith.cmpi ne, %convert_element_type3A, %cond3A : i32
      scf.if %cond3A_229 {
        %dma_wait3A_654 = arith.constant 0 : i32
        %dma_wait3A_655 = arith.constant 0 : i32
        %dma_wait3A_656 = tpu.memref_slice %arg7[%dma_wait3A_654, %dma_wait3A_655] : memref<8x128xi32, #tpu.memory_space<vmem>> -> memref<1x128xi32, #tpu.memory_space<vmem>>
        %dma_wait3A_657 = tpu.memref_squeeze %dma_wait3A_656 : memref<1x128xi32, #tpu.memory_space<vmem>> -> memref<128xi32, #tpu.memory_space<vmem>>
        %dma_wait3A_658 = arith.constant 0 : i32
        %dma_wait3A_659 = tpu.memref_slice %arg14[%dma_wait3A_658] : memref<100096xf32, #tpu.memory_space<vmem_shared>> -> memref<100096xf32, #tpu.memory_space<vmem_shared>>
        tpu.wait_indirect_dma semaphore(%arg18 : memref<!tpu.dma_semaphore, #tpu.memory_space<semaphore_mem>>) src(%arg12 : memref<128xf32, #tpu.memory_space<vmem>>) dst(%dma_wait3A_659 : memref<100096xf32, #tpu.memory_space<vmem_shared>>)
        %dma_wait3A_660 = arith.constant 1 : i32
        %dma_wait3A_661 = arith.constant 0 : i32
        %dma_wait3A_662 = tpu.memref_slice %arg7[%dma_wait3A_660, %dma_wait3A_661] : memref<8x128xi32, #tpu.memory_space<vmem>> -> memref<1x128xi32, #tpu.memory_space<vmem>>
        %dma_wait3A_663 = tpu.memref_squeeze %dma_wait3A_662 : memref<1x128xi32, #tpu.memory_space<vmem>> -> memref<128xi32, #tpu.memory_space<vmem>>
        %dma_wait3A_664 = arith.constant 0 : i32
        %dma_wait3A_665 = tpu.memref_slice %arg14[%dma_wait3A_664] : memref<100096xf32, #tpu.memory_space<vmem_shared>> -> memref<100096xf32, #tpu.memory_space<vmem_shared>>
        tpu.wait_indirect_dma semaphore(%arg18 : memref<!tpu.dma_semaphore, #tpu.memory_space<semaphore_mem>>) src(%arg12 : memref<128xf32, #tpu.memory_space<vmem>>) dst(%dma_wait3A_665 : memref<100096xf32, #tpu.memory_space<vmem_shared>>)
        %dma_wait3A_666 = arith.constant 2 : i32
        %dma_wait3A_667 = arith.constant 0 : i32
        %dma_wait3A_668 = tpu.memref_slice %arg7[%dma_wait3A_666, %dma_wait3A_667] : memref<8x128xi32, #tpu.memory_space<vmem>> -> memref<1x128xi32, #tpu.memory_space<vmem>>
        %dma_wait3A_669 = tpu.memref_squeeze %dma_wait3A_668 : memref<1x128xi32, #tpu.memory_space<vmem>> -> memref<128xi32, #tpu.memory_space<vmem>>
        %dma_wait3A_670 = arith.constant 0 : i32
        %dma_wait3A_671 = tpu.memref_slice %arg14[%dma_wait3A_670] : memref<100096xf32, #tpu.memory_space<vmem_shared>> -> memref<100096xf32, #tpu.memory_space<vmem_shared>>
        tpu.wait_indirect_dma semaphore(%arg18 : memref<!tpu.dma_semaphore, #tpu.memory_space<semaphore_mem>>) src(%arg12 : memref<128xf32, #tpu.memory_space<vmem>>) dst(%dma_wait3A_671 : memref<100096xf32, #tpu.memory_space<vmem_shared>>)
        %dma_wait3A_672 = arith.constant 3 : i32
        %dma_wait3A_673 = arith.constant 0 : i32
        %dma_wait3A_674 = tpu.memref_slice %arg7[%dma_wait3A_672, %dma_wait3A_673] : memref<8x128xi32, #tpu.memory_space<vmem>> -> memref<1x128xi32, #tpu.memory_space<vmem>>
        %dma_wait3A_675 = tpu.memref_squeeze %dma_wait3A_674 : memref<1x128xi32, #tpu.memory_space<vmem>> -> memref<128xi32, #tpu.memory_space<vmem>>
        %dma_wait3A_676 = arith.constant 0 : i32
        %dma_wait3A_677 = tpu.memref_slice %arg14[%dma_wait3A_676] : memref<100096xf32, #tpu.memory_space<vmem_shared>> -> memref<100096xf32, #tpu.memory_space<vmem_shared>>
        tpu.wait_indirect_dma semaphore(%arg18 : memref<!tpu.dma_semaphore, #tpu.memory_space<semaphore_mem>>) src(%arg12 : memref<128xf32, #tpu.memory_space<vmem>>) dst(%dma_wait3A_677 : memref<100096xf32, #tpu.memory_space<vmem_shared>>)
        %dma_wait3A_678 = arith.constant 4 : i32
        %dma_wait3A_679 = arith.constant 0 : i32
        %dma_wait3A_680 = tpu.memref_slice %arg7[%dma_wait3A_678, %dma_wait3A_679] : memref<8x128xi32, #tpu.memory_space<vmem>> -> memref<1x128xi32, #tpu.memory_space<vmem>>
        %dma_wait3A_681 = tpu.memref_squeeze %dma_wait3A_680 : memref<1x128xi32, #tpu.memory_space<vmem>> -> memref<128xi32, #tpu.memory_space<vmem>>
        %dma_wait3A_682 = arith.constant 0 : i32
        %dma_wait3A_683 = tpu.memref_slice %arg14[%dma_wait3A_682] : memref<100096xf32, #tpu.memory_space<vmem_shared>> -> memref<100096xf32, #tpu.memory_space<vmem_shared>>
        tpu.wait_indirect_dma semaphore(%arg18 : memref<!tpu.dma_semaphore, #tpu.memory_space<semaphore_mem>>) src(%arg12 : memref<128xf32, #tpu.memory_space<vmem>>) dst(%dma_wait3A_683 : memref<100096xf32, #tpu.memory_space<vmem_shared>>)
        %dma_wait3A_684 = arith.constant 5 : i32
        %dma_wait3A_685 = arith.constant 0 : i32
        %dma_wait3A_686 = tpu.memref_slice %arg7[%dma_wait3A_684, %dma_wait3A_685] : memref<8x128xi32, #tpu.memory_space<vmem>> -> memref<1x128xi32, #tpu.memory_space<vmem>>
        %dma_wait3A_687 = tpu.memref_squeeze %dma_wait3A_686 : memref<1x128xi32, #tpu.memory_space<vmem>> -> memref<128xi32, #tpu.memory_space<vmem>>
        %dma_wait3A_688 = arith.constant 0 : i32
        %dma_wait3A_689 = tpu.memref_slice %arg14[%dma_wait3A_688] : memref<100096xf32, #tpu.memory_space<vmem_shared>> -> memref<100096xf32, #tpu.memory_space<vmem_shared>>
        tpu.wait_indirect_dma semaphore(%arg18 : memref<!tpu.dma_semaphore, #tpu.memory_space<semaphore_mem>>) src(%arg12 : memref<128xf32, #tpu.memory_space<vmem>>) dst(%dma_wait3A_689 : memref<100096xf32, #tpu.memory_space<vmem_shared>>)
        %dma_wait3A_690 = arith.constant 6 : i32
        %dma_wait3A_691 = arith.constant 0 : i32
        %dma_wait3A_692 = tpu.memref_slice %arg7[%dma_wait3A_690, %dma_wait3A_691] : memref<8x128xi32, #tpu.memory_space<vmem>> -> memref<1x128xi32, #tpu.memory_space<vmem>>
        %dma_wait3A_693 = tpu.memref_squeeze %dma_wait3A_692 : memref<1x128xi32, #tpu.memory_space<vmem>> -> memref<128xi32, #tpu.memory_space<vmem>>
        %dma_wait3A_694 = arith.constant 0 : i32
        %dma_wait3A_695 = tpu.memref_slice %arg14[%dma_wait3A_694] : memref<100096xf32, #tpu.memory_space<vmem_shared>> -> memref<100096xf32, #tpu.memory_space<vmem_shared>>
        tpu.wait_indirect_dma semaphore(%arg18 : memref<!tpu.dma_semaphore, #tpu.memory_space<semaphore_mem>>) src(%arg12 : memref<128xf32, #tpu.memory_space<vmem>>) dst(%dma_wait3A_695 : memref<100096xf32, #tpu.memory_space<vmem_shared>>)
        %dma_wait3A_696 = arith.constant 7 : i32
        %dma_wait3A_697 = arith.constant 0 : i32
        %dma_wait3A_698 = tpu.memref_slice %arg7[%dma_wait3A_696, %dma_wait3A_697] : memref<8x128xi32, #tpu.memory_space<vmem>> -> memref<1x128xi32, #tpu.memory_space<vmem>>
        %dma_wait3A_699 = tpu.memref_squeeze %dma_wait3A_698 : memref<1x128xi32, #tpu.memory_space<vmem>> -> memref<128xi32, #tpu.memory_space<vmem>>
        %dma_wait3A_700 = arith.constant 0 : i32
        %dma_wait3A_701 = tpu.memref_slice %arg14[%dma_wait3A_700] : memref<100096xf32, #tpu.memory_space<vmem_shared>> -> memref<100096xf32, #tpu.memory_space<vmem_shared>>
        tpu.wait_indirect_dma semaphore(%arg18 : memref<!tpu.dma_semaphore, #tpu.memory_space<semaphore_mem>>) src(%arg12 : memref<128xf32, #tpu.memory_space<vmem>>) dst(%dma_wait3A_701 : memref<100096xf32, #tpu.memory_space<vmem_shared>>)
      } else {
      }
      %mul3A_230 = arith.constant 2 : i32
      %mul3A_231 = arith.muli %mul3A_230, %add3A_227 : i32
      %add3A_232 = arith.constant 1 : i32
      %add3A_233 = arith.addi %mul3A_231, %add3A_232 : i32
      %mul3A_234 = arith.constant 8 : i32
      %mul3A_235 = arith.muli %add3A_233, %mul3A_234 : i32
      %add3A_236 = arith.constant 0 : i32
      %add3A_237 = arith.addi %mul3A_235, %add3A_236 : i32
      %mul3A_238 = arith.constant 128 : i32
      %mul3A_239 = arith.muli %add3A_237, %mul3A_238 : i32
      %add3A_240 = arith.addi %mul3A_2, %mul3A_239 : i32
      %dma_start3A_241 = arith.constant 0 : i32
      %dma_start3A_242 = arith.constant 0 : i32
      %dma_start3A_243 = tpu.memref_slice %arg7[%dma_start3A_241, %dma_start3A_242] : memref<8x128xi32, #tpu.memory_space<vmem>> -> memref<1x128xi32, #tpu.memory_space<vmem>>
      %dma_start3A_244 = tpu.memref_squeeze %dma_start3A_243 : memref<1x128xi32, #tpu.memory_space<vmem>> -> memref<128xi32, #tpu.memory_space<vmem>>
      %dma_start3A_245 = tpu.memref_slice %arg2[%add3A_240] : memref<589824xi32, #tpu.memory_space<hbm>> -> memref<128xi32, #tpu.memory_space<hbm>>
      %dma_start3A_246 = arith.constant 0 : i32
      %dma_start3A_247 = tpu.memref_slice %arg7[%dma_start3A_241, %dma_start3A_246] : memref<8x128xi32, #tpu.memory_space<vmem>> -> memref<1x128xi32, #tpu.memory_space<vmem>>
      %dma_start3A_248 = tpu.memref_squeeze %dma_start3A_247 : memref<1x128xi32, #tpu.memory_space<vmem>> -> memref<128xi32, #tpu.memory_space<vmem>>
      %dma_start3A_249 = tpu.memref_slice %arg2[%add3A_240] : memref<589824xi32, #tpu.memory_space<hbm>> -> memref<128xi32, #tpu.memory_space<hbm>>
      tpu.enqueue_dma source(%dma_start3A_249 : memref<128xi32, #tpu.memory_space<hbm>>) target(%dma_start3A_248 : memref<128xi32, #tpu.memory_space<vmem>>) target_semaphore(%arg16 : memref<!tpu.dma_semaphore, #tpu.memory_space<semaphore_mem>>)
      %mul3A_250 = arith.constant 8 : i32
      %mul3A_251 = arith.muli %add3A_233, %mul3A_250 : i32
      %add3A_252 = arith.constant 1 : i32
      %add3A_253 = arith.addi %mul3A_251, %add3A_252 : i32
      %mul3A_254 = arith.constant 128 : i32
      %mul3A_255 = arith.muli %add3A_253, %mul3A_254 : i32
      %add3A_256 = arith.addi %mul3A_2, %mul3A_255 : i32
      %dma_start3A_257 = arith.constant 1 : i32
      %dma_start3A_258 = arith.constant 0 : i32
      %dma_start3A_259 = tpu.memref_slice %arg7[%dma_start3A_257, %dma_start3A_258] : memref<8x128xi32, #tpu.memory_space<vmem>> -> memref<1x128xi32, #tpu.memory_space<vmem>>
      %dma_start3A_260 = tpu.memref_squeeze %dma_start3A_259 : memref<1x128xi32, #tpu.memory_space<vmem>> -> memref<128xi32, #tpu.memory_space<vmem>>
      %dma_start3A_261 = tpu.memref_slice %arg2[%add3A_256] : memref<589824xi32, #tpu.memory_space<hbm>> -> memref<128xi32, #tpu.memory_space<hbm>>
      %dma_start3A_262 = arith.constant 0 : i32
      %dma_start3A_263 = tpu.memref_slice %arg7[%dma_start3A_257, %dma_start3A_262] : memref<8x128xi32, #tpu.memory_space<vmem>> -> memref<1x128xi32, #tpu.memory_space<vmem>>
      %dma_start3A_264 = tpu.memref_squeeze %dma_start3A_263 : memref<1x128xi32, #tpu.memory_space<vmem>> -> memref<128xi32, #tpu.memory_space<vmem>>
      %dma_start3A_265 = tpu.memref_slice %arg2[%add3A_256] : memref<589824xi32, #tpu.memory_space<hbm>> -> memref<128xi32, #tpu.memory_space<hbm>>
      tpu.enqueue_dma source(%dma_start3A_265 : memref<128xi32, #tpu.memory_space<hbm>>) target(%dma_start3A_264 : memref<128xi32, #tpu.memory_space<vmem>>) target_semaphore(%arg16 : memref<!tpu.dma_semaphore, #tpu.memory_space<semaphore_mem>>)
      %mul3A_266 = arith.constant 8 : i32
      %mul3A_267 = arith.muli %add3A_233, %mul3A_266 : i32
      %add3A_268 = arith.constant 2 : i32
      %add3A_269 = arith.addi %mul3A_267, %add3A_268 : i32
      %mul3A_270 = arith.constant 128 : i32
      %mul3A_271 = arith.muli %add3A_269, %mul3A_270 : i32
      %add3A_272 = arith.addi %mul3A_2, %mul3A_271 : i32
      %dma_start3A_273 = arith.constant 2 : i32
      %dma_start3A_274 = arith.constant 0 : i32
      %dma_start3A_275 = tpu.memref_slice %arg7[%dma_start3A_273, %dma_start3A_274] : memref<8x128xi32, #tpu.memory_space<vmem>> -> memref<1x128xi32, #tpu.memory_space<vmem>>
      %dma_start3A_276 = tpu.memref_squeeze %dma_start3A_275 : memref<1x128xi32, #tpu.memory_space<vmem>> -> memref<128xi32, #tpu.memory_space<vmem>>
      %dma_start3A_277 = tpu.memref_slice %arg2[%add3A_272] : memref<589824xi32, #tpu.memory_space<hbm>> -> memref<128xi32, #tpu.memory_space<hbm>>
      %dma_start3A_278 = arith.constant 0 : i32
      %dma_start3A_279 = tpu.memref_slice %arg7[%dma_start3A_273, %dma_start3A_278] : memref<8x128xi32, #tpu.memory_space<vmem>> -> memref<1x128xi32, #tpu.memory_space<vmem>>
      %dma_start3A_280 = tpu.memref_squeeze %dma_start3A_279 : memref<1x128xi32, #tpu.memory_space<vmem>> -> memref<128xi32, #tpu.memory_space<vmem>>
      %dma_start3A_281 = tpu.memref_slice %arg2[%add3A_272] : memref<589824xi32, #tpu.memory_space<hbm>> -> memref<128xi32, #tpu.memory_space<hbm>>
      tpu.enqueue_dma source(%dma_start3A_281 : memref<128xi32, #tpu.memory_space<hbm>>) target(%dma_start3A_280 : memref<128xi32, #tpu.memory_space<vmem>>) target_semaphore(%arg16 : memref<!tpu.dma_semaphore, #tpu.memory_space<semaphore_mem>>)
      %mul3A_282 = arith.constant 8 : i32
      %mul3A_283 = arith.muli %add3A_233, %mul3A_282 : i32
      %add3A_284 = arith.constant 3 : i32
      %add3A_285 = arith.addi %mul3A_283, %add3A_284 : i32
      %mul3A_286 = arith.constant 128 : i32
      %mul3A_287 = arith.muli %add3A_285, %mul3A_286 : i32
      %add3A_288 = arith.addi %mul3A_2, %mul3A_287 : i32
      %dma_start3A_289 = arith.constant 3 : i32
      %dma_start3A_290 = arith.constant 0 : i32
      %dma_start3A_291 = tpu.memref_slice %arg7[%dma_start3A_289, %dma_start3A_290] : memref<8x128xi32, #tpu.memory_space<vmem>> -> memref<1x128xi32, #tpu.memory_space<vmem>>
      %dma_start3A_292 = tpu.memref_squeeze %dma_start3A_291 : memref<1x128xi32, #tpu.memory_space<vmem>> -> memref<128xi32, #tpu.memory_space<vmem>>
      %dma_start3A_293 = tpu.memref_slice %arg2[%add3A_288] : memref<589824xi32, #tpu.memory_space<hbm>> -> memref<128xi32, #tpu.memory_space<hbm>>
      %dma_start3A_294 = arith.constant 0 : i32
      %dma_start3A_295 = tpu.memref_slice %arg7[%dma_start3A_289, %dma_start3A_294] : memref<8x128xi32, #tpu.memory_space<vmem>> -> memref<1x128xi32, #tpu.memory_space<vmem>>
      %dma_start3A_296 = tpu.memref_squeeze %dma_start3A_295 : memref<1x128xi32, #tpu.memory_space<vmem>> -> memref<128xi32, #tpu.memory_space<vmem>>
      %dma_start3A_297 = tpu.memref_slice %arg2[%add3A_288] : memref<589824xi32, #tpu.memory_space<hbm>> -> memref<128xi32, #tpu.memory_space<hbm>>
      tpu.enqueue_dma source(%dma_start3A_297 : memref<128xi32, #tpu.memory_space<hbm>>) target(%dma_start3A_296 : memref<128xi32, #tpu.memory_space<vmem>>) target_semaphore(%arg16 : memref<!tpu.dma_semaphore, #tpu.memory_space<semaphore_mem>>)
      %mul3A_298 = arith.constant 8 : i32
      %mul3A_299 = arith.muli %add3A_233, %mul3A_298 : i32
      %add3A_300 = arith.constant 4 : i32
      %add3A_301 = arith.addi %mul3A_299, %add3A_300 : i32
      %mul3A_302 = arith.constant 128 : i32
      %mul3A_303 = arith.muli %add3A_301, %mul3A_302 : i32
      %add3A_304 = arith.addi %mul3A_2, %mul3A_303 : i32
      %dma_start3A_305 = arith.constant 4 : i32
      %dma_start3A_306 = arith.constant 0 : i32
      %dma_start3A_307 = tpu.memref_slice %arg7[%dma_start3A_305, %dma_start3A_306] : memref<8x128xi32, #tpu.memory_space<vmem>> -> memref<1x128xi32, #tpu.memory_space<vmem>>
      %dma_start3A_308 = tpu.memref_squeeze %dma_start3A_307 : memref<1x128xi32, #tpu.memory_space<vmem>> -> memref<128xi32, #tpu.memory_space<vmem>>
      %dma_start3A_309 = tpu.memref_slice %arg2[%add3A_304] : memref<589824xi32, #tpu.memory_space<hbm>> -> memref<128xi32, #tpu.memory_space<hbm>>
      %dma_start3A_310 = arith.constant 0 : i32
      %dma_start3A_311 = tpu.memref_slice %arg7[%dma_start3A_305, %dma_start3A_310] : memref<8x128xi32, #tpu.memory_space<vmem>> -> memref<1x128xi32, #tpu.memory_space<vmem>>
      %dma_start3A_312 = tpu.memref_squeeze %dma_start3A_311 : memref<1x128xi32, #tpu.memory_space<vmem>> -> memref<128xi32, #tpu.memory_space<vmem>>
      %dma_start3A_313 = tpu.memref_slice %arg2[%add3A_304] : memref<589824xi32, #tpu.memory_space<hbm>> -> memref<128xi32, #tpu.memory_space<hbm>>
      tpu.enqueue_dma source(%dma_start3A_313 : memref<128xi32, #tpu.memory_space<hbm>>) target(%dma_start3A_312 : memref<128xi32, #tpu.memory_space<vmem>>) target_semaphore(%arg16 : memref<!tpu.dma_semaphore, #tpu.memory_space<semaphore_mem>>)
      %mul3A_314 = arith.constant 8 : i32
      %mul3A_315 = arith.muli %add3A_233, %mul3A_314 : i32
      %add3A_316 = arith.constant 5 : i32
      %add3A_317 = arith.addi %mul3A_315, %add3A_316 : i32
      %mul3A_318 = arith.constant 128 : i32
      %mul3A_319 = arith.muli %add3A_317, %mul3A_318 : i32
      %add3A_320 = arith.addi %mul3A_2, %mul3A_319 : i32
      %dma_start3A_321 = arith.constant 5 : i32
      %dma_start3A_322 = arith.constant 0 : i32
      %dma_start3A_323 = tpu.memref_slice %arg7[%dma_start3A_321, %dma_start3A_322] : memref<8x128xi32, #tpu.memory_space<vmem>> -> memref<1x128xi32, #tpu.memory_space<vmem>>
      %dma_start3A_324 = tpu.memref_squeeze %dma_start3A_323 : memref<1x128xi32, #tpu.memory_space<vmem>> -> memref<128xi32, #tpu.memory_space<vmem>>
      %dma_start3A_325 = tpu.memref_slice %arg2[%add3A_320] : memref<589824xi32, #tpu.memory_space<hbm>> -> memref<128xi32, #tpu.memory_space<hbm>>
      %dma_start3A_326 = arith.constant 0 : i32
      %dma_start3A_327 = tpu.memref_slice %arg7[%dma_start3A_321, %dma_start3A_326] : memref<8x128xi32, #tpu.memory_space<vmem>> -> memref<1x128xi32, #tpu.memory_space<vmem>>
      %dma_start3A_328 = tpu.memref_squeeze %dma_start3A_327 : memref<1x128xi32, #tpu.memory_space<vmem>> -> memref<128xi32, #tpu.memory_space<vmem>>
      %dma_start3A_329 = tpu.memref_slice %arg2[%add3A_320] : memref<589824xi32, #tpu.memory_space<hbm>> -> memref<128xi32, #tpu.memory_space<hbm>>
      tpu.enqueue_dma source(%dma_start3A_329 : memref<128xi32, #tpu.memory_space<hbm>>) target(%dma_start3A_328 : memref<128xi32, #tpu.memory_space<vmem>>) target_semaphore(%arg16 : memref<!tpu.dma_semaphore, #tpu.memory_space<semaphore_mem>>)
      %mul3A_330 = arith.constant 8 : i32
      %mul3A_331 = arith.muli %add3A_233, %mul3A_330 : i32
      %add3A_332 = arith.constant 6 : i32
      %add3A_333 = arith.addi %mul3A_331, %add3A_332 : i32
      %mul3A_334 = arith.constant 128 : i32
      %mul3A_335 = arith.muli %add3A_333, %mul3A_334 : i32
      %add3A_336 = arith.addi %mul3A_2, %mul3A_335 : i32
      %dma_start3A_337 = arith.constant 6 : i32
      %dma_start3A_338 = arith.constant 0 : i32
      %dma_start3A_339 = tpu.memref_slice %arg7[%dma_start3A_337, %dma_start3A_338] : memref<8x128xi32, #tpu.memory_space<vmem>> -> memref<1x128xi32, #tpu.memory_space<vmem>>
      %dma_start3A_340 = tpu.memref_squeeze %dma_start3A_339 : memref<1x128xi32, #tpu.memory_space<vmem>> -> memref<128xi32, #tpu.memory_space<vmem>>
      %dma_start3A_341 = tpu.memref_slice %arg2[%add3A_336] : memref<589824xi32, #tpu.memory_space<hbm>> -> memref<128xi32, #tpu.memory_space<hbm>>
      %dma_start3A_342 = arith.constant 0 : i32
      %dma_start3A_343 = tpu.memref_slice %arg7[%dma_start3A_337, %dma_start3A_342] : memref<8x128xi32, #tpu.memory_space<vmem>> -> memref<1x128xi32, #tpu.memory_space<vmem>>
      %dma_start3A_344 = tpu.memref_squeeze %dma_start3A_343 : memref<1x128xi32, #tpu.memory_space<vmem>> -> memref<128xi32, #tpu.memory_space<vmem>>
      %dma_start3A_345 = tpu.memref_slice %arg2[%add3A_336] : memref<589824xi32, #tpu.memory_space<hbm>> -> memref<128xi32, #tpu.memory_space<hbm>>
      tpu.enqueue_dma source(%dma_start3A_345 : memref<128xi32, #tpu.memory_space<hbm>>) target(%dma_start3A_344 : memref<128xi32, #tpu.memory_space<vmem>>) target_semaphore(%arg16 : memref<!tpu.dma_semaphore, #tpu.memory_space<semaphore_mem>>)
      %mul3A_346 = arith.constant 8 : i32
      %mul3A_347 = arith.muli %add3A_233, %mul3A_346 : i32
      %add3A_348 = arith.constant 7 : i32
      %add3A_349 = arith.addi %mul3A_347, %add3A_348 : i32
      %mul3A_350 = arith.constant 128 : i32
      %mul3A_351 = arith.muli %add3A_349, %mul3A_350 : i32
      %add3A_352 = arith.addi %mul3A_2, %mul3A_351 : i32
      %dma_start3A_353 = arith.constant 7 : i32
      %dma_start3A_354 = arith.constant 0 : i32
      %dma_start3A_355 = tpu.memref_slice %arg7[%dma_start3A_353, %dma_start3A_354] : memref<8x128xi32, #tpu.memory_space<vmem>> -> memref<1x128xi32, #tpu.memory_space<vmem>>
      %dma_start3A_356 = tpu.memref_squeeze %dma_start3A_355 : memref<1x128xi32, #tpu.memory_space<vmem>> -> memref<128xi32, #tpu.memory_space<vmem>>
      %dma_start3A_357 = tpu.memref_slice %arg2[%add3A_352] : memref<589824xi32, #tpu.memory_space<hbm>> -> memref<128xi32, #tpu.memory_space<hbm>>
      %dma_start3A_358 = arith.constant 0 : i32
      %dma_start3A_359 = tpu.memref_slice %arg7[%dma_start3A_353, %dma_start3A_358] : memref<8x128xi32, #tpu.memory_space<vmem>> -> memref<1x128xi32, #tpu.memory_space<vmem>>
      %dma_start3A_360 = tpu.memref_squeeze %dma_start3A_359 : memref<1x128xi32, #tpu.memory_space<vmem>> -> memref<128xi32, #tpu.memory_space<vmem>>
      %dma_start3A_361 = tpu.memref_slice %arg2[%add3A_352] : memref<589824xi32, #tpu.memory_space<hbm>> -> memref<128xi32, #tpu.memory_space<hbm>>
      tpu.enqueue_dma source(%dma_start3A_361 : memref<128xi32, #tpu.memory_space<hbm>>) target(%dma_start3A_360 : memref<128xi32, #tpu.memory_space<vmem>>) target_semaphore(%arg16 : memref<!tpu.dma_semaphore, #tpu.memory_space<semaphore_mem>>)
      %dma_wait3A_362 = arith.constant 0 : i32
      %dma_wait3A_363 = arith.constant 0 : i32
      %dma_wait3A_364 = tpu.memref_slice %arg6[%dma_wait3A_362, %dma_wait3A_363] : memref<8x128xi32, #tpu.memory_space<vmem>> -> memref<1x128xi32, #tpu.memory_space<vmem>>
      %dma_wait3A_365 = tpu.memref_squeeze %dma_wait3A_364 : memref<1x128xi32, #tpu.memory_space<vmem>> -> memref<128xi32, #tpu.memory_space<vmem>>
      %dma_wait3A_366 = tpu.memref_slice %arg2[%mul3A_2] : memref<589824xi32, #tpu.memory_space<hbm>> -> memref<128xi32, #tpu.memory_space<hbm>>
      %dma_wait3A_367 = arith.constant 0 : i32
      %dma_wait3A_368 = tpu.memref_slice %arg6[%dma_wait3A_362, %dma_wait3A_367] : memref<8x128xi32, #tpu.memory_space<vmem>> -> memref<1x128xi32, #tpu.memory_space<vmem>>
      %dma_wait3A_369 = tpu.memref_squeeze %dma_wait3A_368 : memref<1x128xi32, #tpu.memory_space<vmem>> -> memref<128xi32, #tpu.memory_space<vmem>>
      %dma_wait3A_370 = tpu.memref_slice %arg2[%mul3A_2] : memref<589824xi32, #tpu.memory_space<hbm>> -> memref<128xi32, #tpu.memory_space<hbm>>
      tpu.wait_dma2 semaphore(%arg15 : memref<!tpu.dma_semaphore, #tpu.memory_space<semaphore_mem>>) src(%dma_wait3A_370 : memref<128xi32, #tpu.memory_space<hbm>>) dst(%dma_wait3A_369 : memref<128xi32, #tpu.memory_space<vmem>>)
      %dma_wait3A_371 = arith.constant 1 : i32
      %dma_wait3A_372 = arith.constant 0 : i32
      %dma_wait3A_373 = tpu.memref_slice %arg6[%dma_wait3A_371, %dma_wait3A_372] : memref<8x128xi32, #tpu.memory_space<vmem>> -> memref<1x128xi32, #tpu.memory_space<vmem>>
      %dma_wait3A_374 = tpu.memref_squeeze %dma_wait3A_373 : memref<1x128xi32, #tpu.memory_space<vmem>> -> memref<128xi32, #tpu.memory_space<vmem>>
      %dma_wait3A_375 = tpu.memref_slice %arg2[%mul3A_2] : memref<589824xi32, #tpu.memory_space<hbm>> -> memref<128xi32, #tpu.memory_space<hbm>>
      %dma_wait3A_376 = arith.constant 0 : i32
      %dma_wait3A_377 = tpu.memref_slice %arg6[%dma_wait3A_371, %dma_wait3A_376] : memref<8x128xi32, #tpu.memory_space<vmem>> -> memref<1x128xi32, #tpu.memory_space<vmem>>
      %dma_wait3A_378 = tpu.memref_squeeze %dma_wait3A_377 : memref<1x128xi32, #tpu.memory_space<vmem>> -> memref<128xi32, #tpu.memory_space<vmem>>
      %dma_wait3A_379 = tpu.memref_slice %arg2[%mul3A_2] : memref<589824xi32, #tpu.memory_space<hbm>> -> memref<128xi32, #tpu.memory_space<hbm>>
      tpu.wait_dma2 semaphore(%arg15 : memref<!tpu.dma_semaphore, #tpu.memory_space<semaphore_mem>>) src(%dma_wait3A_379 : memref<128xi32, #tpu.memory_space<hbm>>) dst(%dma_wait3A_378 : memref<128xi32, #tpu.memory_space<vmem>>)
      %dma_wait3A_380 = arith.constant 2 : i32
      %dma_wait3A_381 = arith.constant 0 : i32
      %dma_wait3A_382 = tpu.memref_slice %arg6[%dma_wait3A_380, %dma_wait3A_381] : memref<8x128xi32, #tpu.memory_space<vmem>> -> memref<1x128xi32, #tpu.memory_space<vmem>>
      %dma_wait3A_383 = tpu.memref_squeeze %dma_wait3A_382 : memref<1x128xi32, #tpu.memory_space<vmem>> -> memref<128xi32, #tpu.memory_space<vmem>>
      %dma_wait3A_384 = tpu.memref_slice %arg2[%mul3A_2] : memref<589824xi32, #tpu.memory_space<hbm>> -> memref<128xi32, #tpu.memory_space<hbm>>
      %dma_wait3A_385 = arith.constant 0 : i32
      %dma_wait3A_386 = tpu.memref_slice %arg6[%dma_wait3A_380, %dma_wait3A_385] : memref<8x128xi32, #tpu.memory_space<vmem>> -> memref<1x128xi32, #tpu.memory_space<vmem>>
      %dma_wait3A_387 = tpu.memref_squeeze %dma_wait3A_386 : memref<1x128xi32, #tpu.memory_space<vmem>> -> memref<128xi32, #tpu.memory_space<vmem>>
      %dma_wait3A_388 = tpu.memref_slice %arg2[%mul3A_2] : memref<589824xi32, #tpu.memory_space<hbm>> -> memref<128xi32, #tpu.memory_space<hbm>>
      tpu.wait_dma2 semaphore(%arg15 : memref<!tpu.dma_semaphore, #tpu.memory_space<semaphore_mem>>) src(%dma_wait3A_388 : memref<128xi32, #tpu.memory_space<hbm>>) dst(%dma_wait3A_387 : memref<128xi32, #tpu.memory_space<vmem>>)
      %dma_wait3A_389 = arith.constant 3 : i32
      %dma_wait3A_390 = arith.constant 0 : i32
      %dma_wait3A_391 = tpu.memref_slice %arg6[%dma_wait3A_389, %dma_wait3A_390] : memref<8x128xi32, #tpu.memory_space<vmem>> -> memref<1x128xi32, #tpu.memory_space<vmem>>
      %dma_wait3A_392 = tpu.memref_squeeze %dma_wait3A_391 : memref<1x128xi32, #tpu.memory_space<vmem>> -> memref<128xi32, #tpu.memory_space<vmem>>
      %dma_wait3A_393 = tpu.memref_slice %arg2[%mul3A_2] : memref<589824xi32, #tpu.memory_space<hbm>> -> memref<128xi32, #tpu.memory_space<hbm>>
      %dma_wait3A_394 = arith.constant 0 : i32
      %dma_wait3A_395 = tpu.memref_slice %arg6[%dma_wait3A_389, %dma_wait3A_394] : memref<8x128xi32, #tpu.memory_space<vmem>> -> memref<1x128xi32, #tpu.memory_space<vmem>>
      %dma_wait3A_396 = tpu.memref_squeeze %dma_wait3A_395 : memref<1x128xi32, #tpu.memory_space<vmem>> -> memref<128xi32, #tpu.memory_space<vmem>>
      %dma_wait3A_397 = tpu.memref_slice %arg2[%mul3A_2] : memref<589824xi32, #tpu.memory_space<hbm>> -> memref<128xi32, #tpu.memory_space<hbm>>
      tpu.wait_dma2 semaphore(%arg15 : memref<!tpu.dma_semaphore, #tpu.memory_space<semaphore_mem>>) src(%dma_wait3A_397 : memref<128xi32, #tpu.memory_space<hbm>>) dst(%dma_wait3A_396 : memref<128xi32, #tpu.memory_space<vmem>>)
      %dma_wait3A_398 = arith.constant 4 : i32
      %dma_wait3A_399 = arith.constant 0 : i32
      %dma_wait3A_400 = tpu.memref_slice %arg6[%dma_wait3A_398, %dma_wait3A_399] : memref<8x128xi32, #tpu.memory_space<vmem>> -> memref<1x128xi32, #tpu.memory_space<vmem>>
      %dma_wait3A_401 = tpu.memref_squeeze %dma_wait3A_400 : memref<1x128xi32, #tpu.memory_space<vmem>> -> memref<128xi32, #tpu.memory_space<vmem>>
      %dma_wait3A_402 = tpu.memref_slice %arg2[%mul3A_2] : memref<589824xi32, #tpu.memory_space<hbm>> -> memref<128xi32, #tpu.memory_space<hbm>>
      %dma_wait3A_403 = arith.constant 0 : i32
      %dma_wait3A_404 = tpu.memref_slice %arg6[%dma_wait3A_398, %dma_wait3A_403] : memref<8x128xi32, #tpu.memory_space<vmem>> -> memref<1x128xi32, #tpu.memory_space<vmem>>
      %dma_wait3A_405 = tpu.memref_squeeze %dma_wait3A_404 : memref<1x128xi32, #tpu.memory_space<vmem>> -> memref<128xi32, #tpu.memory_space<vmem>>
      %dma_wait3A_406 = tpu.memref_slice %arg2[%mul3A_2] : memref<589824xi32, #tpu.memory_space<hbm>> -> memref<128xi32, #tpu.memory_space<hbm>>
      tpu.wait_dma2 semaphore(%arg15 : memref<!tpu.dma_semaphore, #tpu.memory_space<semaphore_mem>>) src(%dma_wait3A_406 : memref<128xi32, #tpu.memory_space<hbm>>) dst(%dma_wait3A_405 : memref<128xi32, #tpu.memory_space<vmem>>)
      %dma_wait3A_407 = arith.constant 5 : i32
      %dma_wait3A_408 = arith.constant 0 : i32
      %dma_wait3A_409 = tpu.memref_slice %arg6[%dma_wait3A_407, %dma_wait3A_408] : memref<8x128xi32, #tpu.memory_space<vmem>> -> memref<1x128xi32, #tpu.memory_space<vmem>>
      %dma_wait3A_410 = tpu.memref_squeeze %dma_wait3A_409 : memref<1x128xi32, #tpu.memory_space<vmem>> -> memref<128xi32, #tpu.memory_space<vmem>>
      %dma_wait3A_411 = tpu.memref_slice %arg2[%mul3A_2] : memref<589824xi32, #tpu.memory_space<hbm>> -> memref<128xi32, #tpu.memory_space<hbm>>
      %dma_wait3A_412 = arith.constant 0 : i32
      %dma_wait3A_413 = tpu.memref_slice %arg6[%dma_wait3A_407, %dma_wait3A_412] : memref<8x128xi32, #tpu.memory_space<vmem>> -> memref<1x128xi32, #tpu.memory_space<vmem>>
      %dma_wait3A_414 = tpu.memref_squeeze %dma_wait3A_413 : memref<1x128xi32, #tpu.memory_space<vmem>> -> memref<128xi32, #tpu.memory_space<vmem>>
      %dma_wait3A_415 = tpu.memref_slice %arg2[%mul3A_2] : memref<589824xi32, #tpu.memory_space<hbm>> -> memref<128xi32, #tpu.memory_space<hbm>>
      tpu.wait_dma2 semaphore(%arg15 : memref<!tpu.dma_semaphore, #tpu.memory_space<semaphore_mem>>) src(%dma_wait3A_415 : memref<128xi32, #tpu.memory_space<hbm>>) dst(%dma_wait3A_414 : memref<128xi32, #tpu.memory_space<vmem>>)
      %dma_wait3A_416 = arith.constant 6 : i32
      %dma_wait3A_417 = arith.constant 0 : i32
      %dma_wait3A_418 = tpu.memref_slice %arg6[%dma_wait3A_416, %dma_wait3A_417] : memref<8x128xi32, #tpu.memory_space<vmem>> -> memref<1x128xi32, #tpu.memory_space<vmem>>
      %dma_wait3A_419 = tpu.memref_squeeze %dma_wait3A_418 : memref<1x128xi32, #tpu.memory_space<vmem>> -> memref<128xi32, #tpu.memory_space<vmem>>
      %dma_wait3A_420 = tpu.memref_slice %arg2[%mul3A_2] : memref<589824xi32, #tpu.memory_space<hbm>> -> memref<128xi32, #tpu.memory_space<hbm>>
      %dma_wait3A_421 = arith.constant 0 : i32
      %dma_wait3A_422 = tpu.memref_slice %arg6[%dma_wait3A_416, %dma_wait3A_421] : memref<8x128xi32, #tpu.memory_space<vmem>> -> memref<1x128xi32, #tpu.memory_space<vmem>>
      %dma_wait3A_423 = tpu.memref_squeeze %dma_wait3A_422 : memref<1x128xi32, #tpu.memory_space<vmem>> -> memref<128xi32, #tpu.memory_space<vmem>>
      %dma_wait3A_424 = tpu.memref_slice %arg2[%mul3A_2] : memref<589824xi32, #tpu.memory_space<hbm>> -> memref<128xi32, #tpu.memory_space<hbm>>
      tpu.wait_dma2 semaphore(%arg15 : memref<!tpu.dma_semaphore, #tpu.memory_space<semaphore_mem>>) src(%dma_wait3A_424 : memref<128xi32, #tpu.memory_space<hbm>>) dst(%dma_wait3A_423 : memref<128xi32, #tpu.memory_space<vmem>>)
      %dma_wait3A_425 = arith.constant 7 : i32
      %dma_wait3A_426 = arith.constant 0 : i32
      %dma_wait3A_427 = tpu.memref_slice %arg6[%dma_wait3A_425, %dma_wait3A_426] : memref<8x128xi32, #tpu.memory_space<vmem>> -> memref<1x128xi32, #tpu.memory_space<vmem>>
      %dma_wait3A_428 = tpu.memref_squeeze %dma_wait3A_427 : memref<1x128xi32, #tpu.memory_space<vmem>> -> memref<128xi32, #tpu.memory_space<vmem>>
      %dma_wait3A_429 = tpu.memref_slice %arg2[%mul3A_2] : memref<589824xi32, #tpu.memory_space<hbm>> -> memref<128xi32, #tpu.memory_space<hbm>>
      %dma_wait3A_430 = arith.constant 0 : i32
      %dma_wait3A_431 = tpu.memref_slice %arg6[%dma_wait3A_425, %dma_wait3A_430] : memref<8x128xi32, #tpu.memory_space<vmem>> -> memref<1x128xi32, #tpu.memory_space<vmem>>
      %dma_wait3A_432 = tpu.memref_squeeze %dma_wait3A_431 : memref<1x128xi32, #tpu.memory_space<vmem>> -> memref<128xi32, #tpu.memory_space<vmem>>
      %dma_wait3A_433 = tpu.memref_slice %arg2[%mul3A_2] : memref<589824xi32, #tpu.memory_space<hbm>> -> memref<128xi32, #tpu.memory_space<hbm>>
      tpu.wait_dma2 semaphore(%arg15 : memref<!tpu.dma_semaphore, #tpu.memory_space<semaphore_mem>>) src(%dma_wait3A_433 : memref<128xi32, #tpu.memory_space<hbm>>) dst(%dma_wait3A_432 : memref<128xi32, #tpu.memory_space<vmem>>)
      %dma_start3A_434 = arith.constant 0 : i32
      %dma_start3A_435 = arith.constant 0 : i32
      %dma_start3A_436 = tpu.memref_slice %arg6[%dma_start3A_434, %dma_start3A_435] : memref<8x128xi32, #tpu.memory_space<vmem>> -> memref<1x128xi32, #tpu.memory_space<vmem>>
      %dma_start3A_437 = tpu.memref_squeeze %dma_start3A_436 : memref<1x128xi32, #tpu.memory_space<vmem>> -> memref<128xi32, #tpu.memory_space<vmem>>
      %dma_start3A_438 = arith.constant 0 : i32
      %dma_start3A_439 = tpu.memref_slice %arg14[%dma_start3A_438] : memref<100096xf32, #tpu.memory_space<vmem_shared>> -> memref<100096xf32, #tpu.memory_space<vmem_shared>>
      tpu.enqueue_indirect_dma source(%arg12 : memref<128xf32, #tpu.memory_space<vmem>>) target(%dma_start3A_439 : memref<100096xf32, #tpu.memory_space<vmem_shared>>) offsets(%dma_start3A_437 : memref<128xi32, #tpu.memory_space<vmem>>) semaphore(%arg17 : memref<!tpu.dma_semaphore, #tpu.memory_space<semaphore_mem>>) {add = true}
      %dma_start3A_440 = arith.constant 1 : i32
      %dma_start3A_441 = arith.constant 0 : i32
      %dma_start3A_442 = tpu.memref_slice %arg6[%dma_start3A_440, %dma_start3A_441] : memref<8x128xi32, #tpu.memory_space<vmem>> -> memref<1x128xi32, #tpu.memory_space<vmem>>
      %dma_start3A_443 = tpu.memref_squeeze %dma_start3A_442 : memref<1x128xi32, #tpu.memory_space<vmem>> -> memref<128xi32, #tpu.memory_space<vmem>>
      %dma_start3A_444 = arith.constant 0 : i32
      %dma_start3A_445 = tpu.memref_slice %arg14[%dma_start3A_444] : memref<100096xf32, #tpu.memory_space<vmem_shared>> -> memref<100096xf32, #tpu.memory_space<vmem_shared>>
      tpu.enqueue_indirect_dma source(%arg12 : memref<128xf32, #tpu.memory_space<vmem>>) target(%dma_start3A_445 : memref<100096xf32, #tpu.memory_space<vmem_shared>>) offsets(%dma_start3A_443 : memref<128xi32, #tpu.memory_space<vmem>>) semaphore(%arg17 : memref<!tpu.dma_semaphore, #tpu.memory_space<semaphore_mem>>) {add = true}
      %dma_start3A_446 = arith.constant 2 : i32
      %dma_start3A_447 = arith.constant 0 : i32
      %dma_start3A_448 = tpu.memref_slice %arg6[%dma_start3A_446, %dma_start3A_447] : memref<8x128xi32, #tpu.memory_space<vmem>> -> memref<1x128xi32, #tpu.memory_space<vmem>>
      %dma_start3A_449 = tpu.memref_squeeze %dma_start3A_448 : memref<1x128xi32, #tpu.memory_space<vmem>> -> memref<128xi32, #tpu.memory_space<vmem>>
      %dma_start3A_450 = arith.constant 0 : i32
      %dma_start3A_451 = tpu.memref_slice %arg14[%dma_start3A_450] : memref<100096xf32, #tpu.memory_space<vmem_shared>> -> memref<100096xf32, #tpu.memory_space<vmem_shared>>
      tpu.enqueue_indirect_dma source(%arg12 : memref<128xf32, #tpu.memory_space<vmem>>) target(%dma_start3A_451 : memref<100096xf32, #tpu.memory_space<vmem_shared>>) offsets(%dma_start3A_449 : memref<128xi32, #tpu.memory_space<vmem>>) semaphore(%arg17 : memref<!tpu.dma_semaphore, #tpu.memory_space<semaphore_mem>>) {add = true}
      %dma_start3A_452 = arith.constant 3 : i32
      %dma_start3A_453 = arith.constant 0 : i32
      %dma_start3A_454 = tpu.memref_slice %arg6[%dma_start3A_452, %dma_start3A_453] : memref<8x128xi32, #tpu.memory_space<vmem>> -> memref<1x128xi32, #tpu.memory_space<vmem>>
      %dma_start3A_455 = tpu.memref_squeeze %dma_start3A_454 : memref<1x128xi32, #tpu.memory_space<vmem>> -> memref<128xi32, #tpu.memory_space<vmem>>
      %dma_start3A_456 = arith.constant 0 : i32
      %dma_start3A_457 = tpu.memref_slice %arg14[%dma_start3A_456] : memref<100096xf32, #tpu.memory_space<vmem_shared>> -> memref<100096xf32, #tpu.memory_space<vmem_shared>>
      tpu.enqueue_indirect_dma source(%arg12 : memref<128xf32, #tpu.memory_space<vmem>>) target(%dma_start3A_457 : memref<100096xf32, #tpu.memory_space<vmem_shared>>) offsets(%dma_start3A_455 : memref<128xi32, #tpu.memory_space<vmem>>) semaphore(%arg17 : memref<!tpu.dma_semaphore, #tpu.memory_space<semaphore_mem>>) {add = true}
      %dma_start3A_458 = arith.constant 4 : i32
      %dma_start3A_459 = arith.constant 0 : i32
      %dma_start3A_460 = tpu.memref_slice %arg6[%dma_start3A_458, %dma_start3A_459] : memref<8x128xi32, #tpu.memory_space<vmem>> -> memref<1x128xi32, #tpu.memory_space<vmem>>
      %dma_start3A_461 = tpu.memref_squeeze %dma_start3A_460 : memref<1x128xi32, #tpu.memory_space<vmem>> -> memref<128xi32, #tpu.memory_space<vmem>>
      %dma_start3A_462 = arith.constant 0 : i32
      %dma_start3A_463 = tpu.memref_slice %arg14[%dma_start3A_462] : memref<100096xf32, #tpu.memory_space<vmem_shared>> -> memref<100096xf32, #tpu.memory_space<vmem_shared>>
      tpu.enqueue_indirect_dma source(%arg12 : memref<128xf32, #tpu.memory_space<vmem>>) target(%dma_start3A_463 : memref<100096xf32, #tpu.memory_space<vmem_shared>>) offsets(%dma_start3A_461 : memref<128xi32, #tpu.memory_space<vmem>>) semaphore(%arg17 : memref<!tpu.dma_semaphore, #tpu.memory_space<semaphore_mem>>) {add = true}
      %dma_start3A_464 = arith.constant 5 : i32
      %dma_start3A_465 = arith.constant 0 : i32
      %dma_start3A_466 = tpu.memref_slice %arg6[%dma_start3A_464, %dma_start3A_465] : memref<8x128xi32, #tpu.memory_space<vmem>> -> memref<1x128xi32, #tpu.memory_space<vmem>>
      %dma_start3A_467 = tpu.memref_squeeze %dma_start3A_466 : memref<1x128xi32, #tpu.memory_space<vmem>> -> memref<128xi32, #tpu.memory_space<vmem>>
      %dma_start3A_468 = arith.constant 0 : i32
      %dma_start3A_469 = tpu.memref_slice %arg14[%dma_start3A_468] : memref<100096xf32, #tpu.memory_space<vmem_shared>> -> memref<100096xf32, #tpu.memory_space<vmem_shared>>
      tpu.enqueue_indirect_dma source(%arg12 : memref<128xf32, #tpu.memory_space<vmem>>) target(%dma_start3A_469 : memref<100096xf32, #tpu.memory_space<vmem_shared>>) offsets(%dma_start3A_467 : memref<128xi32, #tpu.memory_space<vmem>>) semaphore(%arg17 : memref<!tpu.dma_semaphore, #tpu.memory_space<semaphore_mem>>) {add = true}
      %dma_start3A_470 = arith.constant 6 : i32
      %dma_start3A_471 = arith.constant 0 : i32
      %dma_start3A_472 = tpu.memref_slice %arg6[%dma_start3A_470, %dma_start3A_471] : memref<8x128xi32, #tpu.memory_space<vmem>> -> memref<1x128xi32, #tpu.memory_space<vmem>>
      %dma_start3A_473 = tpu.memref_squeeze %dma_start3A_472 : memref<1x128xi32, #tpu.memory_space<vmem>> -> memref<128xi32, #tpu.memory_space<vmem>>
      %dma_start3A_474 = arith.constant 0 : i32
      %dma_start3A_475 = tpu.memref_slice %arg14[%dma_start3A_474] : memref<100096xf32, #tpu.memory_space<vmem_shared>> -> memref<100096xf32, #tpu.memory_space<vmem_shared>>
      tpu.enqueue_indirect_dma source(%arg12 : memref<128xf32, #tpu.memory_space<vmem>>) target(%dma_start3A_475 : memref<100096xf32, #tpu.memory_space<vmem_shared>>) offsets(%dma_start3A_473 : memref<128xi32, #tpu.memory_space<vmem>>) semaphore(%arg17 : memref<!tpu.dma_semaphore, #tpu.memory_space<semaphore_mem>>) {add = true}
      %dma_start3A_476 = arith.constant 7 : i32
      %dma_start3A_477 = arith.constant 0 : i32
      %dma_start3A_478 = tpu.memref_slice %arg6[%dma_start3A_476, %dma_start3A_477] : memref<8x128xi32, #tpu.memory_space<vmem>> -> memref<1x128xi32, #tpu.memory_space<vmem>>
      %dma_start3A_479 = tpu.memref_squeeze %dma_start3A_478 : memref<1x128xi32, #tpu.memory_space<vmem>> -> memref<128xi32, #tpu.memory_space<vmem>>
      %dma_start3A_480 = arith.constant 0 : i32
      %dma_start3A_481 = tpu.memref_slice %arg14[%dma_start3A_480] : memref<100096xf32, #tpu.memory_space<vmem_shared>> -> memref<100096xf32, #tpu.memory_space<vmem_shared>>
      tpu.enqueue_indirect_dma source(%arg12 : memref<128xf32, #tpu.memory_space<vmem>>) target(%dma_start3A_481 : memref<100096xf32, #tpu.memory_space<vmem_shared>>) offsets(%dma_start3A_479 : memref<128xi32, #tpu.memory_space<vmem>>) semaphore(%arg17 : memref<!tpu.dma_semaphore, #tpu.memory_space<semaphore_mem>>) {add = true}
      %dma_wait3A_482 = arith.constant 0 : i32
      %dma_wait3A_483 = arith.constant 0 : i32
      %dma_wait3A_484 = tpu.memref_slice %arg6[%dma_wait3A_482, %dma_wait3A_483] : memref<8x128xi32, #tpu.memory_space<vmem>> -> memref<1x128xi32, #tpu.memory_space<vmem>>
      %dma_wait3A_485 = tpu.memref_squeeze %dma_wait3A_484 : memref<1x128xi32, #tpu.memory_space<vmem>> -> memref<128xi32, #tpu.memory_space<vmem>>
      %dma_wait3A_486 = arith.constant 0 : i32
      %dma_wait3A_487 = tpu.memref_slice %arg14[%dma_wait3A_486] : memref<100096xf32, #tpu.memory_space<vmem_shared>> -> memref<100096xf32, #tpu.memory_space<vmem_shared>>
      tpu.wait_indirect_dma semaphore(%arg17 : memref<!tpu.dma_semaphore, #tpu.memory_space<semaphore_mem>>) src(%arg12 : memref<128xf32, #tpu.memory_space<vmem>>) dst(%dma_wait3A_487 : memref<100096xf32, #tpu.memory_space<vmem_shared>>)
      %dma_wait3A_488 = arith.constant 1 : i32
      %dma_wait3A_489 = arith.constant 0 : i32
      %dma_wait3A_490 = tpu.memref_slice %arg6[%dma_wait3A_488, %dma_wait3A_489] : memref<8x128xi32, #tpu.memory_space<vmem>> -> memref<1x128xi32, #tpu.memory_space<vmem>>
      %dma_wait3A_491 = tpu.memref_squeeze %dma_wait3A_490 : memref<1x128xi32, #tpu.memory_space<vmem>> -> memref<128xi32, #tpu.memory_space<vmem>>
      %dma_wait3A_492 = arith.constant 0 : i32
      %dma_wait3A_493 = tpu.memref_slice %arg14[%dma_wait3A_492] : memref<100096xf32, #tpu.memory_space<vmem_shared>> -> memref<100096xf32, #tpu.memory_space<vmem_shared>>
      tpu.wait_indirect_dma semaphore(%arg17 : memref<!tpu.dma_semaphore, #tpu.memory_space<semaphore_mem>>) src(%arg12 : memref<128xf32, #tpu.memory_space<vmem>>) dst(%dma_wait3A_493 : memref<100096xf32, #tpu.memory_space<vmem_shared>>)
      %dma_wait3A_494 = arith.constant 2 : i32
      %dma_wait3A_495 = arith.constant 0 : i32
      %dma_wait3A_496 = tpu.memref_slice %arg6[%dma_wait3A_494, %dma_wait3A_495] : memref<8x128xi32, #tpu.memory_space<vmem>> -> memref<1x128xi32, #tpu.memory_space<vmem>>
      %dma_wait3A_497 = tpu.memref_squeeze %dma_wait3A_496 : memref<1x128xi32, #tpu.memory_space<vmem>> -> memref<128xi32, #tpu.memory_space<vmem>>
      %dma_wait3A_498 = arith.constant 0 : i32
      %dma_wait3A_499 = tpu.memref_slice %arg14[%dma_wait3A_498] : memref<100096xf32, #tpu.memory_space<vmem_shared>> -> memref<100096xf32, #tpu.memory_space<vmem_shared>>
      tpu.wait_indirect_dma semaphore(%arg17 : memref<!tpu.dma_semaphore, #tpu.memory_space<semaphore_mem>>) src(%arg12 : memref<128xf32, #tpu.memory_space<vmem>>) dst(%dma_wait3A_499 : memref<100096xf32, #tpu.memory_space<vmem_shared>>)
      %dma_wait3A_500 = arith.constant 3 : i32
      %dma_wait3A_501 = arith.constant 0 : i32
      %dma_wait3A_502 = tpu.memref_slice %arg6[%dma_wait3A_500, %dma_wait3A_501] : memref<8x128xi32, #tpu.memory_space<vmem>> -> memref<1x128xi32, #tpu.memory_space<vmem>>
      %dma_wait3A_503 = tpu.memref_squeeze %dma_wait3A_502 : memref<1x128xi32, #tpu.memory_space<vmem>> -> memref<128xi32, #tpu.memory_space<vmem>>
      %dma_wait3A_504 = arith.constant 0 : i32
      %dma_wait3A_505 = tpu.memref_slice %arg14[%dma_wait3A_504] : memref<100096xf32, #tpu.memory_space<vmem_shared>> -> memref<100096xf32, #tpu.memory_space<vmem_shared>>
      tpu.wait_indirect_dma semaphore(%arg17 : memref<!tpu.dma_semaphore, #tpu.memory_space<semaphore_mem>>) src(%arg12 : memref<128xf32, #tpu.memory_space<vmem>>) dst(%dma_wait3A_505 : memref<100096xf32, #tpu.memory_space<vmem_shared>>)
      %dma_wait3A_506 = arith.constant 4 : i32
      %dma_wait3A_507 = arith.constant 0 : i32
      %dma_wait3A_508 = tpu.memref_slice %arg6[%dma_wait3A_506, %dma_wait3A_507] : memref<8x128xi32, #tpu.memory_space<vmem>> -> memref<1x128xi32, #tpu.memory_space<vmem>>
      %dma_wait3A_509 = tpu.memref_squeeze %dma_wait3A_508 : memref<1x128xi32, #tpu.memory_space<vmem>> -> memref<128xi32, #tpu.memory_space<vmem>>
      %dma_wait3A_510 = arith.constant 0 : i32
      %dma_wait3A_511 = tpu.memref_slice %arg14[%dma_wait3A_510] : memref<100096xf32, #tpu.memory_space<vmem_shared>> -> memref<100096xf32, #tpu.memory_space<vmem_shared>>
      tpu.wait_indirect_dma semaphore(%arg17 : memref<!tpu.dma_semaphore, #tpu.memory_space<semaphore_mem>>) src(%arg12 : memref<128xf32, #tpu.memory_space<vmem>>) dst(%dma_wait3A_511 : memref<100096xf32, #tpu.memory_space<vmem_shared>>)
      %dma_wait3A_512 = arith.constant 5 : i32
      %dma_wait3A_513 = arith.constant 0 : i32
      %dma_wait3A_514 = tpu.memref_slice %arg6[%dma_wait3A_512, %dma_wait3A_513] : memref<8x128xi32, #tpu.memory_space<vmem>> -> memref<1x128xi32, #tpu.memory_space<vmem>>
      %dma_wait3A_515 = tpu.memref_squeeze %dma_wait3A_514 : memref<1x128xi32, #tpu.memory_space<vmem>> -> memref<128xi32, #tpu.memory_space<vmem>>
      %dma_wait3A_516 = arith.constant 0 : i32
      %dma_wait3A_517 = tpu.memref_slice %arg14[%dma_wait3A_516] : memref<100096xf32, #tpu.memory_space<vmem_shared>> -> memref<100096xf32, #tpu.memory_space<vmem_shared>>
      tpu.wait_indirect_dma semaphore(%arg17 : memref<!tpu.dma_semaphore, #tpu.memory_space<semaphore_mem>>) src(%arg12 : memref<128xf32, #tpu.memory_space<vmem>>) dst(%dma_wait3A_517 : memref<100096xf32, #tpu.memory_space<vmem_shared>>)
      %dma_wait3A_518 = arith.constant 6 : i32
      %dma_wait3A_519 = arith.constant 0 : i32
      %dma_wait3A_520 = tpu.memref_slice %arg6[%dma_wait3A_518, %dma_wait3A_519] : memref<8x128xi32, #tpu.memory_space<vmem>> -> memref<1x128xi32, #tpu.memory_space<vmem>>
      %dma_wait3A_521 = tpu.memref_squeeze %dma_wait3A_520 : memref<1x128xi32, #tpu.memory_space<vmem>> -> memref<128xi32, #tpu.memory_space<vmem>>
      %dma_wait3A_522 = arith.constant 0 : i32
      %dma_wait3A_523 = tpu.memref_slice %arg14[%dma_wait3A_522] : memref<100096xf32, #tpu.memory_space<vmem_shared>> -> memref<100096xf32, #tpu.memory_space<vmem_shared>>
      tpu.wait_indirect_dma semaphore(%arg17 : memref<!tpu.dma_semaphore, #tpu.memory_space<semaphore_mem>>) src(%arg12 : memref<128xf32, #tpu.memory_space<vmem>>) dst(%dma_wait3A_523 : memref<100096xf32, #tpu.memory_space<vmem_shared>>)
      %dma_wait3A_524 = arith.constant 7 : i32
      %dma_wait3A_525 = arith.constant 0 : i32
      %dma_wait3A_526 = tpu.memref_slice %arg6[%dma_wait3A_524, %dma_wait3A_525] : memref<8x128xi32, #tpu.memory_space<vmem>> -> memref<1x128xi32, #tpu.memory_space<vmem>>
      %dma_wait3A_527 = tpu.memref_squeeze %dma_wait3A_526 : memref<1x128xi32, #tpu.memory_space<vmem>> -> memref<128xi32, #tpu.memory_space<vmem>>
      %dma_wait3A_528 = arith.constant 0 : i32
      %dma_wait3A_529 = tpu.memref_slice %arg14[%dma_wait3A_528] : memref<100096xf32, #tpu.memory_space<vmem_shared>> -> memref<100096xf32, #tpu.memory_space<vmem_shared>>
      tpu.wait_indirect_dma semaphore(%arg17 : memref<!tpu.dma_semaphore, #tpu.memory_space<semaphore_mem>>) src(%arg12 : memref<128xf32, #tpu.memory_space<vmem>>) dst(%dma_wait3A_529 : memref<100096xf32, #tpu.memory_space<vmem_shared>>)
      %lt3A = arith.constant 8 : i32
      %lt3A_530 = arith.cmpi slt, %add3A_227, %lt3A : i32
      %convert_element_type3A_531 = arith.extui %lt3A_530 : i1 to i32
      %cond3A_532 = arith.constant 0 : i32
      %cond3A_533 = arith.cmpi ne, %convert_element_type3A_531, %cond3A_532 : i32
      scf.if %cond3A_533 {
        %mul3A_654 = arith.constant 2 : i32
        %mul3A_655 = arith.muli %mul3A_654, %add3A_227 : i32
        %add3A_656 = arith.constant 2 : i32
        %add3A_657 = arith.addi %mul3A_655, %add3A_656 : i32
        %mul3A_658 = arith.constant 8 : i32
        %mul3A_659 = arith.muli %add3A_657, %mul3A_658 : i32
        %add3A_660 = arith.constant 0 : i32
        %add3A_661 = arith.addi %mul3A_659, %add3A_660 : i32
        %mul3A_662 = arith.constant 128 : i32
        %mul3A_663 = arith.muli %add3A_661, %mul3A_662 : i32
        %add3A_664 = arith.addi %mul3A_2, %mul3A_663 : i32
        %dma_start3A_665 = arith.constant 0 : i32
        %dma_start3A_666 = arith.constant 0 : i32
        %dma_start3A_667 = tpu.memref_slice %arg6[%dma_start3A_665, %dma_start3A_666] : memref<8x128xi32, #tpu.memory_space<vmem>> -> memref<1x128xi32, #tpu.memory_space<vmem>>
        %dma_start3A_668 = tpu.memref_squeeze %dma_start3A_667 : memref<1x128xi32, #tpu.memory_space<vmem>> -> memref<128xi32, #tpu.memory_space<vmem>>
        %dma_start3A_669 = tpu.memref_slice %arg2[%add3A_664] : memref<589824xi32, #tpu.memory_space<hbm>> -> memref<128xi32, #tpu.memory_space<hbm>>
        %dma_start3A_670 = arith.constant 0 : i32
        %dma_start3A_671 = tpu.memref_slice %arg6[%dma_start3A_665, %dma_start3A_670] : memref<8x128xi32, #tpu.memory_space<vmem>> -> memref<1x128xi32, #tpu.memory_space<vmem>>
        %dma_start3A_672 = tpu.memref_squeeze %dma_start3A_671 : memref<1x128xi32, #tpu.memory_space<vmem>> -> memref<128xi32, #tpu.memory_space<vmem>>
        %dma_start3A_673 = tpu.memref_slice %arg2[%add3A_664] : memref<589824xi32, #tpu.memory_space<hbm>> -> memref<128xi32, #tpu.memory_space<hbm>>
        tpu.enqueue_dma source(%dma_start3A_673 : memref<128xi32, #tpu.memory_space<hbm>>) target(%dma_start3A_672 : memref<128xi32, #tpu.memory_space<vmem>>) target_semaphore(%arg15 : memref<!tpu.dma_semaphore, #tpu.memory_space<semaphore_mem>>)
        %mul3A_674 = arith.constant 8 : i32
        %mul3A_675 = arith.muli %add3A_657, %mul3A_674 : i32
        %add3A_676 = arith.constant 1 : i32
        %add3A_677 = arith.addi %mul3A_675, %add3A_676 : i32
        %mul3A_678 = arith.constant 128 : i32
        %mul3A_679 = arith.muli %add3A_677, %mul3A_678 : i32
        %add3A_680 = arith.addi %mul3A_2, %mul3A_679 : i32
        %dma_start3A_681 = arith.constant 1 : i32
        %dma_start3A_682 = arith.constant 0 : i32
        %dma_start3A_683 = tpu.memref_slice %arg6[%dma_start3A_681, %dma_start3A_682] : memref<8x128xi32, #tpu.memory_space<vmem>> -> memref<1x128xi32, #tpu.memory_space<vmem>>
        %dma_start3A_684 = tpu.memref_squeeze %dma_start3A_683 : memref<1x128xi32, #tpu.memory_space<vmem>> -> memref<128xi32, #tpu.memory_space<vmem>>
        %dma_start3A_685 = tpu.memref_slice %arg2[%add3A_680] : memref<589824xi32, #tpu.memory_space<hbm>> -> memref<128xi32, #tpu.memory_space<hbm>>
        %dma_start3A_686 = arith.constant 0 : i32
        %dma_start3A_687 = tpu.memref_slice %arg6[%dma_start3A_681, %dma_start3A_686] : memref<8x128xi32, #tpu.memory_space<vmem>> -> memref<1x128xi32, #tpu.memory_space<vmem>>
        %dma_start3A_688 = tpu.memref_squeeze %dma_start3A_687 : memref<1x128xi32, #tpu.memory_space<vmem>> -> memref<128xi32, #tpu.memory_space<vmem>>
        %dma_start3A_689 = tpu.memref_slice %arg2[%add3A_680] : memref<589824xi32, #tpu.memory_space<hbm>> -> memref<128xi32, #tpu.memory_space<hbm>>
        tpu.enqueue_dma source(%dma_start3A_689 : memref<128xi32, #tpu.memory_space<hbm>>) target(%dma_start3A_688 : memref<128xi32, #tpu.memory_space<vmem>>) target_semaphore(%arg15 : memref<!tpu.dma_semaphore, #tpu.memory_space<semaphore_mem>>)
        %mul3A_690 = arith.constant 8 : i32
        %mul3A_691 = arith.muli %add3A_657, %mul3A_690 : i32
        %add3A_692 = arith.constant 2 : i32
        %add3A_693 = arith.addi %mul3A_691, %add3A_692 : i32
        %mul3A_694 = arith.constant 128 : i32
        %mul3A_695 = arith.muli %add3A_693, %mul3A_694 : i32
        %add3A_696 = arith.addi %mul3A_2, %mul3A_695 : i32
        %dma_start3A_697 = arith.constant 2 : i32
        %dma_start3A_698 = arith.constant 0 : i32
        %dma_start3A_699 = tpu.memref_slice %arg6[%dma_start3A_697, %dma_start3A_698] : memref<8x128xi32, #tpu.memory_space<vmem>> -> memref<1x128xi32, #tpu.memory_space<vmem>>
        %dma_start3A_700 = tpu.memref_squeeze %dma_start3A_699 : memref<1x128xi32, #tpu.memory_space<vmem>> -> memref<128xi32, #tpu.memory_space<vmem>>
        %dma_start3A_701 = tpu.memref_slice %arg2[%add3A_696] : memref<589824xi32, #tpu.memory_space<hbm>> -> memref<128xi32, #tpu.memory_space<hbm>>
        %dma_start3A_702 = arith.constant 0 : i32
        %dma_start3A_703 = tpu.memref_slice %arg6[%dma_start3A_697, %dma_start3A_702] : memref<8x128xi32, #tpu.memory_space<vmem>> -> memref<1x128xi32, #tpu.memory_space<vmem>>
        %dma_start3A_704 = tpu.memref_squeeze %dma_start3A_703 : memref<1x128xi32, #tpu.memory_space<vmem>> -> memref<128xi32, #tpu.memory_space<vmem>>
        %dma_start3A_705 = tpu.memref_slice %arg2[%add3A_696] : memref<589824xi32, #tpu.memory_space<hbm>> -> memref<128xi32, #tpu.memory_space<hbm>>
        tpu.enqueue_dma source(%dma_start3A_705 : memref<128xi32, #tpu.memory_space<hbm>>) target(%dma_start3A_704 : memref<128xi32, #tpu.memory_space<vmem>>) target_semaphore(%arg15 : memref<!tpu.dma_semaphore, #tpu.memory_space<semaphore_mem>>)
        %mul3A_706 = arith.constant 8 : i32
        %mul3A_707 = arith.muli %add3A_657, %mul3A_706 : i32
        %add3A_708 = arith.constant 3 : i32
        %add3A_709 = arith.addi %mul3A_707, %add3A_708 : i32
        %mul3A_710 = arith.constant 128 : i32
        %mul3A_711 = arith.muli %add3A_709, %mul3A_710 : i32
        %add3A_712 = arith.addi %mul3A_2, %mul3A_711 : i32
        %dma_start3A_713 = arith.constant 3 : i32
        %dma_start3A_714 = arith.constant 0 : i32
        %dma_start3A_715 = tpu.memref_slice %arg6[%dma_start3A_713, %dma_start3A_714] : memref<8x128xi32, #tpu.memory_space<vmem>> -> memref<1x128xi32, #tpu.memory_space<vmem>>
        %dma_start3A_716 = tpu.memref_squeeze %dma_start3A_715 : memref<1x128xi32, #tpu.memory_space<vmem>> -> memref<128xi32, #tpu.memory_space<vmem>>
        %dma_start3A_717 = tpu.memref_slice %arg2[%add3A_712] : memref<589824xi32, #tpu.memory_space<hbm>> -> memref<128xi32, #tpu.memory_space<hbm>>
        %dma_start3A_718 = arith.constant 0 : i32
        %dma_start3A_719 = tpu.memref_slice %arg6[%dma_start3A_713, %dma_start3A_718] : memref<8x128xi32, #tpu.memory_space<vmem>> -> memref<1x128xi32, #tpu.memory_space<vmem>>
        %dma_start3A_720 = tpu.memref_squeeze %dma_start3A_719 : memref<1x128xi32, #tpu.memory_space<vmem>> -> memref<128xi32, #tpu.memory_space<vmem>>
        %dma_start3A_721 = tpu.memref_slice %arg2[%add3A_712] : memref<589824xi32, #tpu.memory_space<hbm>> -> memref<128xi32, #tpu.memory_space<hbm>>
        tpu.enqueue_dma source(%dma_start3A_721 : memref<128xi32, #tpu.memory_space<hbm>>) target(%dma_start3A_720 : memref<128xi32, #tpu.memory_space<vmem>>) target_semaphore(%arg15 : memref<!tpu.dma_semaphore, #tpu.memory_space<semaphore_mem>>)
        %mul3A_722 = arith.constant 8 : i32
        %mul3A_723 = arith.muli %add3A_657, %mul3A_722 : i32
        %add3A_724 = arith.constant 4 : i32
        %add3A_725 = arith.addi %mul3A_723, %add3A_724 : i32
        %mul3A_726 = arith.constant 128 : i32
        %mul3A_727 = arith.muli %add3A_725, %mul3A_726 : i32
        %add3A_728 = arith.addi %mul3A_2, %mul3A_727 : i32
        %dma_start3A_729 = arith.constant 4 : i32
        %dma_start3A_730 = arith.constant 0 : i32
        %dma_start3A_731 = tpu.memref_slice %arg6[%dma_start3A_729, %dma_start3A_730] : memref<8x128xi32, #tpu.memory_space<vmem>> -> memref<1x128xi32, #tpu.memory_space<vmem>>
        %dma_start3A_732 = tpu.memref_squeeze %dma_start3A_731 : memref<1x128xi32, #tpu.memory_space<vmem>> -> memref<128xi32, #tpu.memory_space<vmem>>
        %dma_start3A_733 = tpu.memref_slice %arg2[%add3A_728] : memref<589824xi32, #tpu.memory_space<hbm>> -> memref<128xi32, #tpu.memory_space<hbm>>
        %dma_start3A_734 = arith.constant 0 : i32
        %dma_start3A_735 = tpu.memref_slice %arg6[%dma_start3A_729, %dma_start3A_734] : memref<8x128xi32, #tpu.memory_space<vmem>> -> memref<1x128xi32, #tpu.memory_space<vmem>>
        %dma_start3A_736 = tpu.memref_squeeze %dma_start3A_735 : memref<1x128xi32, #tpu.memory_space<vmem>> -> memref<128xi32, #tpu.memory_space<vmem>>
        %dma_start3A_737 = tpu.memref_slice %arg2[%add3A_728] : memref<589824xi32, #tpu.memory_space<hbm>> -> memref<128xi32, #tpu.memory_space<hbm>>
        tpu.enqueue_dma source(%dma_start3A_737 : memref<128xi32, #tpu.memory_space<hbm>>) target(%dma_start3A_736 : memref<128xi32, #tpu.memory_space<vmem>>) target_semaphore(%arg15 : memref<!tpu.dma_semaphore, #tpu.memory_space<semaphore_mem>>)
        %mul3A_738 = arith.constant 8 : i32
        %mul3A_739 = arith.muli %add3A_657, %mul3A_738 : i32
        %add3A_740 = arith.constant 5 : i32
        %add3A_741 = arith.addi %mul3A_739, %add3A_740 : i32
        %mul3A_742 = arith.constant 128 : i32
        %mul3A_743 = arith.muli %add3A_741, %mul3A_742 : i32
        %add3A_744 = arith.addi %mul3A_2, %mul3A_743 : i32
        %dma_start3A_745 = arith.constant 5 : i32
        %dma_start3A_746 = arith.constant 0 : i32
        %dma_start3A_747 = tpu.memref_slice %arg6[%dma_start3A_745, %dma_start3A_746] : memref<8x128xi32, #tpu.memory_space<vmem>> -> memref<1x128xi32, #tpu.memory_space<vmem>>
        %dma_start3A_748 = tpu.memref_squeeze %dma_start3A_747 : memref<1x128xi32, #tpu.memory_space<vmem>> -> memref<128xi32, #tpu.memory_space<vmem>>
        %dma_start3A_749 = tpu.memref_slice %arg2[%add3A_744] : memref<589824xi32, #tpu.memory_space<hbm>> -> memref<128xi32, #tpu.memory_space<hbm>>
        %dma_start3A_750 = arith.constant 0 : i32
        %dma_start3A_751 = tpu.memref_slice %arg6[%dma_start3A_745, %dma_start3A_750] : memref<8x128xi32, #tpu.memory_space<vmem>> -> memref<1x128xi32, #tpu.memory_space<vmem>>
        %dma_start3A_752 = tpu.memref_squeeze %dma_start3A_751 : memref<1x128xi32, #tpu.memory_space<vmem>> -> memref<128xi32, #tpu.memory_space<vmem>>
        %dma_start3A_753 = tpu.memref_slice %arg2[%add3A_744] : memref<589824xi32, #tpu.memory_space<hbm>> -> memref<128xi32, #tpu.memory_space<hbm>>
        tpu.enqueue_dma source(%dma_start3A_753 : memref<128xi32, #tpu.memory_space<hbm>>) target(%dma_start3A_752 : memref<128xi32, #tpu.memory_space<vmem>>) target_semaphore(%arg15 : memref<!tpu.dma_semaphore, #tpu.memory_space<semaphore_mem>>)
        %mul3A_754 = arith.constant 8 : i32
        %mul3A_755 = arith.muli %add3A_657, %mul3A_754 : i32
        %add3A_756 = arith.constant 6 : i32
        %add3A_757 = arith.addi %mul3A_755, %add3A_756 : i32
        %mul3A_758 = arith.constant 128 : i32
        %mul3A_759 = arith.muli %add3A_757, %mul3A_758 : i32
        %add3A_760 = arith.addi %mul3A_2, %mul3A_759 : i32
        %dma_start3A_761 = arith.constant 6 : i32
        %dma_start3A_762 = arith.constant 0 : i32
        %dma_start3A_763 = tpu.memref_slice %arg6[%dma_start3A_761, %dma_start3A_762] : memref<8x128xi32, #tpu.memory_space<vmem>> -> memref<1x128xi32, #tpu.memory_space<vmem>>
        %dma_start3A_764 = tpu.memref_squeeze %dma_start3A_763 : memref<1x128xi32, #tpu.memory_space<vmem>> -> memref<128xi32, #tpu.memory_space<vmem>>
        %dma_start3A_765 = tpu.memref_slice %arg2[%add3A_760] : memref<589824xi32, #tpu.memory_space<hbm>> -> memref<128xi32, #tpu.memory_space<hbm>>
        %dma_start3A_766 = arith.constant 0 : i32
        %dma_start3A_767 = tpu.memref_slice %arg6[%dma_start3A_761, %dma_start3A_766] : memref<8x128xi32, #tpu.memory_space<vmem>> -> memref<1x128xi32, #tpu.memory_space<vmem>>
        %dma_start3A_768 = tpu.memref_squeeze %dma_start3A_767 : memref<1x128xi32, #tpu.memory_space<vmem>> -> memref<128xi32, #tpu.memory_space<vmem>>
        %dma_start3A_769 = tpu.memref_slice %arg2[%add3A_760] : memref<589824xi32, #tpu.memory_space<hbm>> -> memref<128xi32, #tpu.memory_space<hbm>>
        tpu.enqueue_dma source(%dma_start3A_769 : memref<128xi32, #tpu.memory_space<hbm>>) target(%dma_start3A_768 : memref<128xi32, #tpu.memory_space<vmem>>) target_semaphore(%arg15 : memref<!tpu.dma_semaphore, #tpu.memory_space<semaphore_mem>>)
        %mul3A_770 = arith.constant 8 : i32
        %mul3A_771 = arith.muli %add3A_657, %mul3A_770 : i32
        %add3A_772 = arith.constant 7 : i32
        %add3A_773 = arith.addi %mul3A_771, %add3A_772 : i32
        %mul3A_774 = arith.constant 128 : i32
        %mul3A_775 = arith.muli %add3A_773, %mul3A_774 : i32
        %add3A_776 = arith.addi %mul3A_2, %mul3A_775 : i32
        %dma_start3A_777 = arith.constant 7 : i32
        %dma_start3A_778 = arith.constant 0 : i32
        %dma_start3A_779 = tpu.memref_slice %arg6[%dma_start3A_777, %dma_start3A_778] : memref<8x128xi32, #tpu.memory_space<vmem>> -> memref<1x128xi32, #tpu.memory_space<vmem>>
        %dma_start3A_780 = tpu.memref_squeeze %dma_start3A_779 : memref<1x128xi32, #tpu.memory_space<vmem>> -> memref<128xi32, #tpu.memory_space<vmem>>
        %dma_start3A_781 = tpu.memref_slice %arg2[%add3A_776] : memref<589824xi32, #tpu.memory_space<hbm>> -> memref<128xi32, #tpu.memory_space<hbm>>
        %dma_start3A_782 = arith.constant 0 : i32
        %dma_start3A_783 = tpu.memref_slice %arg6[%dma_start3A_777, %dma_start3A_782] : memref<8x128xi32, #tpu.memory_space<vmem>> -> memref<1x128xi32, #tpu.memory_space<vmem>>
        %dma_start3A_784 = tpu.memref_squeeze %dma_start3A_783 : memref<1x128xi32, #tpu.memory_space<vmem>> -> memref<128xi32, #tpu.memory_space<vmem>>
        %dma_start3A_785 = tpu.memref_slice %arg2[%add3A_776] : memref<589824xi32, #tpu.memory_space<hbm>> -> memref<128xi32, #tpu.memory_space<hbm>>
        tpu.enqueue_dma source(%dma_start3A_785 : memref<128xi32, #tpu.memory_space<hbm>>) target(%dma_start3A_784 : memref<128xi32, #tpu.memory_space<vmem>>) target_semaphore(%arg15 : memref<!tpu.dma_semaphore, #tpu.memory_space<semaphore_mem>>)
      } else {
      }
      %dma_wait3A_534 = arith.constant 0 : i32
      %dma_wait3A_535 = arith.constant 0 : i32
      %dma_wait3A_536 = tpu.memref_slice %arg7[%dma_wait3A_534, %dma_wait3A_535] : memref<8x128xi32, #tpu.memory_space<vmem>> -> memref<1x128xi32, #tpu.memory_space<vmem>>
      %dma_wait3A_537 = tpu.memref_squeeze %dma_wait3A_536 : memref<1x128xi32, #tpu.memory_space<vmem>> -> memref<128xi32, #tpu.memory_space<vmem>>
      %dma_wait3A_538 = tpu.memref_slice %arg2[%mul3A_2] : memref<589824xi32, #tpu.memory_space<hbm>> -> memref<128xi32, #tpu.memory_space<hbm>>
      %dma_wait3A_539 = arith.constant 0 : i32
      %dma_wait3A_540 = tpu.memref_slice %arg7[%dma_wait3A_534, %dma_wait3A_539] : memref<8x128xi32, #tpu.memory_space<vmem>> -> memref<1x128xi32, #tpu.memory_space<vmem>>
      %dma_wait3A_541 = tpu.memref_squeeze %dma_wait3A_540 : memref<1x128xi32, #tpu.memory_space<vmem>> -> memref<128xi32, #tpu.memory_space<vmem>>
      %dma_wait3A_542 = tpu.memref_slice %arg2[%mul3A_2] : memref<589824xi32, #tpu.memory_space<hbm>> -> memref<128xi32, #tpu.memory_space<hbm>>
      tpu.wait_dma2 semaphore(%arg16 : memref<!tpu.dma_semaphore, #tpu.memory_space<semaphore_mem>>) src(%dma_wait3A_542 : memref<128xi32, #tpu.memory_space<hbm>>) dst(%dma_wait3A_541 : memref<128xi32, #tpu.memory_space<vmem>>)
      %dma_wait3A_543 = arith.constant 1 : i32
      %dma_wait3A_544 = arith.constant 0 : i32
      %dma_wait3A_545 = tpu.memref_slice %arg7[%dma_wait3A_543, %dma_wait3A_544] : memref<8x128xi32, #tpu.memory_space<vmem>> -> memref<1x128xi32, #tpu.memory_space<vmem>>
      %dma_wait3A_546 = tpu.memref_squeeze %dma_wait3A_545 : memref<1x128xi32, #tpu.memory_space<vmem>> -> memref<128xi32, #tpu.memory_space<vmem>>
      %dma_wait3A_547 = tpu.memref_slice %arg2[%mul3A_2] : memref<589824xi32, #tpu.memory_space<hbm>> -> memref<128xi32, #tpu.memory_space<hbm>>
      %dma_wait3A_548 = arith.constant 0 : i32
      %dma_wait3A_549 = tpu.memref_slice %arg7[%dma_wait3A_543, %dma_wait3A_548] : memref<8x128xi32, #tpu.memory_space<vmem>> -> memref<1x128xi32, #tpu.memory_space<vmem>>
      %dma_wait3A_550 = tpu.memref_squeeze %dma_wait3A_549 : memref<1x128xi32, #tpu.memory_space<vmem>> -> memref<128xi32, #tpu.memory_space<vmem>>
      %dma_wait3A_551 = tpu.memref_slice %arg2[%mul3A_2] : memref<589824xi32, #tpu.memory_space<hbm>> -> memref<128xi32, #tpu.memory_space<hbm>>
      tpu.wait_dma2 semaphore(%arg16 : memref<!tpu.dma_semaphore, #tpu.memory_space<semaphore_mem>>) src(%dma_wait3A_551 : memref<128xi32, #tpu.memory_space<hbm>>) dst(%dma_wait3A_550 : memref<128xi32, #tpu.memory_space<vmem>>)
      %dma_wait3A_552 = arith.constant 2 : i32
      %dma_wait3A_553 = arith.constant 0 : i32
      %dma_wait3A_554 = tpu.memref_slice %arg7[%dma_wait3A_552, %dma_wait3A_553] : memref<8x128xi32, #tpu.memory_space<vmem>> -> memref<1x128xi32, #tpu.memory_space<vmem>>
      %dma_wait3A_555 = tpu.memref_squeeze %dma_wait3A_554 : memref<1x128xi32, #tpu.memory_space<vmem>> -> memref<128xi32, #tpu.memory_space<vmem>>
      %dma_wait3A_556 = tpu.memref_slice %arg2[%mul3A_2] : memref<589824xi32, #tpu.memory_space<hbm>> -> memref<128xi32, #tpu.memory_space<hbm>>
      %dma_wait3A_557 = arith.constant 0 : i32
      %dma_wait3A_558 = tpu.memref_slice %arg7[%dma_wait3A_552, %dma_wait3A_557] : memref<8x128xi32, #tpu.memory_space<vmem>> -> memref<1x128xi32, #tpu.memory_space<vmem>>
      %dma_wait3A_559 = tpu.memref_squeeze %dma_wait3A_558 : memref<1x128xi32, #tpu.memory_space<vmem>> -> memref<128xi32, #tpu.memory_space<vmem>>
      %dma_wait3A_560 = tpu.memref_slice %arg2[%mul3A_2] : memref<589824xi32, #tpu.memory_space<hbm>> -> memref<128xi32, #tpu.memory_space<hbm>>
      tpu.wait_dma2 semaphore(%arg16 : memref<!tpu.dma_semaphore, #tpu.memory_space<semaphore_mem>>) src(%dma_wait3A_560 : memref<128xi32, #tpu.memory_space<hbm>>) dst(%dma_wait3A_559 : memref<128xi32, #tpu.memory_space<vmem>>)
      %dma_wait3A_561 = arith.constant 3 : i32
      %dma_wait3A_562 = arith.constant 0 : i32
      %dma_wait3A_563 = tpu.memref_slice %arg7[%dma_wait3A_561, %dma_wait3A_562] : memref<8x128xi32, #tpu.memory_space<vmem>> -> memref<1x128xi32, #tpu.memory_space<vmem>>
      %dma_wait3A_564 = tpu.memref_squeeze %dma_wait3A_563 : memref<1x128xi32, #tpu.memory_space<vmem>> -> memref<128xi32, #tpu.memory_space<vmem>>
      %dma_wait3A_565 = tpu.memref_slice %arg2[%mul3A_2] : memref<589824xi32, #tpu.memory_space<hbm>> -> memref<128xi32, #tpu.memory_space<hbm>>
      %dma_wait3A_566 = arith.constant 0 : i32
      %dma_wait3A_567 = tpu.memref_slice %arg7[%dma_wait3A_561, %dma_wait3A_566] : memref<8x128xi32, #tpu.memory_space<vmem>> -> memref<1x128xi32, #tpu.memory_space<vmem>>
      %dma_wait3A_568 = tpu.memref_squeeze %dma_wait3A_567 : memref<1x128xi32, #tpu.memory_space<vmem>> -> memref<128xi32, #tpu.memory_space<vmem>>
      %dma_wait3A_569 = tpu.memref_slice %arg2[%mul3A_2] : memref<589824xi32, #tpu.memory_space<hbm>> -> memref<128xi32, #tpu.memory_space<hbm>>
      tpu.wait_dma2 semaphore(%arg16 : memref<!tpu.dma_semaphore, #tpu.memory_space<semaphore_mem>>) src(%dma_wait3A_569 : memref<128xi32, #tpu.memory_space<hbm>>) dst(%dma_wait3A_568 : memref<128xi32, #tpu.memory_space<vmem>>)
      %dma_wait3A_570 = arith.constant 4 : i32
      %dma_wait3A_571 = arith.constant 0 : i32
      %dma_wait3A_572 = tpu.memref_slice %arg7[%dma_wait3A_570, %dma_wait3A_571] : memref<8x128xi32, #tpu.memory_space<vmem>> -> memref<1x128xi32, #tpu.memory_space<vmem>>
      %dma_wait3A_573 = tpu.memref_squeeze %dma_wait3A_572 : memref<1x128xi32, #tpu.memory_space<vmem>> -> memref<128xi32, #tpu.memory_space<vmem>>
      %dma_wait3A_574 = tpu.memref_slice %arg2[%mul3A_2] : memref<589824xi32, #tpu.memory_space<hbm>> -> memref<128xi32, #tpu.memory_space<hbm>>
      %dma_wait3A_575 = arith.constant 0 : i32
      %dma_wait3A_576 = tpu.memref_slice %arg7[%dma_wait3A_570, %dma_wait3A_575] : memref<8x128xi32, #tpu.memory_space<vmem>> -> memref<1x128xi32, #tpu.memory_space<vmem>>
      %dma_wait3A_577 = tpu.memref_squeeze %dma_wait3A_576 : memref<1x128xi32, #tpu.memory_space<vmem>> -> memref<128xi32, #tpu.memory_space<vmem>>
      %dma_wait3A_578 = tpu.memref_slice %arg2[%mul3A_2] : memref<589824xi32, #tpu.memory_space<hbm>> -> memref<128xi32, #tpu.memory_space<hbm>>
      tpu.wait_dma2 semaphore(%arg16 : memref<!tpu.dma_semaphore, #tpu.memory_space<semaphore_mem>>) src(%dma_wait3A_578 : memref<128xi32, #tpu.memory_space<hbm>>) dst(%dma_wait3A_577 : memref<128xi32, #tpu.memory_space<vmem>>)
      %dma_wait3A_579 = arith.constant 5 : i32
      %dma_wait3A_580 = arith.constant 0 : i32
      %dma_wait3A_581 = tpu.memref_slice %arg7[%dma_wait3A_579, %dma_wait3A_580] : memref<8x128xi32, #tpu.memory_space<vmem>> -> memref<1x128xi32, #tpu.memory_space<vmem>>
      %dma_wait3A_582 = tpu.memref_squeeze %dma_wait3A_581 : memref<1x128xi32, #tpu.memory_space<vmem>> -> memref<128xi32, #tpu.memory_space<vmem>>
      %dma_wait3A_583 = tpu.memref_slice %arg2[%mul3A_2] : memref<589824xi32, #tpu.memory_space<hbm>> -> memref<128xi32, #tpu.memory_space<hbm>>
      %dma_wait3A_584 = arith.constant 0 : i32
      %dma_wait3A_585 = tpu.memref_slice %arg7[%dma_wait3A_579, %dma_wait3A_584] : memref<8x128xi32, #tpu.memory_space<vmem>> -> memref<1x128xi32, #tpu.memory_space<vmem>>
      %dma_wait3A_586 = tpu.memref_squeeze %dma_wait3A_585 : memref<1x128xi32, #tpu.memory_space<vmem>> -> memref<128xi32, #tpu.memory_space<vmem>>
      %dma_wait3A_587 = tpu.memref_slice %arg2[%mul3A_2] : memref<589824xi32, #tpu.memory_space<hbm>> -> memref<128xi32, #tpu.memory_space<hbm>>
      tpu.wait_dma2 semaphore(%arg16 : memref<!tpu.dma_semaphore, #tpu.memory_space<semaphore_mem>>) src(%dma_wait3A_587 : memref<128xi32, #tpu.memory_space<hbm>>) dst(%dma_wait3A_586 : memref<128xi32, #tpu.memory_space<vmem>>)
      %dma_wait3A_588 = arith.constant 6 : i32
      %dma_wait3A_589 = arith.constant 0 : i32
      %dma_wait3A_590 = tpu.memref_slice %arg7[%dma_wait3A_588, %dma_wait3A_589] : memref<8x128xi32, #tpu.memory_space<vmem>> -> memref<1x128xi32, #tpu.memory_space<vmem>>
      %dma_wait3A_591 = tpu.memref_squeeze %dma_wait3A_590 : memref<1x128xi32, #tpu.memory_space<vmem>> -> memref<128xi32, #tpu.memory_space<vmem>>
      %dma_wait3A_592 = tpu.memref_slice %arg2[%mul3A_2] : memref<589824xi32, #tpu.memory_space<hbm>> -> memref<128xi32, #tpu.memory_space<hbm>>
      %dma_wait3A_593 = arith.constant 0 : i32
      %dma_wait3A_594 = tpu.memref_slice %arg7[%dma_wait3A_588, %dma_wait3A_593] : memref<8x128xi32, #tpu.memory_space<vmem>> -> memref<1x128xi32, #tpu.memory_space<vmem>>
      %dma_wait3A_595 = tpu.memref_squeeze %dma_wait3A_594 : memref<1x128xi32, #tpu.memory_space<vmem>> -> memref<128xi32, #tpu.memory_space<vmem>>
      %dma_wait3A_596 = tpu.memref_slice %arg2[%mul3A_2] : memref<589824xi32, #tpu.memory_space<hbm>> -> memref<128xi32, #tpu.memory_space<hbm>>
      tpu.wait_dma2 semaphore(%arg16 : memref<!tpu.dma_semaphore, #tpu.memory_space<semaphore_mem>>) src(%dma_wait3A_596 : memref<128xi32, #tpu.memory_space<hbm>>) dst(%dma_wait3A_595 : memref<128xi32, #tpu.memory_space<vmem>>)
      %dma_wait3A_597 = arith.constant 7 : i32
      %dma_wait3A_598 = arith.constant 0 : i32
      %dma_wait3A_599 = tpu.memref_slice %arg7[%dma_wait3A_597, %dma_wait3A_598] : memref<8x128xi32, #tpu.memory_space<vmem>> -> memref<1x128xi32, #tpu.memory_space<vmem>>
      %dma_wait3A_600 = tpu.memref_squeeze %dma_wait3A_599 : memref<1x128xi32, #tpu.memory_space<vmem>> -> memref<128xi32, #tpu.memory_space<vmem>>
      %dma_wait3A_601 = tpu.memref_slice %arg2[%mul3A_2] : memref<589824xi32, #tpu.memory_space<hbm>> -> memref<128xi32, #tpu.memory_space<hbm>>
      %dma_wait3A_602 = arith.constant 0 : i32
      %dma_wait3A_603 = tpu.memref_slice %arg7[%dma_wait3A_597, %dma_wait3A_602] : memref<8x128xi32, #tpu.memory_space<vmem>> -> memref<1x128xi32, #tpu.memory_space<vmem>>
      %dma_wait3A_604 = tpu.memref_squeeze %dma_wait3A_603 : memref<1x128xi32, #tpu.memory_space<vmem>> -> memref<128xi32, #tpu.memory_space<vmem>>
      %dma_wait3A_605 = tpu.memref_slice %arg2[%mul3A_2] : memref<589824xi32, #tpu.memory_space<hbm>> -> memref<128xi32, #tpu.memory_space<hbm>>
      tpu.wait_dma2 semaphore(%arg16 : memref<!tpu.dma_semaphore, #tpu.memory_space<semaphore_mem>>) src(%dma_wait3A_605 : memref<128xi32, #tpu.memory_space<hbm>>) dst(%dma_wait3A_604 : memref<128xi32, #tpu.memory_space<vmem>>)
      %dma_start3A_606 = arith.constant 0 : i32
      %dma_start3A_607 = arith.constant 0 : i32
      %dma_start3A_608 = tpu.memref_slice %arg7[%dma_start3A_606, %dma_start3A_607] : memref<8x128xi32, #tpu.memory_space<vmem>> -> memref<1x128xi32, #tpu.memory_space<vmem>>
      %dma_start3A_609 = tpu.memref_squeeze %dma_start3A_608 : memref<1x128xi32, #tpu.memory_space<vmem>> -> memref<128xi32, #tpu.memory_space<vmem>>
      %dma_start3A_610 = arith.constant 0 : i32
      %dma_start3A_611 = tpu.memref_slice %arg14[%dma_start3A_610] : memref<100096xf32, #tpu.memory_space<vmem_shared>> -> memref<100096xf32, #tpu.memory_space<vmem_shared>>
      tpu.enqueue_indirect_dma source(%arg12 : memref<128xf32, #tpu.memory_space<vmem>>) target(%dma_start3A_611 : memref<100096xf32, #tpu.memory_space<vmem_shared>>) offsets(%dma_start3A_609 : memref<128xi32, #tpu.memory_space<vmem>>) semaphore(%arg18 : memref<!tpu.dma_semaphore, #tpu.memory_space<semaphore_mem>>) {add = true}
      %dma_start3A_612 = arith.constant 1 : i32
      %dma_start3A_613 = arith.constant 0 : i32
      %dma_start3A_614 = tpu.memref_slice %arg7[%dma_start3A_612, %dma_start3A_613] : memref<8x128xi32, #tpu.memory_space<vmem>> -> memref<1x128xi32, #tpu.memory_space<vmem>>
      %dma_start3A_615 = tpu.memref_squeeze %dma_start3A_614 : memref<1x128xi32, #tpu.memory_space<vmem>> -> memref<128xi32, #tpu.memory_space<vmem>>
      %dma_start3A_616 = arith.constant 0 : i32
      %dma_start3A_617 = tpu.memref_slice %arg14[%dma_start3A_616] : memref<100096xf32, #tpu.memory_space<vmem_shared>> -> memref<100096xf32, #tpu.memory_space<vmem_shared>>
      tpu.enqueue_indirect_dma source(%arg12 : memref<128xf32, #tpu.memory_space<vmem>>) target(%dma_start3A_617 : memref<100096xf32, #tpu.memory_space<vmem_shared>>) offsets(%dma_start3A_615 : memref<128xi32, #tpu.memory_space<vmem>>) semaphore(%arg18 : memref<!tpu.dma_semaphore, #tpu.memory_space<semaphore_mem>>) {add = true}
      %dma_start3A_618 = arith.constant 2 : i32
      %dma_start3A_619 = arith.constant 0 : i32
      %dma_start3A_620 = tpu.memref_slice %arg7[%dma_start3A_618, %dma_start3A_619] : memref<8x128xi32, #tpu.memory_space<vmem>> -> memref<1x128xi32, #tpu.memory_space<vmem>>
      %dma_start3A_621 = tpu.memref_squeeze %dma_start3A_620 : memref<1x128xi32, #tpu.memory_space<vmem>> -> memref<128xi32, #tpu.memory_space<vmem>>
      %dma_start3A_622 = arith.constant 0 : i32
      %dma_start3A_623 = tpu.memref_slice %arg14[%dma_start3A_622] : memref<100096xf32, #tpu.memory_space<vmem_shared>> -> memref<100096xf32, #tpu.memory_space<vmem_shared>>
      tpu.enqueue_indirect_dma source(%arg12 : memref<128xf32, #tpu.memory_space<vmem>>) target(%dma_start3A_623 : memref<100096xf32, #tpu.memory_space<vmem_shared>>) offsets(%dma_start3A_621 : memref<128xi32, #tpu.memory_space<vmem>>) semaphore(%arg18 : memref<!tpu.dma_semaphore, #tpu.memory_space<semaphore_mem>>) {add = true}
      %dma_start3A_624 = arith.constant 3 : i32
      %dma_start3A_625 = arith.constant 0 : i32
      %dma_start3A_626 = tpu.memref_slice %arg7[%dma_start3A_624, %dma_start3A_625] : memref<8x128xi32, #tpu.memory_space<vmem>> -> memref<1x128xi32, #tpu.memory_space<vmem>>
      %dma_start3A_627 = tpu.memref_squeeze %dma_start3A_626 : memref<1x128xi32, #tpu.memory_space<vmem>> -> memref<128xi32, #tpu.memory_space<vmem>>
      %dma_start3A_628 = arith.constant 0 : i32
      %dma_start3A_629 = tpu.memref_slice %arg14[%dma_start3A_628] : memref<100096xf32, #tpu.memory_space<vmem_shared>> -> memref<100096xf32, #tpu.memory_space<vmem_shared>>
      tpu.enqueue_indirect_dma source(%arg12 : memref<128xf32, #tpu.memory_space<vmem>>) target(%dma_start3A_629 : memref<100096xf32, #tpu.memory_space<vmem_shared>>) offsets(%dma_start3A_627 : memref<128xi32, #tpu.memory_space<vmem>>) semaphore(%arg18 : memref<!tpu.dma_semaphore, #tpu.memory_space<semaphore_mem>>) {add = true}
      %dma_start3A_630 = arith.constant 4 : i32
      %dma_start3A_631 = arith.constant 0 : i32
      %dma_start3A_632 = tpu.memref_slice %arg7[%dma_start3A_630, %dma_start3A_631] : memref<8x128xi32, #tpu.memory_space<vmem>> -> memref<1x128xi32, #tpu.memory_space<vmem>>
      %dma_start3A_633 = tpu.memref_squeeze %dma_start3A_632 : memref<1x128xi32, #tpu.memory_space<vmem>> -> memref<128xi32, #tpu.memory_space<vmem>>
      %dma_start3A_634 = arith.constant 0 : i32
      %dma_start3A_635 = tpu.memref_slice %arg14[%dma_start3A_634] : memref<100096xf32, #tpu.memory_space<vmem_shared>> -> memref<100096xf32, #tpu.memory_space<vmem_shared>>
      tpu.enqueue_indirect_dma source(%arg12 : memref<128xf32, #tpu.memory_space<vmem>>) target(%dma_start3A_635 : memref<100096xf32, #tpu.memory_space<vmem_shared>>) offsets(%dma_start3A_633 : memref<128xi32, #tpu.memory_space<vmem>>) semaphore(%arg18 : memref<!tpu.dma_semaphore, #tpu.memory_space<semaphore_mem>>) {add = true}
      %dma_start3A_636 = arith.constant 5 : i32
      %dma_start3A_637 = arith.constant 0 : i32
      %dma_start3A_638 = tpu.memref_slice %arg7[%dma_start3A_636, %dma_start3A_637] : memref<8x128xi32, #tpu.memory_space<vmem>> -> memref<1x128xi32, #tpu.memory_space<vmem>>
      %dma_start3A_639 = tpu.memref_squeeze %dma_start3A_638 : memref<1x128xi32, #tpu.memory_space<vmem>> -> memref<128xi32, #tpu.memory_space<vmem>>
      %dma_start3A_640 = arith.constant 0 : i32
      %dma_start3A_641 = tpu.memref_slice %arg14[%dma_start3A_640] : memref<100096xf32, #tpu.memory_space<vmem_shared>> -> memref<100096xf32, #tpu.memory_space<vmem_shared>>
      tpu.enqueue_indirect_dma source(%arg12 : memref<128xf32, #tpu.memory_space<vmem>>) target(%dma_start3A_641 : memref<100096xf32, #tpu.memory_space<vmem_shared>>) offsets(%dma_start3A_639 : memref<128xi32, #tpu.memory_space<vmem>>) semaphore(%arg18 : memref<!tpu.dma_semaphore, #tpu.memory_space<semaphore_mem>>) {add = true}
      %dma_start3A_642 = arith.constant 6 : i32
      %dma_start3A_643 = arith.constant 0 : i32
      %dma_start3A_644 = tpu.memref_slice %arg7[%dma_start3A_642, %dma_start3A_643] : memref<8x128xi32, #tpu.memory_space<vmem>> -> memref<1x128xi32, #tpu.memory_space<vmem>>
      %dma_start3A_645 = tpu.memref_squeeze %dma_start3A_644 : memref<1x128xi32, #tpu.memory_space<vmem>> -> memref<128xi32, #tpu.memory_space<vmem>>
      %dma_start3A_646 = arith.constant 0 : i32
      %dma_start3A_647 = tpu.memref_slice %arg14[%dma_start3A_646] : memref<100096xf32, #tpu.memory_space<vmem_shared>> -> memref<100096xf32, #tpu.memory_space<vmem_shared>>
      tpu.enqueue_indirect_dma source(%arg12 : memref<128xf32, #tpu.memory_space<vmem>>) target(%dma_start3A_647 : memref<100096xf32, #tpu.memory_space<vmem_shared>>) offsets(%dma_start3A_645 : memref<128xi32, #tpu.memory_space<vmem>>) semaphore(%arg18 : memref<!tpu.dma_semaphore, #tpu.memory_space<semaphore_mem>>) {add = true}
      %dma_start3A_648 = arith.constant 7 : i32
      %dma_start3A_649 = arith.constant 0 : i32
      %dma_start3A_650 = tpu.memref_slice %arg7[%dma_start3A_648, %dma_start3A_649] : memref<8x128xi32, #tpu.memory_space<vmem>> -> memref<1x128xi32, #tpu.memory_space<vmem>>
      %dma_start3A_651 = tpu.memref_squeeze %dma_start3A_650 : memref<1x128xi32, #tpu.memory_space<vmem>> -> memref<128xi32, #tpu.memory_space<vmem>>
      %dma_start3A_652 = arith.constant 0 : i32
      %dma_start3A_653 = tpu.memref_slice %arg14[%dma_start3A_652] : memref<100096xf32, #tpu.memory_space<vmem_shared>> -> memref<100096xf32, #tpu.memory_space<vmem_shared>>
      tpu.enqueue_indirect_dma source(%arg12 : memref<128xf32, #tpu.memory_space<vmem>>) target(%dma_start3A_653 : memref<100096xf32, #tpu.memory_space<vmem_shared>>) offsets(%dma_start3A_651 : memref<128xi32, #tpu.memory_space<vmem>>) semaphore(%arg18 : memref<!tpu.dma_semaphore, #tpu.memory_space<semaphore_mem>>) {add = true}
    }
    %scan3A_166 = arith.constant 9 : i32
    %dma_wait3A_167 = arith.constant 0 : i32
    %dma_wait3A_168 = arith.constant 0 : i32
    %dma_wait3A_169 = tpu.memref_slice %arg7[%dma_wait3A_167, %dma_wait3A_168] : memref<8x128xi32, #tpu.memory_space<vmem>> -> memref<1x128xi32, #tpu.memory_space<vmem>>
    %dma_wait3A_170 = tpu.memref_squeeze %dma_wait3A_169 : memref<1x128xi32, #tpu.memory_space<vmem>> -> memref<128xi32, #tpu.memory_space<vmem>>
    %dma_wait3A_171 = arith.constant 0 : i32
    %dma_wait3A_172 = tpu.memref_slice %arg14[%dma_wait3A_171] : memref<100096xf32, #tpu.memory_space<vmem_shared>> -> memref<100096xf32, #tpu.memory_space<vmem_shared>>
    tpu.wait_indirect_dma semaphore(%arg18 : memref<!tpu.dma_semaphore, #tpu.memory_space<semaphore_mem>>) src(%arg12 : memref<128xf32, #tpu.memory_space<vmem>>) dst(%dma_wait3A_172 : memref<100096xf32, #tpu.memory_space<vmem_shared>>)
    %dma_wait3A_173 = arith.constant 1 : i32
    %dma_wait3A_174 = arith.constant 0 : i32
    %dma_wait3A_175 = tpu.memref_slice %arg7[%dma_wait3A_173, %dma_wait3A_174] : memref<8x128xi32, #tpu.memory_space<vmem>> -> memref<1x128xi32, #tpu.memory_space<vmem>>
    %dma_wait3A_176 = tpu.memref_squeeze %dma_wait3A_175 : memref<1x128xi32, #tpu.memory_space<vmem>> -> memref<128xi32, #tpu.memory_space<vmem>>
    %dma_wait3A_177 = arith.constant 0 : i32
    %dma_wait3A_178 = tpu.memref_slice %arg14[%dma_wait3A_177] : memref<100096xf32, #tpu.memory_space<vmem_shared>> -> memref<100096xf32, #tpu.memory_space<vmem_shared>>
    tpu.wait_indirect_dma semaphore(%arg18 : memref<!tpu.dma_semaphore, #tpu.memory_space<semaphore_mem>>) src(%arg12 : memref<128xf32, #tpu.memory_space<vmem>>) dst(%dma_wait3A_178 : memref<100096xf32, #tpu.memory_space<vmem_shared>>)
    %dma_wait3A_179 = arith.constant 2 : i32
    %dma_wait3A_180 = arith.constant 0 : i32
    %dma_wait3A_181 = tpu.memref_slice %arg7[%dma_wait3A_179, %dma_wait3A_180] : memref<8x128xi32, #tpu.memory_space<vmem>> -> memref<1x128xi32, #tpu.memory_space<vmem>>
    %dma_wait3A_182 = tpu.memref_squeeze %dma_wait3A_181 : memref<1x128xi32, #tpu.memory_space<vmem>> -> memref<128xi32, #tpu.memory_space<vmem>>
    %dma_wait3A_183 = arith.constant 0 : i32
    %dma_wait3A_184 = tpu.memref_slice %arg14[%dma_wait3A_183] : memref<100096xf32, #tpu.memory_space<vmem_shared>> -> memref<100096xf32, #tpu.memory_space<vmem_shared>>
    tpu.wait_indirect_dma semaphore(%arg18 : memref<!tpu.dma_semaphore, #tpu.memory_space<semaphore_mem>>) src(%arg12 : memref<128xf32, #tpu.memory_space<vmem>>) dst(%dma_wait3A_184 : memref<100096xf32, #tpu.memory_space<vmem_shared>>)
    %dma_wait3A_185 = arith.constant 3 : i32
    %dma_wait3A_186 = arith.constant 0 : i32
    %dma_wait3A_187 = tpu.memref_slice %arg7[%dma_wait3A_185, %dma_wait3A_186] : memref<8x128xi32, #tpu.memory_space<vmem>> -> memref<1x128xi32, #tpu.memory_space<vmem>>
    %dma_wait3A_188 = tpu.memref_squeeze %dma_wait3A_187 : memref<1x128xi32, #tpu.memory_space<vmem>> -> memref<128xi32, #tpu.memory_space<vmem>>
    %dma_wait3A_189 = arith.constant 0 : i32
    %dma_wait3A_190 = tpu.memref_slice %arg14[%dma_wait3A_189] : memref<100096xf32, #tpu.memory_space<vmem_shared>> -> memref<100096xf32, #tpu.memory_space<vmem_shared>>
    tpu.wait_indirect_dma semaphore(%arg18 : memref<!tpu.dma_semaphore, #tpu.memory_space<semaphore_mem>>) src(%arg12 : memref<128xf32, #tpu.memory_space<vmem>>) dst(%dma_wait3A_190 : memref<100096xf32, #tpu.memory_space<vmem_shared>>)
    %dma_wait3A_191 = arith.constant 4 : i32
    %dma_wait3A_192 = arith.constant 0 : i32
    %dma_wait3A_193 = tpu.memref_slice %arg7[%dma_wait3A_191, %dma_wait3A_192] : memref<8x128xi32, #tpu.memory_space<vmem>> -> memref<1x128xi32, #tpu.memory_space<vmem>>
    %dma_wait3A_194 = tpu.memref_squeeze %dma_wait3A_193 : memref<1x128xi32, #tpu.memory_space<vmem>> -> memref<128xi32, #tpu.memory_space<vmem>>
    %dma_wait3A_195 = arith.constant 0 : i32
    %dma_wait3A_196 = tpu.memref_slice %arg14[%dma_wait3A_195] : memref<100096xf32, #tpu.memory_space<vmem_shared>> -> memref<100096xf32, #tpu.memory_space<vmem_shared>>
    tpu.wait_indirect_dma semaphore(%arg18 : memref<!tpu.dma_semaphore, #tpu.memory_space<semaphore_mem>>) src(%arg12 : memref<128xf32, #tpu.memory_space<vmem>>) dst(%dma_wait3A_196 : memref<100096xf32, #tpu.memory_space<vmem_shared>>)
    %dma_wait3A_197 = arith.constant 5 : i32
    %dma_wait3A_198 = arith.constant 0 : i32
    %dma_wait3A_199 = tpu.memref_slice %arg7[%dma_wait3A_197, %dma_wait3A_198] : memref<8x128xi32, #tpu.memory_space<vmem>> -> memref<1x128xi32, #tpu.memory_space<vmem>>
    %dma_wait3A_200 = tpu.memref_squeeze %dma_wait3A_199 : memref<1x128xi32, #tpu.memory_space<vmem>> -> memref<128xi32, #tpu.memory_space<vmem>>
    %dma_wait3A_201 = arith.constant 0 : i32
    %dma_wait3A_202 = tpu.memref_slice %arg14[%dma_wait3A_201] : memref<100096xf32, #tpu.memory_space<vmem_shared>> -> memref<100096xf32, #tpu.memory_space<vmem_shared>>
    tpu.wait_indirect_dma semaphore(%arg18 : memref<!tpu.dma_semaphore, #tpu.memory_space<semaphore_mem>>) src(%arg12 : memref<128xf32, #tpu.memory_space<vmem>>) dst(%dma_wait3A_202 : memref<100096xf32, #tpu.memory_space<vmem_shared>>)
    %dma_wait3A_203 = arith.constant 6 : i32
    %dma_wait3A_204 = arith.constant 0 : i32
    %dma_wait3A_205 = tpu.memref_slice %arg7[%dma_wait3A_203, %dma_wait3A_204] : memref<8x128xi32, #tpu.memory_space<vmem>> -> memref<1x128xi32, #tpu.memory_space<vmem>>
    %dma_wait3A_206 = tpu.memref_squeeze %dma_wait3A_205 : memref<1x128xi32, #tpu.memory_space<vmem>> -> memref<128xi32, #tpu.memory_space<vmem>>
    %dma_wait3A_207 = arith.constant 0 : i32
    %dma_wait3A_208 = tpu.memref_slice %arg14[%dma_wait3A_207] : memref<100096xf32, #tpu.memory_space<vmem_shared>> -> memref<100096xf32, #tpu.memory_space<vmem_shared>>
    tpu.wait_indirect_dma semaphore(%arg18 : memref<!tpu.dma_semaphore, #tpu.memory_space<semaphore_mem>>) src(%arg12 : memref<128xf32, #tpu.memory_space<vmem>>) dst(%dma_wait3A_208 : memref<100096xf32, #tpu.memory_space<vmem_shared>>)
    %dma_wait3A_209 = arith.constant 7 : i32
    %dma_wait3A_210 = arith.constant 0 : i32
    %dma_wait3A_211 = tpu.memref_slice %arg7[%dma_wait3A_209, %dma_wait3A_210] : memref<8x128xi32, #tpu.memory_space<vmem>> -> memref<1x128xi32, #tpu.memory_space<vmem>>
    %dma_wait3A_212 = tpu.memref_squeeze %dma_wait3A_211 : memref<1x128xi32, #tpu.memory_space<vmem>> -> memref<128xi32, #tpu.memory_space<vmem>>
    %dma_wait3A_213 = arith.constant 0 : i32
    %dma_wait3A_214 = tpu.memref_slice %arg14[%dma_wait3A_213] : memref<100096xf32, #tpu.memory_space<vmem_shared>> -> memref<100096xf32, #tpu.memory_space<vmem_shared>>
    tpu.wait_indirect_dma semaphore(%arg18 : memref<!tpu.dma_semaphore, #tpu.memory_space<semaphore_mem>>) src(%arg12 : memref<128xf32, #tpu.memory_space<vmem>>) dst(%dma_wait3A_214 : memref<100096xf32, #tpu.memory_space<vmem_shared>>)
    %barrier3A_215 = arith.constant 0 : index
    tpu.barrier barrier_id(%barrier3A_215)
    %mul3A_216 = arith.constant 6256 : i32
    %mul3A_217 = arith.muli %arg1, %mul3A_216 : i32
    "tpu.region"() ({
      %run_scoped3A = tpu.sem_alloc : memref<!tpu.dma_semaphore, #tpu.memory_space<semaphore_mem>>
      %dma_start3A_223 = tpu.memref_slice %arg14[%mul3A_217] : memref<100096xf32, #tpu.memory_space<vmem_shared>> -> memref<6256xf32, #tpu.memory_space<vmem_shared>>
      %dma_start3A_224 = tpu.memref_slice %arg14[%mul3A_217] : memref<100096xf32, #tpu.memory_space<vmem_shared>> -> memref<6256xf32, #tpu.memory_space<vmem_shared>>
      tpu.enqueue_dma source(%dma_start3A_224 : memref<6256xf32, #tpu.memory_space<vmem_shared>>) target(%arg13 : memref<6256xf32, #tpu.memory_space<vmem>>) target_semaphore(%run_scoped3A : memref<!tpu.dma_semaphore, #tpu.memory_space<semaphore_mem>>)
      %dma_wait3A_225 = tpu.memref_slice %arg14[%mul3A_217] : memref<100096xf32, #tpu.memory_space<vmem_shared>> -> memref<6256xf32, #tpu.memory_space<vmem_shared>>
      %dma_wait3A_226 = tpu.memref_slice %arg14[%mul3A_217] : memref<100096xf32, #tpu.memory_space<vmem_shared>> -> memref<6256xf32, #tpu.memory_space<vmem_shared>>
      tpu.wait_dma2 semaphore(%run_scoped3A : memref<!tpu.dma_semaphore, #tpu.memory_space<semaphore_mem>>) src(%dma_wait3A_226 : memref<6256xf32, #tpu.memory_space<vmem_shared>>) dst(%arg13 : memref<6256xf32, #tpu.memory_space<vmem>>)
      tpu.yield
    }) : () -> ()
    %mul3A_218 = arith.constant 100096 : i32
    %mul3A_219 = arith.muli %arg0, %mul3A_218 : i32
    %mul3A_220 = arith.constant 6256 : i32
    %mul3A_221 = arith.muli %arg1, %mul3A_220 : i32
    %add3A_222 = arith.addi %mul3A_219, %mul3A_221 : i32
    "tpu.region"() ({
      %run_scoped3A = tpu.sem_alloc : memref<!tpu.dma_semaphore, #tpu.memory_space<semaphore_mem>>
      %dma_start3A_223 = tpu.memref_slice %arg4[%add3A_222] : memref<200192xf32, #tpu.memory_space<hbm>> -> memref<6256xf32, #tpu.memory_space<hbm>>
      %dma_start3A_224 = tpu.memref_slice %arg4[%add3A_222] : memref<200192xf32, #tpu.memory_space<hbm>> -> memref<6256xf32, #tpu.memory_space<hbm>>
      tpu.enqueue_dma source(%arg13 : memref<6256xf32, #tpu.memory_space<vmem>>) target(%dma_start3A_224 : memref<6256xf32, #tpu.memory_space<hbm>>) target_semaphore(%run_scoped3A : memref<!tpu.dma_semaphore, #tpu.memory_space<semaphore_mem>>)
      %dma_wait3A_225 = tpu.memref_slice %arg4[%add3A_222] : memref<200192xf32, #tpu.memory_space<hbm>> -> memref<6256xf32, #tpu.memory_space<hbm>>
      %dma_wait3A_226 = tpu.memref_slice %arg4[%add3A_222] : memref<200192xf32, #tpu.memory_space<hbm>> -> memref<6256xf32, #tpu.memory_space<hbm>>
      tpu.wait_dma2 semaphore(%run_scoped3A : memref<!tpu.dma_semaphore, #tpu.memory_space<semaphore_mem>>) src(%arg13 : memref<6256xf32, #tpu.memory_space<vmem>>) dst(%dma_wait3A_226 : memref<6256xf32, #tpu.memory_space<hbm>>)
      tpu.yield
    }) : () -> ()
    return
  }
}

</mosaic_0001>

<sc_bundles>
// kernel: _counts_call.3.cloned.1.call-start
scs
__scs_entry_jumppad:
0x0: {  	(pc) =	sbr.rel $0x88, $3  }
0x1: {  	(tag) =	ssettag $0x0;
	lr =	simm.s32 $0x1  }
0x2: {  	[smem:$0x3F9F] =	sst lr;
	_ =	strace $0xD0000000  }
0x3: {  	_ = 	snop  }
0x4: {  	_ = 	snop  }
0x5: {  	_ = 	snop  }
0x6: {  	_ = 	snop  }
0x7: {  	_ = 	snop  }
__scs_overlays_trampoline_lowered:
0x8: {  	[smem:$0x3FAE] =	sst s0  }
0x9: {  	[smem:$0x3FAF] =	sst s1  }
0xa: {  	[smem:$0x3FB0] =	sst s2  }
0xb: {  	[smem:$0x3FB1] =	sst s3  }
0xc: {  	[smem:$0x3FB2] =	sst s4  }
0xd: {  	[smem:$0x3FB3] =	sst s5  }
0xe: {  	[smem:$0x3FB4] =	sst s6  }
0xf: {  	[smem:$0x3FB5] =	sst s7  }
0x10: {  	[smem:$0x3FB6] =	sst s8  }
0x11: {  	[smem:$0x3FB7] =	sst s9;
	s0 =	simm.s32 @!p0 $0x0  }
0x12: {  	s1 =	sld [smem:$0x3F9D];
	s0 =	simm.s32 @p0 $0x1  }
0x13: {  	[smem:$0x3FB8] =	sst s0;
	s0 =	simm.s32 @!p1 $0x0  }
0x14: {  	s2 =	sld [smem:$0x3F9C];
	s0 =	simm.s32 @p1 $0x1  }
0x15: {  	[smem:$0x3FB9] =	sst s0;
	s0 =	simm.s32 @!p2 $0x0  }
0x16: {  	s3 =	sld [smem:$0x3FDB];
	s0 =	simm.s32 @p2 $0x1  }
0x17: {  	s4 =	simm.s32 $0x1BF5;
	[smem:$0x3FBB] =	sst s0  }
0x18: {  	s0 =	sld [smem:$0x3F9E];
	_ =	swait.ge [sflag:s4], $0x0  }
0x19: {  	s7 =	sld [smem:$0x3F9F]  }
0x1a: {  	s8 =	sadd.s32 $0xFFFFE003, lr  }
0x1b: {  	s9 =	sadd.s32 $0xFFFFFEF7, lr;
	s5 =	simm.s32 $0xFFFFFFFF;
	p2 =	slt.u32 s8, $0xFFFFF086  }
0x1c: {  	p1 =	slt.u32 s9, $0xF7A;
	s5 =	simm.s32 @!p2 $0x0  }
0x1d: {  	s5 =	simm.s32 @p1 $0x1;
	p0 =	seq.s32 s7, s2  }
0x1e: {  	s7 =	smul.u32 @!p0 $0xF7A, s2;
	p2 =	seq.s32 @!p0 s5, $0x0  }
0x1f: {  	s9 =	smul.u32 $0xF7A, s1;
	s8 =	simm.s32 @!p0 $0x1BF5;
	p2 =	por !p2, p0  }
0x20: {  	[sflag:s8] =	ssyncset.s32 @!p0 $0xFFFFF086;
	s6 =	sadd.s32 @!p0 s3, s7;
	s7 =	simm.s32 @!p0 $0x108  }
0x21: {  	s3 =	sadd.s32 s3, s9;
	s6 =	sadd.s32 @!p0 $0x88, s6;
	s7 =	simm.s32 @p2 $0x1082  }
0x22: {  	[simem:s7], [sflag:s8] =	dma.local @!p0 [hbm:s6], $0xF7A  }
0x23: {  	s9 =	sor.u32 $0xD0000000, s2;
	s6 =	simm.s32 $0x108;
	_ =	swait.ge @!p0 [sflag:s8], $0x0  }
0x24: {  	s3 =	sadd.s32 $0x88, s3;
	s6 =	simm.s32 @!p1 $0x1082;
	[sflag:s4] =	ssyncset.s32 $0xFFFFF086  }
0x25: {  	[simem:s6], [sflag:s4] =	dma.local [hbm:s3], $0xF7A  }
0x26: {  	[smem:$0x3F9F] =	sst s1;
	(tag) =	ssettag s2;
	_ =	strace s9  }
0x27: {  	s1 =	sld [smem:$0x3FAF]  }
0x28: {  	s2 =	sld [smem:$0x3FB0]  }
0x29: {  	s4 =	sld [smem:$0x3FB2]  }
0x2a: {  	p0 =	seq.s32 s5, $0x0;
	s5 =	sld [smem:$0x3FB3]  }
0x2b: {  	s6 =	sld [smem:$0x3FB4]  }
0x2c: {  	s7 =	sld [smem:$0x3FB5]  }
0x2d: {  	s3 =	simm.s32 $0x108;
	s8 =	sld [smem:$0x3FB6]  }
0x2e: {  	s3 =	simm.s32 @!p0 $0x1082;
	s9 =	sld [smem:$0x3FB7]  }
0x2f: {  	lr =	sadd.s32 s0, s3;
	s0 =	sld [smem:$0x3FAE]  }
0x30: {  	s3 =	sld [smem:$0x3FB1]  }
0x31: {  	[smem:$0x3FBA] =	sst s10  }
0x32: {  	s10 =	sld [smem:$0x3FB8];
	_ =	sdelay $0x3  }
0x33: {  	p0 =	seq.s32 s10, $0x1;
	s10 =	sld [smem:$0x3FBA];
	_ =	sdelay $0x3  }
0x34: {  	[smem:$0x3FBA] =	sst s10  }
0x35: {  	s10 =	sld [smem:$0x3FB9];
	_ =	sdelay $0x3  }
0x36: {  	p1 =	seq.s32 s10, $0x1;
	s10 =	sld [smem:$0x3FBA];
	_ =	sdelay $0x3  }
0x37: {  	[smem:$0x3FBA] =	sst s10  }
0x38: {  	s10 =	sld [smem:$0x3FBB]  }
0x39: {  	_ = 	snop;
	(pc) =	sbr.ind lr, $3  }
0x3a: {  	_ = 	snop  }
0x3b: {  	_ = 	snop  }
0x3c: {  	p2 =	seq.s32 s10, $0x1;
	s10 =	sld [smem:$0x3FBA]  }
0x3d: {  	_ =	shalt  }
0x3e: {  	_ =	shalt  }
0x3f: {  	_ =	shalt  }
0x40: {  	_ =	shalt  }
0x41: {  	_ =	shalt  }
0x42: {  	_ =	shalt  }
0x43: {  	_ =	shalt  }
0x44: {  	_ =	shalt  }
0x45: {  	_ =	shalt  }
0x46: {  	_ =	shalt  }
0x47: {  	_ =	shalt  }
0x48: {  	_ =	shalt  }
0x49: {  	_ =	shalt  }
0x4a: {  	_ =	shalt  }
0x4b: {  	_ =	shalt  }
0x4c: {  	_ =	shalt  }
0x4d: {  	_ =	shalt  }
0x4e: {  	_ =	shalt  }
0x4f: {  	_ =	shalt  }
0x50: {  	_ =	shalt  }
0x51: {  	_ =	shalt  }
0x52: {  	_ =	shalt  }
0x53: {  	_ =	shalt  }
0x54: {  	_ =	shalt  }
0x55: {  	_ =	shalt  }
0x56: {  	_ =	shalt  }
0x57: {  	_ =	shalt  }
0x58: {  	_ =	shalt  }
0x59: {  	_ =	shalt  }
0x5a: {  	_ =	shalt  }
0x5b: {  	_ =	shalt  }
0x5c: {  	_ =	shalt  }
0x5d: {  	_ =	shalt  }
0x5e: {  	_ =	shalt  }
0x5f: {  	_ =	shalt  }
0x60: {  	_ =	shalt  }
0x61: {  	_ =	shalt  }
0x62: {  	_ =	shalt  }
0x63: {  	_ =	shalt  }
0x64: {  	_ =	shalt  }
0x65: {  	_ =	shalt  }
0x66: {  	_ =	shalt  }
0x67: {  	_ =	shalt  }
0x68: {  	_ =	shalt  }
0x69: {  	_ =	shalt  }
0x6a: {  	_ =	shalt  }
0x6b: {  	_ =	shalt  }
0x6c: {  	_ =	shalt  }
0x6d: {  	_ =	shalt  }
0x6e: {  	_ =	shalt  }
0x6f: {  	_ =	shalt  }
0x70: {  	_ =	shalt  }
0x71: {  	_ =	shalt  }
0x72: {  	_ =	shalt  }
0x73: {  	_ =	shalt  }
0x74: {  	_ =	shalt  }
0x75: {  	_ =	shalt  }
0x76: {  	_ =	shalt  }
0x77: {  	_ =	shalt  }
0x78: {  	_ =	shalt  }
0x79: {  	_ =	shalt  }
0x7a: {  	_ =	shalt  }
0x7b: {  	_ =	shalt  }
0x7c: {  	_ =	shalt  }
0x7d: {  	_ =	shalt  }
0x7e: {  	_ =	shalt  }
0x7f: {  	_ =	shalt  }
0x80: {  	_ =	shalt  }
0x81: {  	_ =	shalt  }
0x82: {  	_ =	shalt  }
0x83: {  	_ =	shalt  }
0x84: {  	_ =	shalt  }
0x85: {  	_ =	shalt  }
0x86: {  	_ =	shalt  }
0x87: {  	_ =	shalt  }
.Lfunc_end0:
.L_simem_size_0:
called_computation_lowered:
.L_overlay_start_0:
0x88: {  	s2 =	sld [smem:$0x3FD9]  }
0x89: {  	s3 =	sld [smem:$0x3FFE];
	_ =	sdelay $0x1  }
0x8a: {  	s1 =	srdreg.scid  }
0x8b: {  	s0 =	sand.u32 $0x1, s1  }
0x8c: {  	s14 =	sshll.u32 s0, $0xA;
	s2 =	sadd.s32 s3, s2  }
0x8d: {  	s2 =	sadd.s32 s2, s14  }
0x8e: {  	[smem:$0x3FC6] =	sst s2  }
0x8f: {  	_ = 	snop  }
0x90: {  	s2 =	sld [smem:$0x3FD0];
	_ =	sdelay $0x2  }
0x91: {  	s4 =	simm.s32 $0xA;
	s5 =	simm.s32 $0x10;
	s15 =	sld [smem:$0x3FC9]  }
0x92: {  	[smem:s5], [sflag:s4] =	dma.local [hbm:s2], $0x1  }
0x93: {  	_ =	swait.eq [sflag:s4], $0x1  }
0x94: {  	[sflag:s4] =	ssyncset.done $0x0  }
0x95: {  	s16 =	sld [smem:$0x10];
	[sflag:s4] =	ssyncadd.s32 $0xFFFFFFFF  }
0x96: {  	s17 =	sld [smem:$0x11];
	(tm) =	ssettm $0x1  }
0x97: {  	s18 =	sld [smem:$0x3FFB];
	_ =	sdelay $0x3  }
0x98: {  	_ =	strace s18  }
0x99: {  	s5 =	sld [smem:$0x3FFC];
	_ =	sdelay $0x3  }
0x9a: {  	_ =	strace s5  }
0x9b: {  	s5 =	sld [smem:$0x3FFD];
	_ =	sdelay $0x3  }
0x9c: {  	_ =	strace s5  }
0x9d: {  	_ =	strace $0x8FFFFFFF  }
0x9e: {  	s19 =	sld [smem:$0x3FDB];
	_ =	sdelay $0x1  }
0x9f: {  	s6 =	simm.s32 $_scs_section_size  }
0xa0: {  	s7 =	simm.s32 $_size__tile_overlayer_lowered;
	s8 =	simm.s32 $_tile_overlayer_lowered  }
0xa1: {  	s22 =	simm.s32 $0x1BFF;
	s21 =	sshll.u32 s8, $0x1;
	s5 =	sadd.s32 s6, s19  }
0xa2: {  	s9 =	simm.s32 $0x0;
	s20 =	sshll.u32 s7, $0x1;
	s7 =	sadd.s32 s21, s5  }
0xa3: {  	[timem:s9], [sflag:s22] =	dma.local [hbm:s7], s20  }
0xa4: {  	_ =	swait.ge [sflag:s22], s20  }
0xa5: {  	s6 =	ssub.s32 $0x0, s20;
	[sflag:s22] =	ssyncset.done $0x0  }
0xa6: {  	[sflag:s22] =	ssyncadd.s32 s6;
	_ =	sdelay $0x1  }
0xa7: {  	s23 =	simm.s32 $0x1B8B  }
0xa8: {  	_ =	swait.ge [sflag:s23], $0x1  }
0xa9: {  	[sflag:s23] =	ssyncset.done $0x0  }
0xaa: {  	s25 =	simm.s32 $0x1B8E;
	s24 =	sld [smem:$0x3FFE];
	[sflag:s23] =	ssyncadd.s32 $0xFFFFFFFF  }
0xab: {  	s26 =	simm.s32 $execute0_lowered;
	[smem:$0x3FD2] =	sst s25  }
0xac: {  	s7 =	sshll.u32 s26, $0x1;
	_ =	strace $0x80000046;
	[dreg:$0x1] =	wrdreg $0xFFFFFFFF  }
0xad: {  	s28 =	simm.s32 $_size_execute0_lowered;
	s5 =	sadd.s32 s5, s7;
	[dreg:$0x0] =	wrdreg $0x0  }
0xae: {  	s7 =	sshll.u32 s28, $0x1;
	[dreg:$0x2] =	wrdreg s5  }
0xaf: {  	[dreg:$0x3] =	wrdreg s7  }
0xb0: {  	[dreg:$0x4] =	wrdreg $0xC0  }
0xb1: {  	_ =	task [dreg:s9], $0x5FFFF  }
0xb2: {  	[dreg:$0x1] =	wrdreg $0xFFFFFFFF  }
0xb3: {  	[dreg:$0x0] =	wrdreg $0x60  }
0xb4: {  	[dreg:$0x2] =	wrdreg s15  }
0xb5: {  	[dreg:$0x3] =	wrdreg s24  }
0xb6: {  	[dreg:$0x4] =	wrdreg s16  }
0xb7: {  	[dreg:$0x5] =	wrdreg s17  }
0xb8: {  	[dreg:$0x6] =	wrdreg $0x38F00  }
0xb9: {  	[dreg:$0x7] =	wrdreg $0x9  }
0xba: {  	_ =	task.clear_ibuf [dreg:s9], $0x8FFFF;
	_ =	strace $0x90000046  }
0xbb: {  	s29 =	simm.s32 $0x9;
	_ =	strace $0x80000048  }
0xbc: {  	_ =	swait.ge [sflag:s29], $0x1  }
0xbd: {  	[sflag:s29] =	ssyncadd.s32 $0xFFFFFFFF  }
0xbe: {  	_ =	strace $0x90000048  }
0xbf: {  	_ =	sfence  }
0xc0: {  	s30 =	sld [smem:$0x0];
	_ =	sdelay $0x2  }
0xc1: {  	s31 =	sshll.u32 s1, $0xD;
	s1 =	sshrl.u32 s1, $0x2  }
0xc2: {  	s3 =	sand.u32 $0x4000, s31;
	s1 =	sadd.s32 s1, s30  }
0xc3: {  	s0 =	sor.u32 s3, s0;
	s1 =	sshll.u32 s1, $0x11  }
0xc4: {  	s0 =	sor.u32 s1, s0  }
0xc5: {  	s0 =	sadd.s32 $0x8F2B, s0  }
0xc6: {  	[sflag:s0] =	ssyncadd.remote.s32 $0x1  }
0xc7: {  	_ =	sfence.sel $0xFFFF  }
0xc8: {  	[dreg:$0x0] =	wrdreg $0xFFFFFFFF;
	(pc) =	sbr.abs _section_cstart, $3  }
0xc9: {  	[dreg:$0x1] =	wrdreg $0xFFFFFFFF  }
0xca: {  	_ =	task.clear_ibuf [dreg:s9], $0x2FFFF;
	_ =	strace $0x9FFFFFFF  }
0xcb: {  	(tm) =	ssettm $0x7FFFFFFF  }
tec
execute0_lowered:
.L_overlay_start_1:
0x0: {  	(tag) =	ssettag $0x1  }
0x1: {  	s30 =	rddreg [dreg:$0x0]  }
0x2: {  	s0 =	rddreg [dreg:$0x1]  }
0x3: {  	s2 =	rddreg [dreg:$0x2];
	s3 =	srdreg.scid  }
0x4: {  	s1 =	stileid.u32;
	s5 =	rddreg [dreg:$0x3]  }
0x5: {  	s28 =	simm.s32 $0x2080;
	s29 =	simm.s32 $0x9;
	s31 =	simm.s32 $0x800  }
0x6: {  	s6 =	sand.u32 $0x1, s3;
	s4 =	sshll.u32 s1, $0x1;
	s3 =	rddreg [dreg:$0x4]  }
0x7: {  	s11 =	smul.u32 $0x1870, s1;
	s13 =	sadd.s32 $0x800, s0;
	s7 =	sor.u32 s6, s4  }
0x8: {  	s4 =	simm.s32 $0x0;
	s9 =	ssub.s32 $0x2, s6;
	s8 =	smul.u32 $0x4800, s7  }
0x9: {  	s7 =	smul.u32 $0xD00, s7;
	[smem:$0x7FF] =	sst s4;
	s10 =	sshrl.u32 s9, $0x1  }
0xa: {  	s20 =	sadd.s32 s11, s3;
	_ =	strace $0x80000047;
	[dreg:$0x15] =	wrdreg s13  }
0xb: {  	s0 =	ssub.s32 s9, s10;
	[dreg:$0x16] =	wrdreg s20;
	s19 =	sadd.s32 s13, s7  }
0xc: {  	s26 =	smul.u32 $0x3400, s1;
	s0 =	smax.u32 s0, $0x1;
	[dreg:$0x17] =	wrdreg s19  }
0xd: {  	s21 =	sshrl.u32 s8, $0x3;
	s22 =	sadd.s32 $0x80, s19;
	[smem:$0x7F8] =	sst s0  }
0xe: {  	s17 =	smul.u32 $0x1A000, s1;
	s12 =	sadd.s32 s30, s21;
	[dreg:$0x18] =	wrdreg s22  }
0xf: {  	s23 =	smul.u32 $0x18700, s6;
	s24 =	sadd.s32 $0x10, s12;
	[dreg:$0x19] =	wrdreg s12  }
0x10: {  	s15 =	smul.u32 $0x1A00, s6;
	s25 =	sadd.s32 $0x20, s12;
	[dreg:$0x1a] =	wrdreg s24  }
0x11: {  	s7 =	sadd.s32 s11, s23;
	s10 =	sadd.s32 $0x30, s12;
	[dreg:$0x1b] =	wrdreg s25  }
0x12: {  	s7 =	sshrl.u32 s7, $0x3;
	s14 =	sadd.s32 $0x40, s12;
	[dreg:$0x1c] =	wrdreg s10  }
0x13: {  	s19 =	smul.u32 $0xD000, s6;
	s16 =	sadd.s32 $0x50, s12;
	[dreg:$0x1d] =	wrdreg s14  }
0x14: {  	s21 =	sadd.s32 s26, s5;
	s18 =	sadd.s32 $0x60, s12;
	[dreg:$0x1e] =	wrdreg s16  }
0x15: {  	s26 =	smul.u32 $0xD000, s1;
	s2 =	sadd.s32 s2, s7;
	[dreg:$0x1f] =	wrdreg s18  }
0x16: {  	s22 =	smul.u32 $0x9000, s1;
	s23 =	sadd.s32 $0x70, s12;
	[smem:$0x7F6] =	sst s2  }
0x17: {  	[smem:$0x7F7] =	sst s23;
	s24 =	smul.u32 $0x4800, s6;
	s25 =	sadd.s32 s19, s17  }
0x18: {  	s2 =	sadd.s32 s15, s21;
	s6 =	smul.u32 $0x6800, s6;
	s10 =	sshrl.u32 s25, $0x3  }
0x19: {  	s1 =	sadd.s32 $0x100, s2;
	s0 =	sadd.s32 s24, s22;
	s11 =	sadd.s32 s10, s5  }
0x1a: {  	s2 =	sadd.s32 s6, s26;
	[smem:$0x7FC] =	sst s1;
	s8 =	sadd.s32 $0xB80, s0  }
0x1b: {  	s9 =	sadd.s32 $0xB00, s0;
	s7 =	sadd.s32 $0xA80, s0;
	s15 =	sadd.s32 $0xA00, s0  }
0x1c: {  	s17 =	sadd.s32 $0x980, s0;
	s18 =	sadd.s32 $0x900, s0;
	s23 =	sadd.s32 $0x880, s0  }
0x1d: {  	s25 =	sor.u32 $0x780, s0;
	s26 =	sor.u32 $0x700, s0;
	[smem:$0x7FD] =	sst s11  }
0x1e: {  	s5 =	sshrl.u32 s8, $0x3;
	s6 =	sshrl.u32 s9, $0x3;
	s12 =	sshrl.u32 s7, $0x3  }
0x1f: {  	s16 =	sshrl.u32 s15, $0x3;
	s21 =	sshrl.u32 s18, $0x3;
	s24 =	sshrl.u32 s23, $0x3  }
0x20: {  	s9 =	sshrl.u32 s26, $0x3;
	s15 =	sor.u32 $0x600, s0;
	s18 =	sor.u32 $0x580, s0  }
0x21: {  	s23 =	sor.u32 $0x480, s0;
	s5 =	sadd.s32 s5, s30;
	s10 =	sadd.s32 s6, s30  }
0x22: {  	s14 =	sadd.s32 s12, s30;
	s6 =	sshrl.u32 s17, $0x3;
	[dreg:$0x6] =	wrdreg s5  }
0x23: {  	s22 =	sadd.s32 s21, s30;
	s12 =	sor.u32 $0x680, s0;
	[dreg:$0x7] =	wrdreg s10  }
0x24: {  	s21 =	sor.u32 $0x500, s0;
	[dreg:$0x8] =	wrdreg s14;
	s5 =	sadd.s32 s16, s30  }
0x25: {  	v1 =	vlaneseq.u32;
	s19 =	sadd.s32 s6, s30;
	[dreg:$0xb] =	wrdreg s22;
	s6 =	sshrl.u32 s25, $0x3  }
0x26: {  	v46 =	vmul.u32 $0x8, v1;
	s10 =	sadd.s32 s9, s30;
	s14 =	sshrl.u32 s12, $0x3;
	s16 =	sadd.s32 $0xC00, s2  }
0x27: {  	v0 =	vimm.f32 $1.000000000e+00;
	v1 =	vmul.u32 $0x10, v1;
	s25 =	sor.u32 $0x400, s0;
	s2 =	sadd.s32 $0x800, s2;
	s0 =	sadd.s32 $0x800, s0  }
0x28: {  	v2 =	vimm.f32 $0.0e+00;
	v3 =	vor.u32 $0x1, v46;
	v4 =	vor.u32 $0x2, v46;
	s12 =	simm.s32 $0x180;
	s9 =	simm.s32 $0x680;
	[dreg:$0x9] =	wrdreg s5  }
0x29: {  	v5 =	vor.u32 $0x3, v46;
	v6 =	vor.u32 $0x1, v1;
	v7 =	vor.u32 $0x2, v1;
	[dreg:$0xa] =	wrdreg s19;
	s5 =	sadd.s32 s24, s30;
	s8 =	sadd.s32 s6, s30  }
0x2a: {  	v8 =	vor.u32 $0x81, v46;
	v9 =	vor.u32 $0x82, v46;
	v10 =	vor.u32 $0x83, v46;
	[dreg:$0xe] =	wrdreg s10;
	s6 =	sshrl.u32 s15, $0x3;
	s19 =	sshrl.u32 s18, $0x3  }
0x2b: {  	v11 =	vor.u32 $0x100, v1;
	v12 =	vor.u32 $0x101, v1;
	v13 =	vor.u32 $0x102, v1;
	s7 =	sshrl.u32 s16, $0x3;
	s24 =	sshrl.u32 s23, $0x3;
	[smem:$0x7FA] =	sst s2  }
0x2c: {  	v14 =	vor.u32 $0x101, v46;
	v15 =	vor.u32 $0x102, v46;
	v16 =	vor.u32 $0x103, v46;
	[smem:$0x7FB] =	sst s0;
	s10 =	simm.s32 $0x80;
	s15 =	simm.s32 $0x300  }
0x2d: {  	v17 =	vor.u32 $0x200, v1;
	v18 =	vor.u32 $0x201, v1;
	v19 =	vor.u32 $0x202, v1;
	s16 =	simm.s32 $0x380;
	s18 =	simm.s32 $0x480;
	[dreg:$0xc] =	wrdreg s5  }
0x2e: {  	v20 =	vor.u32 $0x181, v46;
	v21 =	vor.u32 $0x182, v46;
	v22 =	vor.u32 $0x183, v46;
	s23 =	simm.s32 $0x2000;
	s2 =	simm.s32 $0x0;
	[dreg:$0xd] =	wrdreg s8  }
0x2f: {  	v23 =	vor.u32 $0x300, v1;
	v24 =	vor.u32 $0x301, v1;
	v25 =	vor.u32 $0x302, v1;
	s5 =	sadd.s32 s14, s30;
	s17 =	sadd.s32 s6, s30;
	s6 =	sshrl.u32 s21, $0x3  }
0x30: {  	v26 =	vor.u32 $0x201, v46;
	v27 =	vor.u32 $0x202, v46;
	v28 =	vor.u32 $0x203, v46;
	s7 =	sadd.s32 s7, s13;
	s13 =	simm.s32 $0x200;
	s14 =	simm.s32 $0x280  }
0x31: {  	v29 =	vor.u32 $0x400, v1;
	v30 =	vor.u32 $0x401, v1;
	v31 =	vor.u32 $0x402, v1;
	s21 =	simm.s32 $0x580;
	s8 =	simm.s32 $0x780;
	[dreg:$0xf] =	wrdreg s5  }
0x32: {  	v32 =	vor.u32 $0x281, v46;
	v33 =	vor.u32 $0x282, v46;
	v34 =	vor.u32 $0x283, v46;
	[dreg:$0x10] =	wrdreg s17;
	s5 =	sadd.s32 s19, s30;
	s22 =	sadd.s32 s6, s30  }
0x33: {  	v35 =	vor.u32 $0x500, v1;
	v36 =	vor.u32 $0x501, v1;
	v37 =	vor.u32 $0x502, v1;
	[smem:$0x7F9] =	sst s7;
	s6 =	sshrl.u32 s25, $0x3;
	s17 =	simm.s32 $0x400  }
0x34: {  	v38 =	vor.u32 $0x301, v46;
	v39 =	vor.u32 $0x302, v46;
	v40 =	vor.u32 $0x303, v46;
	s7 =	simm.s32 $0x500;
	s25 =	simm.s32 $0x3;
	[dreg:$0x11] =	wrdreg s5  }
0x35: {  	v41 =	vor.u32 $0x600, v1;
	v42 =	vor.u32 $0x601, v1;
	v43 =	vor.u32 $0x602, v1;
	[dreg:$0x12] =	wrdreg s22;
	s5 =	sadd.s32 s24, s30;
	s26 =	sadd.s32 s6, s30  }
0x36: {  	v44 =	vor.u32 $0x381, v46;
	v45 =	vor.u32 $0x382, v46;
	v46 =	vor.u32 $0x383, v46;
	s22 =	simm.s32 $0x600;
	s24 =	simm.s32 $0x700;
	[dreg:$0x13] =	wrdreg s5  }
0x37: {  	v47 =	vor.u32 $0x700, v1;
	v48 =	vor.u32 $0x701, v1;
	v49 =	vor.u32 $0x702, v1;
	s6 =	simm.s32 $0x1;
	[dreg:$0x14] =	wrdreg s26;
	s5 =	simm.s32 $0x2  }
.LBB2_1:
0x38: {  	[tilespmem:$0x2000] =	vst v0  }
0x39: {  	[tilespmem:$0x2010] =	vst v0  }
0x3a: {  	[tilespmem:$0x2020] =	vst v0  }
0x3b: {  	[tilespmem:$0x2030] =	vst v0  }
0x3c: {  	[tilespmem:$0x2040] =	vst v0  }
0x3d: {  	[tilespmem:$0x2050] =	vst v0  }
0x3e: {  	[tilespmem:$0x2060] =	vst v0  }
0x3f: {  	[smem:$0x7F5] =	sst s2;
	[tilespmem:$0x2070] =	vst v0;
	s2 =	simm.s32 $0x40;
	s19 =	simm.s32 $0x0  }
.LBB2_2:
0x40: {  	p0 =	sne.s32 s2, $0x6180;
	[tilespmem:s19+$0x2080] =	vst v2;
	s19 =	smov.u32 s2;
	s2 =	sadd.s32 $0x40, s2  }
.Ltmp0:
0x41: {  	(pc) =	sbr.rel @p0 .LBB2_2-.Ltmp0, $2  }
0x42: {  	_ =	sdelay $0x2  }
0x43: {  	s19 =	sshra.s32 s19, $0x2  }
0x44: {  	[tilespmem:s19+$0x2080] =	vst v2  }
0x45: {  	[spmem:s20] =	stream.linear.scatter [tilespmem:s28], [sflag:$0x9], $0x1870, $0x38;
	[tilespmem:$0x5160] =	vst v63  }
0x46: {  	_ =	swait.ge [sflag:s29], $0x1870  }
0x47: {  	s0 =	rddreg [dreg:$0x17]  }
0x48: {  	s2 =	simm.s32 $0x0;
	[sflag:s29] =	ssyncset.done $0x0;
	s26 =	rddreg [dreg:$0x18]  }
0x49: {  	s28 =	simm.s32 $0x5;
	s19 =	sld [smem:$0x7FA];
	[sflag:s29] =	ssyncadd.s32 $0xFFFFE790  }
0x4a: {  	[tilespmem:s31], [sflag:$0x5] =	stream.linear.gather [hbm4b:s0+s2], $0x400, $0x38;
	[tilespmem:$0x5160] =	vst v63  }
0x4b: {  	s20 =	sld [smem:$0x7F9];
	s29 =	simm.s32 $0xC00;
	s0 =	simm.s32 $0xC00  }
0x4c: {  	[tilespmem:s29], [sflag:$0x6] =	stream.linear.gather [hbm4b:s26+s2], $0x400, $0x38;
	[tilespmem:$0x5160] =	vst v63  }
.LBB2_4:
0x4d: {  	_ =	swait.ge [sflag:s28], $0x400  }
0x4e: {  	p0 =	seq.s32 s2, $0x0;
	[sflag:s28] =	ssyncset.done $0x0  }
0x4f: {  	s29 =	simm.s32 @!p0 $0x7;
	[sflag:s28] =	ssyncadd.s32 $0xFFFFFC00  }
0x50: {  	_ =	swait.ge @!p0 [sflag:s29], $0x800  }
0x51: {  	[sflag:s29] =	ssyncset.done @!p0 $0x0  }
0x52: {  	[sflag:s29] =	ssyncadd.s32 @!p0 $0xFFFFF800  }
0x53: {  	v50 =	vld.idx.msk [tilespmem:v3+s31+$0x0], $0xffff  }
0x54: {  	v51 =	vld.idx.msk [tilespmem:v4+s31+$0x0], $0xffff  }
0x55: {  	v52 =	vld.idx.msk [tilespmem:v5+s31+$0x0], $0xffff;
	_ =	sdelay $0x2  }
0x56: {  	v50 =	vmul.f32 $1.000000000e+01, v50  }
0x57: {  	s26 =	simm.s32 $0x1000;
	v51 =	vmul.f32 $1.000000000e+01, v51  }
0x58: {  	v58 =	vmul.f32 $6.666666510e+00, v52;
	[tilespmem:v1+s26+$0x0] =	vst.idx.msk $0xffff, v50  }
0x59: {  	[tilespmem:v6+s26+$0x0] =	vst.idx.msk $0xffff, v51  }
0x5a: {  	[tilespmem:v7+s26+$0x0] =	vst.idx.msk $0xffff, v58  }
0x5b: {  	v50 =	vld.idx.msk [tilespmem:v8+s31+$0x0], $0xffff  }
0x5c: {  	v51 =	vld.idx.msk [tilespmem:v9+s31+$0x0], $0xffff  }
0x5d: {  	v59 =	vld.idx.msk [tilespmem:v10+s31+$0x0], $0xffff;
	_ =	sdelay $0x2  }
0x5e: {  	v50 =	vmul.f32 $1.000000000e+01, v50  }
0x5f: {  	v51 =	vmul.f32 $1.000000000e+01, v51  }
0x60: {  	v60 =	vmul.f32 $6.666666510e+00, v59;
	[tilespmem:v11+s26+$0x0] =	vst.idx.msk $0xffff, v50  }
0x61: {  	[tilespmem:v12+s26+$0x0] =	vst.idx.msk $0xffff, v51  }
0x62: {  	[tilespmem:v13+s26+$0x0] =	vst.idx.msk $0xffff, v60  }
0x63: {  	v50 =	vld.idx.msk [tilespmem:v14+s31+$0x0], $0xffff  }
0x64: {  	v51 =	vld.idx.msk [tilespmem:v15+s31+$0x0], $0xffff  }
0x65: {  	v61 =	vld.idx.msk [tilespmem:v16+s31+$0x0], $0xffff;
	_ =	sdelay $0x2  }
0x66: {  	v50 =	vmul.f32 $1.000000000e+01, v50  }
0x67: {  	v51 =	vmul.f32 $1.000000000e+01, v51  }
0x68: {  	v62 =	vmul.f32 $6.666666510e+00, v61;
	[tilespmem:v17+s26+$0x0] =	vst.idx.msk $0xffff, v50  }
0x69: {  	[tilespmem:v18+s26+$0x0] =	vst.idx.msk $0xffff, v51  }
0x6a: {  	[tilespmem:v19+s26+$0x0] =	vst.idx.msk $0xffff, v62  }
0x6b: {  	v50 =	vld.idx.msk [tilespmem:v20+s31+$0x0], $0xffff  }
0x6c: {  	v51 =	vld.idx.msk [tilespmem:v21+s31+$0x0], $0xffff  }
0x6d: {  	v63 =	vld.idx.msk [tilespmem:v22+s31+$0x0], $0xffff;
	_ =	sdelay $0x2  }
0x6e: {  	v50 =	vmul.f32 $1.000000000e+01, v50  }
0x6f: {  	v51 =	vmul.f32 $1.000000000e+01, v51  }
0x70: {  	v55 =	vmul.f32 $6.666666510e+00, v63;
	[tilespmem:v23+s26+$0x0] =	vst.idx.msk $0xffff, v50  }
0x71: {  	[tilespmem:v24+s26+$0x0] =	vst.idx.msk $0xffff, v51  }
0x72: {  	[tilespmem:v25+s26+$0x0] =	vst.idx.msk $0xffff, v55  }
0x73: {  	v50 =	vld.idx.msk [tilespmem:v26+s31+$0x0], $0xffff  }
0x74: {  	v51 =	vld.idx.msk [tilespmem:v27+s31+$0x0], $0xffff  }
0x75: {  	v56 =	vld.idx.msk [tilespmem:v28+s31+$0x0], $0xffff;
	_ =	sdelay $0x2  }
0x76: {  	v50 =	vmul.f32 $1.000000000e+01, v50  }
0x77: {  	v51 =	vmul.f32 $1.000000000e+01, v51  }
0x78: {  	v57 =	vmul.f32 $6.666666510e+00, v56;
	[tilespmem:v29+s26+$0x0] =	vst.idx.msk $0xffff, v50  }
0x79: {  	[tilespmem:v30+s26+$0x0] =	vst.idx.msk $0xffff, v51  }
0x7a: {  	[tilespmem:v31+s26+$0x0] =	vst.idx.msk $0xffff, v57  }
0x7b: {  	v50 =	vld.idx.msk [tilespmem:v32+s31+$0x0], $0xffff  }
0x7c: {  	v51 =	vld.idx.msk [tilespmem:v33+s31+$0x0], $0xffff  }
0x7d: {  	v58 =	vld.idx.msk [tilespmem:v34+s31+$0x0], $0xffff;
	_ =	sdelay $0x2  }
0x7e: {  	v50 =	vmul.f32 $1.000000000e+01, v50  }
0x7f: {  	v51 =	vmul.f32 $1.000000000e+01, v51  }
0x80: {  	v59 =	vmul.f32 $6.666666510e+00, v58;
	[tilespmem:v35+s26+$0x0] =	vst.idx.msk $0xffff, v50  }
0x81: {  	[tilespmem:v36+s26+$0x0] =	vst.idx.msk $0xffff, v51  }
0x82: {  	[tilespmem:v37+s26+$0x0] =	vst.idx.msk $0xffff, v59  }
0x83: {  	v50 =	vld.idx.msk [tilespmem:v38+s31+$0x0], $0xffff  }
0x84: {  	v51 =	vld.idx.msk [tilespmem:v39+s31+$0x0], $0xffff  }
0x85: {  	v60 =	vld.idx.msk [tilespmem:v40+s31+$0x0], $0xffff;
	_ =	sdelay $0x2  }
0x86: {  	v50 =	vmul.f32 $1.000000000e+01, v50  }
0x87: {  	v51 =	vmul.f32 $1.000000000e+01, v51  }
0x88: {  	v61 =	vmul.f32 $6.666666510e+00, v60;
	[tilespmem:v41+s26+$0x0] =	vst.idx.msk $0xffff, v50  }
0x89: {  	[tilespmem:v42+s26+$0x0] =	vst.idx.msk $0xffff, v51  }
0x8a: {  	[tilespmem:v43+s26+$0x0] =	vst.idx.msk $0xffff, v61  }
0x8b: {  	v50 =	vld.idx.msk [tilespmem:v44+s31+$0x0], $0xffff  }
0x8c: {  	v51 =	vld.idx.msk [tilespmem:v45+s31+$0x0], $0xffff  }
0x8d: {  	v62 =	vld.idx.msk [tilespmem:v46+s31+$0x0], $0xffff;
	_ =	sdelay $0x2  }
0x8e: {  	p1 =	sne.s32 s2, $0x1800;
	v50 =	vmul.f32 $1.000000000e+01, v50  }
.Ltmp1:
0x8f: {  	v51 =	vmul.f32 $1.000000000e+01, v51;
	(pc) =	sbr.rel @p1 .LBB2_6-.Ltmp1, $4  }
0x90: {  	v63 =	vmul.f32 $6.666666510e+00, v62;
	[tilespmem:v47+s26+$0x0] =	vst.idx.msk $0xffff, v50  }
0x91: {  	[tilespmem:v48+s26+$0x0] =	vst.idx.msk $0xffff, v51  }
0x92: {  	s29 =	sadd.s32 s2, s11;
	[tilespmem:v49+s26+$0x0] =	vst.idx.msk $0xffff, v63  }
0x93: {  	[hbm4b:s29+s4] =	stream.linear.scatter [tilespmem:s26], [sflag:$0x7], $0x800, $0x38;
	[tilespmem:$0x5160] =	vst v63  }
.Ltmp2:
0x94: {  	(pc) =	sbr.rel .LBB2_7-.Ltmp2, $4  }
0x95: {  	s26 =	simm.s32 $0x6  }
0x96: {  	_ =	swait.ge [sflag:s26], $0x400  }
0x97: {  	[sflag:s26] =	ssyncset.done $0x0  }
0x98: {  	[sflag:s26] =	ssyncadd.s32 $0xFFFFFC00  }
.LBB2_6:
0x99: {  	s29 =	sshrl.u32 s19, $0x3;
	s26 =	rddreg [dreg:$0x15]  }
0x9a: {  	s29 =	sadd.s32 s26, s29  }
0x9b: {  	[tilespmem:s31], [sflag:$0x5] =	stream.linear.gather [hbm4b:s29+s4], $0x400, $0x38;
	[tilespmem:$0x5160] =	vst v63  }
.Ltmp3:
0x9c: {  	_ = 	snop;
	(pc) =	sbr.rel @p0 .LBB2_8-.Ltmp3, $4  }
0x9d: {  	s29 =	simm.s32 $0x6  }
0x9e: {  	_ =	swait.ge [sflag:s29], $0x400  }
0x9f: {  	[sflag:s29] =	ssyncset.done $0x0  }
0xa0: {  	[sflag:s29] =	ssyncadd.s32 $0xFFFFFC00  }
.LBB2_7:
0xa1: {  	s26 =	simm.s32 $0x8  }
0xa2: {  	_ =	swait.ge [sflag:s26], $0x800  }
0xa3: {  	[sflag:s26] =	ssyncset.done $0x0  }
0xa4: {  	[sflag:s26] =	ssyncadd.s32 $0xFFFFF800  }
.LBB2_8:
0xa5: {  	_ =	sdelay $0x3  }
0xa6: {  	v50 =	vld.idx.msk [tilespmem:v3+s0+$0x0], $0xffff  }
0xa7: {  	v51 =	vld.idx.msk [tilespmem:v4+s0+$0x0], $0xffff  }
0xa8: {  	v52 =	vld.idx.msk [tilespmem:v5+s0+$0x0], $0xffff;
	_ =	sdelay $0x2  }
0xa9: {  	v50 =	vmul.f32 $1.000000000e+01, v50  }
0xaa: {  	s26 =	simm.s32 $0x1800;
	v51 =	vmul.f32 $1.000000000e+01, v51  }
0xab: {  	v58 =	vmul.f32 $6.666666510e+00, v52;
	[tilespmem:v1+s26+$0x0] =	vst.idx.msk $0xffff, v50  }
0xac: {  	[tilespmem:v6+s26+$0x0] =	vst.idx.msk $0xffff, v51  }
0xad: {  	[tilespmem:v7+s26+$0x0] =	vst.idx.msk $0xffff, v58  }
0xae: {  	v50 =	vld.idx.msk [tilespmem:v8+s0+$0x0], $0xffff  }
0xaf: {  	v51 =	vld.idx.msk [tilespmem:v9+s0+$0x0], $0xffff  }
0xb0: {  	v59 =	vld.idx.msk [tilespmem:v10+s0+$0x0], $0xffff;
	_ =	sdelay $0x2  }
0xb1: {  	v50 =	vmul.f32 $1.000000000e+01, v50  }
0xb2: {  	v51 =	vmul.f32 $1.000000000e+01, v51  }
0xb3: {  	v60 =	vmul.f32 $6.666666510e+00, v59;
	[tilespmem:v11+s26+$0x0] =	vst.idx.msk $0xffff, v50  }
0xb4: {  	[tilespmem:v12+s26+$0x0] =	vst.idx.msk $0xffff, v51  }
0xb5: {  	[tilespmem:v13+s26+$0x0] =	vst.idx.msk $0xffff, v60  }
0xb6: {  	v50 =	vld.idx.msk [tilespmem:v14+s0+$0x0], $0xffff  }
0xb7: {  	v51 =	vld.idx.msk [tilespmem:v15+s0+$0x0], $0xffff  }
0xb8: {  	v61 =	vld.idx.msk [tilespmem:v16+s0+$0x0], $0xffff;
	_ =	sdelay $0x2  }
0xb9: {  	v50 =	vmul.f32 $1.000000000e+01, v50  }
0xba: {  	v51 =	vmul.f32 $1.000000000e+01, v51  }
0xbb: {  	v62 =	vmul.f32 $6.666666510e+00, v61;
	[tilespmem:v17+s26+$0x0] =	vst.idx.msk $0xffff, v50  }
0xbc: {  	[tilespmem:v18+s26+$0x0] =	vst.idx.msk $0xffff, v51  }
0xbd: {  	[tilespmem:v19+s26+$0x0] =	vst.idx.msk $0xffff, v62  }
0xbe: {  	v50 =	vld.idx.msk [tilespmem:v20+s0+$0x0], $0xffff  }
0xbf: {  	v51 =	vld.idx.msk [tilespmem:v21+s0+$0x0], $0xffff  }
0xc0: {  	v63 =	vld.idx.msk [tilespmem:v22+s0+$0x0], $0xffff;
	_ =	sdelay $0x2  }
0xc1: {  	v50 =	vmul.f32 $1.000000000e+01, v50  }
0xc2: {  	v51 =	vmul.f32 $1.000000000e+01, v51  }
0xc3: {  	v55 =	vmul.f32 $6.666666510e+00, v63;
	[tilespmem:v23+s26+$0x0] =	vst.idx.msk $0xffff, v50  }
0xc4: {  	[tilespmem:v24+s26+$0x0] =	vst.idx.msk $0xffff, v51  }
0xc5: {  	[tilespmem:v25+s26+$0x0] =	vst.idx.msk $0xffff, v55  }
0xc6: {  	v50 =	vld.idx.msk [tilespmem:v26+s0+$0x0], $0xffff  }
0xc7: {  	v51 =	vld.idx.msk [tilespmem:v27+s0+$0x0], $0xffff  }
0xc8: {  	v56 =	vld.idx.msk [tilespmem:v28+s0+$0x0], $0xffff;
	_ =	sdelay $0x2  }
0xc9: {  	v50 =	vmul.f32 $1.000000000e+01, v50  }
0xca: {  	v51 =	vmul.f32 $1.000000000e+01, v51  }
0xcb: {  	v57 =	vmul.f32 $6.666666510e+00, v56;
	[tilespmem:v29+s26+$0x0] =	vst.idx.msk $0xffff, v50  }
0xcc: {  	[tilespmem:v30+s26+$0x0] =	vst.idx.msk $0xffff, v51  }
0xcd: {  	[tilespmem:v31+s26+$0x0] =	vst.idx.msk $0xffff, v57  }
0xce: {  	v50 =	vld.idx.msk [tilespmem:v32+s0+$0x0], $0xffff  }
0xcf: {  	v51 =	vld.idx.msk [tilespmem:v33+s0+$0x0], $0xffff  }
0xd0: {  	v58 =	vld.idx.msk [tilespmem:v34+s0+$0x0], $0xffff;
	_ =	sdelay $0x2  }
0xd1: {  	v50 =	vmul.f32 $1.000000000e+01, v50  }
0xd2: {  	v51 =	vmul.f32 $1.000000000e+01, v51  }
0xd3: {  	v59 =	vmul.f32 $6.666666510e+00, v58;
	[tilespmem:v35+s26+$0x0] =	vst.idx.msk $0xffff, v50  }
0xd4: {  	[tilespmem:v36+s26+$0x0] =	vst.idx.msk $0xffff, v51  }
0xd5: {  	[tilespmem:v37+s26+$0x0] =	vst.idx.msk $0xffff, v59  }
0xd6: {  	v50 =	vld.idx.msk [tilespmem:v38+s0+$0x0], $0xffff  }
0xd7: {  	v51 =	vld.idx.msk [tilespmem:v39+s0+$0x0], $0xffff  }
0xd8: {  	v60 =	vld.idx.msk [tilespmem:v40+s0+$0x0], $0xffff;
	_ =	sdelay $0x2  }
0xd9: {  	v50 =	vmul.f32 $1.000000000e+01, v50  }
0xda: {  	v51 =	vmul.f32 $1.000000000e+01, v51  }
0xdb: {  	v61 =	vmul.f32 $6.666666510e+00, v60;
	[tilespmem:v41+s26+$0x0] =	vst.idx.msk $0xffff, v50  }
0xdc: {  	[tilespmem:v42+s26+$0x0] =	vst.idx.msk $0xffff, v51  }
0xdd: {  	[tilespmem:v43+s26+$0x0] =	vst.idx.msk $0xffff, v61  }
0xde: {  	v50 =	vld.idx.msk [tilespmem:v44+s0+$0x0], $0xffff  }
0xdf: {  	v51 =	vld.idx.msk [tilespmem:v45+s0+$0x0], $0xffff  }
0xe0: {  	v62 =	vld.idx.msk [tilespmem:v46+s0+$0x0], $0xffff;
	_ =	sdelay $0x2  }
0xe1: {  	p0 =	seq.s32 s2, $0x1800;
	v50 =	vmul.f32 $1.000000000e+01, v50  }
.Ltmp4:
0xe2: {  	v51 =	vmul.f32 $1.000000000e+01, v51;
	(pc) =	sbr.rel @p0 .LBB2_10-.Ltmp4, $4  }
0xe3: {  	v63 =	vmul.f32 $6.666666510e+00, v62;
	[tilespmem:v47+s26+$0x0] =	vst.idx.msk $0xffff, v50  }
0xe4: {  	[tilespmem:v48+s26+$0x0] =	vst.idx.msk $0xffff, v51  }
0xe5: {  	s29 =	sadd.s32 s2, s1;
	[tilespmem:v49+s26+$0x0] =	vst.idx.msk $0xffff, v63  }
0xe6: {  	[hbm4b:s29+s4] =	stream.linear.scatter [tilespmem:s26], [sflag:$0x8], $0x800, $0x38;
	[tilespmem:$0x5160] =	vst v63  }
.Ltmp5:
0xe7: {  	(pc) =	sbr.rel .LBB2_4-.Ltmp5, $3  }
0xe8: {  	_ =	sdelay $0x1  }
0xe9: {  	[tilespmem:s0], [sflag:$0x6] =	stream.linear.gather [hbm4b:s20+s4], $0x400, $0x38;
	[tilespmem:$0x5160] =	vst v63  }
0xea: {  	s2 =	sadd.s32 $0x200, s2;
	s20 =	sadd.s32 $0x100, s20;
	s19 =	sadd.s32 $0x800, s19  }
.LBB2_10:
0xeb: {  	s0 =	simm.s32 $0x7  }
0xec: {  	_ =	swait.ge [sflag:s0], $0x800  }
0xed: {  	[sflag:s0] =	ssyncset.done $0x0  }
0xee: {  	s31 =	simm.s32 $0x8;
	[sflag:s0] =	ssyncadd.s32 $0xFFFFF800  }
0xef: {  	_ =	swait.ge [sflag:s31], $0x800  }
0xf0: {  	[sflag:s31] =	ssyncset.done $0x0  }
0xf1: {  	[sflag:s31] =	ssyncadd.s32 $0xFFFFF800  }
0xf2: {  	[bflag:$0x0] =	sbarrier.arrive $0xFFFF  }
0xf3: {  	s1 =	rddreg [dreg:$0x19]  }
0xf4: {  	s2 =	simm.s32 $0x0;
	s11 =	rddreg [dreg:$0x1a]  }
0xf5: {  	[tilespmem:s2], [sflag:$0x1] =	stream.linear.gather [hbm4b:s1+s2], $0x80, $0x38;
	[tilespmem:$0x5160] =	vst v63  }
0xf6: {  	s19 =	rddreg [dreg:$0x1b]  }
0xf7: {  	[tilespmem:s10], [sflag:$0x1] =	stream.linear.gather [hbm4b:s11+s2], $0x80, $0x38;
	[tilespmem:$0x5160] =	vst v63  }
0xf8: {  	s20 =	rddreg [dreg:$0x1c];
	s11 =	simm.s32 $0x100  }
0xf9: {  	[tilespmem:s11], [sflag:$0x1] =	stream.linear.gather [hbm4b:s19+s2], $0x80, $0x38;
	[tilespmem:$0x5160] =	vst v63  }
0xfa: {  	s26 =	rddreg [dreg:$0x1d]  }
0xfb: {  	[tilespmem:s12], [sflag:$0x1] =	stream.linear.gather [hbm4b:s20+s2], $0x80, $0x38;
	[tilespmem:$0x5160] =	vst v63  }
0xfc: {  	s28 =	rddreg [dreg:$0x1e]  }
0xfd: {  	[tilespmem:s13], [sflag:$0x1] =	stream.linear.gather [hbm4b:s26+s2], $0x80, $0x38;
	[tilespmem:$0x5160] =	vst v63  }
0xfe: {  	s29 =	rddreg [dreg:$0x1f]  }
0xff: {  	[tilespmem:s14], [sflag:$0x1] =	stream.linear.gather [hbm4b:s28+s2], $0x80, $0x38;
	[tilespmem:$0x5160] =	vst v63  }
0x100: {  	p0 =	por $0x1, $0x1;
	s31 =	sld [smem:$0x7F7]  }
0x101: {  	[tilespmem:s15], [sflag:$0x1] =	stream.linear.gather [hbm4b:s29+s2], $0x80, $0x38;
	[tilespmem:$0x5160] =	vst v63  }
0x102: {  	p0 =	por p0, p0  }
0x103: {  	[tilespmem:s16], [sflag:$0x1] =	stream.linear.gather [hbm4b:s31+s2], $0x80, $0x38;
	[tilespmem:$0x5160] =	vst v63  }
0x104: {  	s2 =	simm.s32 @!p0 $0x4  }
0x105: {  	_ =	swait.ge @!p0 [sflag:s2], $0x80  }
0x106: {  	[sflag:s2] =	ssyncset.done @!p0 $0x0  }
0x107: {  	[sflag:s2] =	ssyncadd.s32 @!p0 $0xFFFFFF80  }
0x108: {  	_ =	swait.ge @!p0 [sflag:s2], $0x80  }
0x109: {  	[sflag:s2] =	ssyncset.done @!p0 $0x0  }
0x10a: {  	[sflag:s2] =	ssyncadd.s32 @!p0 $0xFFFFFF80  }
0x10b: {  	_ =	swait.ge @!p0 [sflag:s2], $0x80  }
0x10c: {  	[sflag:s2] =	ssyncset.done @!p0 $0x0  }
0x10d: {  	[sflag:s2] =	ssyncadd.s32 @!p0 $0xFFFFFF80  }
0x10e: {  	_ =	swait.ge @!p0 [sflag:s2], $0x80  }
0x10f: {  	[sflag:s2] =	ssyncset.done @!p0 $0x0  }
0x110: {  	[sflag:s2] =	ssyncadd.s32 @!p0 $0xFFFFFF80  }
0x111: {  	_ =	swait.ge @!p0 [sflag:s2], $0x80  }
0x112: {  	[sflag:s2] =	ssyncset.done @!p0 $0x0  }
0x113: {  	[sflag:s2] =	ssyncadd.s32 @!p0 $0xFFFFFF80  }
0x114: {  	_ =	swait.ge @!p0 [sflag:s2], $0x80  }
0x115: {  	[sflag:s2] =	ssyncset.done @!p0 $0x0  }
0x116: {  	[sflag:s2] =	ssyncadd.s32 @!p0 $0xFFFFFF80  }
0x117: {  	_ =	swait.ge @!p0 [sflag:s2], $0x80  }
0x118: {  	[sflag:s2] =	ssyncset.done @!p0 $0x0  }
0x119: {  	[sflag:s2] =	ssyncadd.s32 @!p0 $0xFFFFFF80  }
0x11a: {  	_ =	swait.ge @!p0 [sflag:s2], $0x80  }
0x11b: {  	s19 =	rddreg [dreg:$0x14];
	[sflag:s2] =	ssyncset.done @!p0 $0x0  }
0x11c: {  	s20 =	rddreg [dreg:$0x13];
	[sflag:s2] =	ssyncadd.s32 @!p0 $0xFFFFFF80;
	s19 =	sadd.s32 $0x0, s19  }
0x11d: {  	[tilespmem:s17], [sflag:$0x2] =	stream.linear.gather [hbm4b:s19+s4], $0x80, $0x38;
	[tilespmem:$0x5160] =	vst v63  }
0x11e: {  	s1 =	rddreg [dreg:$0x12];
	s20 =	sadd.s32 $0x0, s20  }
0x11f: {  	[tilespmem:s18], [sflag:$0x2] =	stream.linear.gather [hbm4b:s20+s4], $0x80, $0x38;
	[tilespmem:$0x5160] =	vst v63  }
0x120: {  	s26 =	rddreg [dreg:$0x11];
	s2 =	sadd.s32 $0x0, s1  }
0x121: {  	[tilespmem:s7], [sflag:$0x2] =	stream.linear.gather [hbm4b:s2+s4], $0x80, $0x38;
	[tilespmem:$0x5160] =	vst v63  }
0x122: {  	s28 =	rddreg [dreg:$0x10];
	s29 =	sadd.s32 $0x0, s26  }
0x123: {  	[tilespmem:s21], [sflag:$0x2] =	stream.linear.gather [hbm4b:s29+s4], $0x80, $0x38;
	[tilespmem:$0x5160] =	vst v63  }
0x124: {  	s31 =	rddreg [dreg:$0xf];
	s0 =	sadd.s32 $0x0, s28  }
0x125: {  	[tilespmem:s22], [sflag:$0x2] =	stream.linear.gather [hbm4b:s0+s4], $0x80, $0x38;
	[tilespmem:$0x5160] =	vst v63  }
0x126: {  	s1 =	rddreg [dreg:$0xe];
	s26 =	sadd.s32 $0x0, s31  }
0x127: {  	[tilespmem:s9], [sflag:$0x2] =	stream.linear.gather [hbm4b:s26+s4], $0x80, $0x38;
	[tilespmem:$0x5160] =	vst v63  }
0x128: {  	s28 =	rddreg [dreg:$0xd];
	s29 =	sadd.s32 $0x0, s1  }
0x129: {  	[tilespmem:s24], [sflag:$0x2] =	stream.linear.gather [hbm4b:s29+s4], $0x80, $0x38;
	[tilespmem:$0x5160] =	vst v63  }
0x12a: {  	s31 =	sadd.s32 $0x0, s28  }
0x12b: {  	[tilespmem:s8], [sflag:$0x2] =	stream.linear.gather [hbm4b:s31+s4], $0x80, $0x38;
	[tilespmem:$0x5160] =	vst v63  }
0x12c: {  	_ =	swait.ge [sflag:s6], $0x80  }
0x12d: {  	[sflag:s6] =	ssyncset.done $0x0  }
0x12e: {  	[sflag:s6] =	ssyncadd.s32 $0xFFFFFF80  }
0x12f: {  	_ =	swait.ge [sflag:s6], $0x80  }
0x130: {  	[sflag:s6] =	ssyncset.done $0x0  }
0x131: {  	[sflag:s6] =	ssyncadd.s32 $0xFFFFFF80  }
0x132: {  	_ =	swait.ge [sflag:s6], $0x80  }
0x133: {  	[sflag:s6] =	ssyncset.done $0x0  }
0x134: {  	[sflag:s6] =	ssyncadd.s32 $0xFFFFFF80  }
0x135: {  	_ =	swait.ge [sflag:s6], $0x80  }
0x136: {  	[sflag:s6] =	ssyncset.done $0x0  }
0x137: {  	[sflag:s6] =	ssyncadd.s32 $0xFFFFFF80  }
0x138: {  	_ =	swait.ge [sflag:s6], $0x80  }
0x139: {  	[sflag:s6] =	ssyncset.done $0x0  }
0x13a: {  	[sflag:s6] =	ssyncadd.s32 $0xFFFFFF80  }
0x13b: {  	_ =	swait.ge [sflag:s6], $0x80  }
0x13c: {  	[sflag:s6] =	ssyncset.done $0x0  }
0x13d: {  	[sflag:s6] =	ssyncadd.s32 $0xFFFFFF80  }
0x13e: {  	_ =	swait.ge [sflag:s6], $0x80  }
0x13f: {  	[sflag:s6] =	ssyncset.done $0x0  }
0x140: {  	[sflag:s6] =	ssyncadd.s32 $0xFFFFFF80  }
0x141: {  	_ =	swait.ge [sflag:s6], $0x80  }
0x142: {  	[sflag:s6] =	ssyncset.done $0x0  }
0x143: {  	[sflag:s6] =	ssyncadd.s32 $0xFFFFFF80  }
0x144: {  	[spmem:s3] =	stream.indirect.scatter.add.f32 [tilespmem:s23], [sflag:$0x3], $0x1, s4, s10, $0xb8;
	[tilespmem:$0x5160] =	vst v63  }
0x145: {  	_ = 	snop  }
0x146: {  	[spmem:s3] =	stream.indirect.scatter.add.f32 [tilespmem:s23], [sflag:$0x3], $0x1, s10, s10, $0xb8;
	[tilespmem:$0x5160] =	vst v63  }
0x147: {  	_ = 	snop  }
0x148: {  	[spmem:s3] =	stream.indirect.scatter.add.f32 [tilespmem:s23], [sflag:$0x3], $0x1, s11, s10, $0xb8;
	[tilespmem:$0x5160] =	vst v63  }
0x149: {  	_ = 	snop  }
0x14a: {  	[spmem:s3] =	stream.indirect.scatter.add.f32 [tilespmem:s23], [sflag:$0x3], $0x1, s12, s10, $0xb8;
	[tilespmem:$0x5160] =	vst v63  }
0x14b: {  	_ = 	snop  }
0x14c: {  	[spmem:s3] =	stream.indirect.scatter.add.f32 [tilespmem:s23], [sflag:$0x3], $0x1, s13, s10, $0xb8;
	[tilespmem:$0x5160] =	vst v63  }
0x14d: {  	_ = 	snop  }
0x14e: {  	[spmem:s3] =	stream.indirect.scatter.add.f32 [tilespmem:s23], [sflag:$0x3], $0x1, s14, s10, $0xb8;
	[tilespmem:$0x5160] =	vst v63  }
0x14f: {  	_ = 	snop  }
0x150: {  	[spmem:s3] =	stream.indirect.scatter.add.f32 [tilespmem:s23], [sflag:$0x3], $0x1, s15, s10, $0xb8;
	[tilespmem:$0x5160] =	vst v63  }
0x151: {  	_ = 	snop  }
0x152: {  	[spmem:s3] =	stream.indirect.scatter.add.f32 [tilespmem:s23], [sflag:$0x3], $0x1, s16, s10, $0xb8;
	[tilespmem:$0x5160] =	vst v63  }
0x153: {  	_ =	swait.ge [sflag:s25], $0x80  }
0x154: {  	[sflag:s25] =	ssyncset.done $0x0  }
0x155: {  	[sflag:s25] =	ssyncadd.s32 $0xFFFFFF80  }
0x156: {  	_ =	swait.ge [sflag:s25], $0x80  }
0x157: {  	[sflag:s25] =	ssyncset.done $0x0  }
0x158: {  	[sflag:s25] =	ssyncadd.s32 $0xFFFFFF80  }
0x159: {  	_ =	swait.ge [sflag:s25], $0x80  }
0x15a: {  	[sflag:s25] =	ssyncset.done $0x0  }
0x15b: {  	[sflag:s25] =	ssyncadd.s32 $0xFFFFFF80  }
0x15c: {  	_ =	swait.ge [sflag:s25], $0x80  }
0x15d: {  	[sflag:s25] =	ssyncset.done $0x0  }
0x15e: {  	[sflag:s25] =	ssyncadd.s32 $0xFFFFFF80  }
0x15f: {  	_ =	swait.ge [sflag:s25], $0x80  }
0x160: {  	[sflag:s25] =	ssyncset.done $0x0  }
0x161: {  	[sflag:s25] =	ssyncadd.s32 $0xFFFFFF80  }
0x162: {  	_ =	swait.ge [sflag:s25], $0x80  }
0x163: {  	[sflag:s25] =	ssyncset.done $0x0  }
0x164: {  	[sflag:s25] =	ssyncadd.s32 $0xFFFFFF80  }
0x165: {  	_ =	swait.ge [sflag:s25], $0x80  }
0x166: {  	[sflag:s25] =	ssyncset.done $0x0  }
0x167: {  	[sflag:s25] =	ssyncadd.s32 $0xFFFFFF80  }
0x168: {  	_ =	swait.ge [sflag:s25], $0x80  }
0x169: {  	s0 =	sld [smem:$0x7FB];
	_ =	sdelay $0x1  }
0x16a: {  	p0 =	por $0x0, $0x0  }
0x16b: {  	s20 =	simm.s32 @!p0 $0x0;
	[sflag:s25] =	ssyncset.done $0x0;
	s2 =	sshrl.u32 @!p0 s0, $0x3  }
0x16c: {  	s19 =	rddreg [dreg:$0xc];
	[sflag:s25] =	ssyncadd.s32 $0xFFFFFF80;
	s2 =	sadd.s32 @!p0 s30, s2  }
0x16d: {  	[tilespmem:s20], [sflag:$0x1] =	stream.linear.gather @!p0 [hbm4b:s2+s20], $0x80, $0x38;
	[tilespmem:$0x5160] =	vst v63  }
0x16e: {  	s29 =	simm.s32 @!p0 $0x80;
	s19 =	sadd.s32 @!p0 $0x0, s19;
	s2 =	rddreg [dreg:$0xb]  }
0x16f: {  	[tilespmem:s29], [sflag:$0x1] =	stream.linear.gather @!p0 [hbm4b:s19+s20], $0x80, $0x38;
	[tilespmem:$0x5160] =	vst v63  }
0x170: {  	s2 =	sadd.s32 @!p0 $0x0, s2;
	s19 =	rddreg [dreg:$0xa];
	s29 =	simm.s32 @!p0 $0x100  }
0x171: {  	[tilespmem:s29], [sflag:$0x1] =	stream.linear.gather @!p0 [hbm4b:s2+s20], $0x80, $0x38;
	[tilespmem:$0x5160] =	vst v63  }
0x172: {  	s19 =	sadd.s32 @!p0 $0x0, s19;
	s2 =	rddreg [dreg:$0x9];
	s29 =	simm.s32 @!p0 $0x180  }
0x173: {  	[tilespmem:s29], [sflag:$0x1] =	stream.linear.gather @!p0 [hbm4b:s19+s20], $0x80, $0x38;
	[tilespmem:$0x5160] =	vst v63  }
0x174: {  	s2 =	sadd.s32 @!p0 $0x0, s2;
	s19 =	rddreg [dreg:$0x8];
	s29 =	simm.s32 @!p0 $0x200  }
0x175: {  	[tilespmem:s29], [sflag:$0x1] =	stream.linear.gather @!p0 [hbm4b:s2+s20], $0x80, $0x38;
	[tilespmem:$0x5160] =	vst v63  }
0x176: {  	s19 =	sadd.s32 @!p0 $0x0, s19;
	s2 =	rddreg [dreg:$0x7];
	s29 =	simm.s32 @!p0 $0x280  }
0x177: {  	[tilespmem:s29], [sflag:$0x1] =	stream.linear.gather @!p0 [hbm4b:s19+s20], $0x80, $0x38;
	[tilespmem:$0x5160] =	vst v63  }
0x178: {  	s2 =	sadd.s32 @!p0 $0x0, s2;
	s19 =	rddreg [dreg:$0x6];
	s29 =	simm.s32 @!p0 $0x300  }
0x179: {  	[tilespmem:s29], [sflag:$0x1] =	stream.linear.gather @!p0 [hbm4b:s2+s20], $0x80, $0x38;
	[tilespmem:$0x5160] =	vst v63  }
0x17a: {  	s2 =	sadd.s32 @!p0 $0x0, s19;
	s19 =	simm.s32 @!p0 $0x380  }
0x17b: {  	[tilespmem:s19], [sflag:$0x1] =	stream.linear.gather @!p0 [hbm4b:s2+s20], $0x80, $0x38;
	[tilespmem:$0x5160] =	vst v63  }
0x17c: {  	_ =	swait.ge [sflag:s5], $0x80  }
0x17d: {  	[sflag:s5] =	ssyncset.done $0x0  }
0x17e: {  	[sflag:s5] =	ssyncadd.s32 $0xFFFFFF80  }
0x17f: {  	_ =	swait.ge [sflag:s5], $0x80  }
0x180: {  	[sflag:s5] =	ssyncset.done $0x0  }
0x181: {  	[sflag:s5] =	ssyncadd.s32 $0xFFFFFF80  }
0x182: {  	_ =	swait.ge [sflag:s5], $0x80  }
0x183: {  	[sflag:s5] =	ssyncset.done $0x0  }
0x184: {  	[sflag:s5] =	ssyncadd.s32 $0xFFFFFF80  }
0x185: {  	_ =	swait.ge [sflag:s5], $0x80  }
0x186: {  	[sflag:s5] =	ssyncset.done $0x0  }
0x187: {  	[sflag:s5] =	ssyncadd.s32 $0xFFFFFF80  }
0x188: {  	_ =	swait.ge [sflag:s5], $0x80  }
0x189: {  	[sflag:s5] =	ssyncset.done $0x0  }
0x18a: {  	[sflag:s5] =	ssyncadd.s32 $0xFFFFFF80  }
0x18b: {  	_ =	swait.ge [sflag:s5], $0x80  }
0x18c: {  	[sflag:s5] =	ssyncset.done $0x0  }
0x18d: {  	[sflag:s5] =	ssyncadd.s32 $0xFFFFFF80  }
0x18e: {  	_ =	swait.ge [sflag:s5], $0x80  }
0x18f: {  	[sflag:s5] =	ssyncset.done $0x0  }
0x190: {  	[sflag:s5] =	ssyncadd.s32 $0xFFFFFF80  }
0x191: {  	_ =	swait.ge [sflag:s5], $0x80  }
0x192: {  	[sflag:s5] =	ssyncset.done $0x0  }
0x193: {  	[sflag:s5] =	ssyncadd.s32 $0xFFFFFF80  }
0x194: {  	[spmem:s3] =	stream.indirect.scatter.add.f32 [tilespmem:s23], [sflag:$0x4], $0x1, s17, s10, $0xb8;
	[tilespmem:$0x5160] =	vst v63  }
0x195: {  	_ = 	snop  }
0x196: {  	[spmem:s3] =	stream.indirect.scatter.add.f32 [tilespmem:s23], [sflag:$0x4], $0x1, s18, s10, $0xb8;
	[tilespmem:$0x5160] =	vst v63  }
0x197: {  	_ = 	snop  }
0x198: {  	[spmem:s3] =	stream.indirect.scatter.add.f32 [tilespmem:s23], [sflag:$0x4], $0x1, s7, s10, $0xb8;
	[tilespmem:$0x5160] =	vst v63  }
0x199: {  	_ = 	snop  }
0x19a: {  	[spmem:s3] =	stream.indirect.scatter.add.f32 [tilespmem:s23], [sflag:$0x4], $0x1, s21, s10, $0xb8;
	[tilespmem:$0x5160] =	vst v63  }
0x19b: {  	p6 =	por $0x0, $0x0;
	s19 =	simm.s32 $0x100  }
0x19c: {  	[spmem:s3] =	stream.indirect.scatter.add.f32 [tilespmem:s23], [sflag:$0x4], $0x1, s22, s10, $0xb8;
	[tilespmem:$0x5160] =	vst v63  }
0x19d: {  	s2 =	simm.s32 $0x200;
	p0 =	por p6, p6;
	s20 =	sadd.s32 $0x800, s0  }
0x19e: {  	[spmem:s3] =	stream.indirect.scatter.add.f32 [tilespmem:s23], [sflag:$0x4], $0x1, s9, s10, $0xb8;
	[tilespmem:$0x5160] =	vst v63  }
.LBB2_11:
0x19f: {  	[spmem:s3] =	stream.indirect.scatter.add.f32 [tilespmem:s23], [sflag:$0x4], $0x1, s24, s10, $0xb8;
	[tilespmem:$0x5160] =	vst v63  }
0x1a0: {  	s31 =	simm.s32 @!p0 $0x4  }
0x1a1: {  	[spmem:s3] =	stream.indirect.scatter.add.f32 [tilespmem:s23], [sflag:$0x4], $0x1, s8, s10, $0xb8;
	[tilespmem:$0x5160] =	vst v63  }
0x1a2: {  	_ =	swait.ge @!p0 [sflag:s31], $0x80  }
0x1a3: {  	[sflag:s31] =	ssyncset.done @!p0 $0x0  }
0x1a4: {  	[sflag:s31] =	ssyncadd.s32 @!p0 $0xFFFFFF80  }
0x1a5: {  	_ =	swait.ge @!p0 [sflag:s31], $0x80  }
0x1a6: {  	[sflag:s31] =	ssyncset.done @!p0 $0x0  }
0x1a7: {  	[sflag:s31] =	ssyncadd.s32 @!p0 $0xFFFFFF80  }
0x1a8: {  	_ =	swait.ge @!p0 [sflag:s31], $0x80  }
0x1a9: {  	[sflag:s31] =	ssyncset.done @!p0 $0x0  }
0x1aa: {  	[sflag:s31] =	ssyncadd.s32 @!p0 $0xFFFFFF80  }
0x1ab: {  	_ =	swait.ge @!p0 [sflag:s31], $0x80  }
0x1ac: {  	[sflag:s31] =	ssyncset.done @!p0 $0x0  }
0x1ad: {  	[sflag:s31] =	ssyncadd.s32 @!p0 $0xFFFFFF80  }
0x1ae: {  	_ =	swait.ge @!p0 [sflag:s31], $0x80  }
0x1af: {  	[sflag:s31] =	ssyncset.done @!p0 $0x0  }
0x1b0: {  	[sflag:s31] =	ssyncadd.s32 @!p0 $0xFFFFFF80  }
0x1b1: {  	_ =	swait.ge @!p0 [sflag:s31], $0x80  }
0x1b2: {  	[sflag:s31] =	ssyncset.done @!p0 $0x0  }
0x1b3: {  	[sflag:s31] =	ssyncadd.s32 @!p0 $0xFFFFFF80  }
0x1b4: {  	_ =	swait.ge @!p0 [sflag:s31], $0x80  }
0x1b5: {  	[sflag:s31] =	ssyncset.done @!p0 $0x0  }
0x1b6: {  	[sflag:s31] =	ssyncadd.s32 @!p0 $0xFFFFFF80  }
0x1b7: {  	_ =	swait.ge @!p0 [sflag:s31], $0x80  }
0x1b8: {  	s26 =	rddreg [dreg:$0x14];
	[sflag:s31] =	ssyncset.done @!p0 $0x0  }
0x1b9: {  	s28 =	rddreg [dreg:$0x13];
	[sflag:s31] =	ssyncadd.s32 @!p0 $0xFFFFFF80;
	s26 =	sadd.s32 s19, s26  }
0x1ba: {  	[tilespmem:s17], [sflag:$0x2] =	stream.linear.gather [hbm4b:s26+s4], $0x80, $0x38;
	[tilespmem:$0x5160] =	vst v63  }
0x1bb: {  	s31 =	rddreg [dreg:$0x12];
	s1 =	sadd.s32 s19, s28  }
0x1bc: {  	[tilespmem:s18], [sflag:$0x2] =	stream.linear.gather [hbm4b:s1+s4], $0x80, $0x38;
	[tilespmem:$0x5160] =	vst v63  }
0x1bd: {  	s0 =	rddreg [dreg:$0x11];
	s1 =	sadd.s32 s19, s31  }
0x1be: {  	[tilespmem:s7], [sflag:$0x2] =	stream.linear.gather [hbm4b:s1+s4], $0x80, $0x38;
	[tilespmem:$0x5160] =	vst v63  }
0x1bf: {  	s0 =	sadd.s32 s19, s0;
	s31 =	rddreg [dreg:$0x10]  }
0x1c0: {  	[tilespmem:s21], [sflag:$0x2] =	stream.linear.gather [hbm4b:s0+s4], $0x80, $0x38;
	[tilespmem:$0x5160] =	vst v63  }
0x1c1: {  	s1 =	rddreg [dreg:$0xf];
	s0 =	sadd.s32 s19, s31  }
0x1c2: {  	[tilespmem:s22], [sflag:$0x2] =	stream.linear.gather [hbm4b:s0+s4], $0x80, $0x38;
	[tilespmem:$0x5160] =	vst v63  }
0x1c3: {  	s1 =	sadd.s32 s19, s1;
	s31 =	rddreg [dreg:$0xe]  }
0x1c4: {  	[tilespmem:s9], [sflag:$0x2] =	stream.linear.gather [hbm4b:s1+s4], $0x80, $0x38;
	[tilespmem:$0x5160] =	vst v63  }
0x1c5: {  	s0 =	rddreg [dreg:$0xd];
	s1 =	sadd.s32 s19, s31  }
0x1c6: {  	[tilespmem:s24], [sflag:$0x2] =	stream.linear.gather [hbm4b:s1+s4], $0x80, $0x38;
	[tilespmem:$0x5160] =	vst v63  }
0x1c7: {  	s31 =	sadd.s32 s19, s0  }
0x1c8: {  	[tilespmem:s8], [sflag:$0x2] =	stream.linear.gather [hbm4b:s31+s4], $0x80, $0x38;
	[tilespmem:$0x5160] =	vst v63  }
0x1c9: {  	_ =	swait.ge [sflag:s6], $0x80  }
0x1ca: {  	[sflag:s6] =	ssyncset.done $0x0  }
0x1cb: {  	[sflag:s6] =	ssyncadd.s32 $0xFFFFFF80  }
0x1cc: {  	_ =	swait.ge [sflag:s6], $0x80  }
0x1cd: {  	[sflag:s6] =	ssyncset.done $0x0  }
0x1ce: {  	[sflag:s6] =	ssyncadd.s32 $0xFFFFFF80  }
0x1cf: {  	_ =	swait.ge [sflag:s6], $0x80  }
0x1d0: {  	[sflag:s6] =	ssyncset.done $0x0  }
0x1d1: {  	[sflag:s6] =	ssyncadd.s32 $0xFFFFFF80  }
0x1d2: {  	_ =	swait.ge [sflag:s6], $0x80  }
0x1d3: {  	[sflag:s6] =	ssyncset.done $0x0  }
0x1d4: {  	[sflag:s6] =	ssyncadd.s32 $0xFFFFFF80  }
0x1d5: {  	_ =	swait.ge [sflag:s6], $0x80  }
0x1d6: {  	[sflag:s6] =	ssyncset.done $0x0  }
0x1d7: {  	[sflag:s6] =	ssyncadd.s32 $0xFFFFFF80  }
0x1d8: {  	_ =	swait.ge [sflag:s6], $0x80  }
0x1d9: {  	[sflag:s6] =	ssyncset.done $0x0  }
0x1da: {  	[sflag:s6] =	ssyncadd.s32 $0xFFFFFF80  }
0x1db: {  	_ =	swait.ge [sflag:s6], $0x80  }
0x1dc: {  	[sflag:s6] =	ssyncset.done $0x0  }
0x1dd: {  	[sflag:s6] =	ssyncadd.s32 $0xFFFFFF80  }
0x1de: {  	_ =	swait.ge [sflag:s6], $0x80  }
0x1df: {  	[sflag:s6] =	ssyncset.done $0x0  }
0x1e0: {  	[sflag:s6] =	ssyncadd.s32 $0xFFFFFF80  }
0x1e1: {  	[spmem:s3] =	stream.indirect.scatter.add.f32 [tilespmem:s23], [sflag:$0x3], $0x1, s4, s10, $0xb8;
	[tilespmem:$0x5160] =	vst v63  }
0x1e2: {  	_ = 	snop  }
0x1e3: {  	[spmem:s3] =	stream.indirect.scatter.add.f32 [tilespmem:s23], [sflag:$0x3], $0x1, s10, s10, $0xb8;
	[tilespmem:$0x5160] =	vst v63  }
0x1e4: {  	_ = 	snop  }
0x1e5: {  	[spmem:s3] =	stream.indirect.scatter.add.f32 [tilespmem:s23], [sflag:$0x3], $0x1, s11, s10, $0xb8;
	[tilespmem:$0x5160] =	vst v63  }
0x1e6: {  	_ = 	snop  }
0x1e7: {  	[spmem:s3] =	stream.indirect.scatter.add.f32 [tilespmem:s23], [sflag:$0x3], $0x1, s12, s10, $0xb8;
	[tilespmem:$0x5160] =	vst v63  }
0x1e8: {  	_ = 	snop  }
0x1e9: {  	[spmem:s3] =	stream.indirect.scatter.add.f32 [tilespmem:s23], [sflag:$0x3], $0x1, s13, s10, $0xb8;
	[tilespmem:$0x5160] =	vst v63  }
0x1ea: {  	_ = 	snop  }
0x1eb: {  	[spmem:s3] =	stream.indirect.scatter.add.f32 [tilespmem:s23], [sflag:$0x3], $0x1, s14, s10, $0xb8;
	[tilespmem:$0x5160] =	vst v63  }
0x1ec: {  	_ = 	snop  }
0x1ed: {  	[spmem:s3] =	stream.indirect.scatter.add.f32 [tilespmem:s23], [sflag:$0x3], $0x1, s15, s10, $0xb8;
	[tilespmem:$0x5160] =	vst v63  }
0x1ee: {  	_ = 	snop  }
0x1ef: {  	[spmem:s3] =	stream.indirect.scatter.add.f32 [tilespmem:s23], [sflag:$0x3], $0x1, s16, s10, $0xb8;
	[tilespmem:$0x5160] =	vst v63  }
0x1f0: {  	_ =	swait.ge [sflag:s25], $0x80  }
0x1f1: {  	[sflag:s25] =	ssyncset.done $0x0  }
0x1f2: {  	[sflag:s25] =	ssyncadd.s32 $0xFFFFFF80  }
0x1f3: {  	_ =	swait.ge [sflag:s25], $0x80  }
0x1f4: {  	[sflag:s25] =	ssyncset.done $0x0  }
0x1f5: {  	[sflag:s25] =	ssyncadd.s32 $0xFFFFFF80  }
0x1f6: {  	_ =	swait.ge [sflag:s25], $0x80  }
0x1f7: {  	[sflag:s25] =	ssyncset.done $0x0  }
0x1f8: {  	[sflag:s25] =	ssyncadd.s32 $0xFFFFFF80  }
0x1f9: {  	_ =	swait.ge [sflag:s25], $0x80  }
0x1fa: {  	[sflag:s25] =	ssyncset.done $0x0  }
0x1fb: {  	[sflag:s25] =	ssyncadd.s32 $0xFFFFFF80  }
0x1fc: {  	_ =	swait.ge [sflag:s25], $0x80  }
0x1fd: {  	[sflag:s25] =	ssyncset.done $0x0  }
0x1fe: {  	[sflag:s25] =	ssyncadd.s32 $0xFFFFFF80  }
0x1ff: {  	_ =	swait.ge [sflag:s25], $0x80  }
0x200: {  	[sflag:s25] =	ssyncset.done $0x0  }
0x201: {  	[sflag:s25] =	ssyncadd.s32 $0xFFFFFF80  }
0x202: {  	s29 =	smov.u32 s2;
	_ =	swait.ge [sflag:s25], $0x80  }
0x203: {  	p2 =	seq.s32 s29, $0x0;
	[sflag:s25] =	ssyncset.done $0x0  }
0x204: {  	p0 =	por p2, p2;
	p2 =	seq.s32 s19, $0x800;
	[sflag:s25] =	ssyncadd.s32 $0xFFFFFF80  }
0x205: {  	s26 =	sshrl.u32 @!p2 s20, $0x3;
	_ =	swait.ge [sflag:s25], $0x80  }
0x206: {  	s26 =	sadd.s32 @!p2 s30, s26;
	s31 =	simm.s32 @!p2 $0x0;
	[sflag:s25] =	ssyncset.done $0x0  }
0x207: {  	s11 =	smov.u32 s30;
	s30 =	rddreg [dreg:$0xc];
	[sflag:s25] =	ssyncadd.s32 $0xFFFFFF80  }
0x208: {  	[tilespmem:s31], [sflag:$0x1] =	stream.linear.gather @!p2 [hbm4b:s26+s31], $0x80, $0x38;
	[tilespmem:$0x5160] =	vst v63  }
0x209: {  	s0 =	simm.s32 @!p2 $0x80;
	s28 =	rddreg [dreg:$0xb];
	s26 =	sadd.s32 @!p2 s19, s30  }
0x20a: {  	[tilespmem:s0], [sflag:$0x1] =	stream.linear.gather @!p2 [hbm4b:s26+s31], $0x80, $0x38;
	[tilespmem:$0x5160] =	vst v63  }
0x20b: {  	s1 =	rddreg [dreg:$0xa];
	s28 =	sadd.s32 @!p2 s19, s28;
	s0 =	simm.s32 @!p2 $0x100  }
0x20c: {  	[tilespmem:s0], [sflag:$0x1] =	stream.linear.gather @!p2 [hbm4b:s28+s31], $0x80, $0x38;
	[tilespmem:$0x5160] =	vst v63  }
0x20d: {  	s1 =	sadd.s32 @!p2 s19, s1;
	s30 =	rddreg [dreg:$0x9];
	s0 =	simm.s32 @!p2 $0x180  }
0x20e: {  	[tilespmem:s0], [sflag:$0x1] =	stream.linear.gather @!p2 [hbm4b:s1+s31], $0x80, $0x38;
	[tilespmem:$0x5160] =	vst v63  }
0x20f: {  	s26 =	rddreg [dreg:$0x8];
	s28 =	sadd.s32 @!p2 s19, s30;
	s0 =	simm.s32 @!p2 $0x200  }
0x210: {  	[tilespmem:s0], [sflag:$0x1] =	stream.linear.gather @!p2 [hbm4b:s28+s31], $0x80, $0x38;
	[tilespmem:$0x5160] =	vst v63  }
0x211: {  	s30 =	rddreg [dreg:$0x7];
	s1 =	sadd.s32 @!p2 s19, s26;
	s0 =	simm.s32 @!p2 $0x280  }
0x212: {  	[tilespmem:s0], [sflag:$0x1] =	stream.linear.gather @!p2 [hbm4b:s1+s31], $0x80, $0x38;
	[tilespmem:$0x5160] =	vst v63  }
0x213: {  	s26 =	rddreg [dreg:$0x6];
	s28 =	sadd.s32 @!p2 s19, s30;
	s0 =	simm.s32 @!p2 $0x300  }
0x214: {  	[tilespmem:s0], [sflag:$0x1] =	stream.linear.gather @!p2 [hbm4b:s28+s31], $0x80, $0x38;
	[tilespmem:$0x5160] =	vst v63  }
0x215: {  	s1 =	sadd.s32 @!p2 s19, s26;
	s0 =	simm.s32 @!p2 $0x380  }
0x216: {  	[tilespmem:s0], [sflag:$0x1] =	stream.linear.gather @!p2 [hbm4b:s1+s31], $0x80, $0x38;
	[tilespmem:$0x5160] =	vst v63  }
0x217: {  	_ =	swait.ge [sflag:s5], $0x80  }
0x218: {  	[sflag:s5] =	ssyncset.done $0x0  }
0x219: {  	[sflag:s5] =	ssyncadd.s32 $0xFFFFFF80  }
0x21a: {  	_ =	swait.ge [sflag:s5], $0x80  }
0x21b: {  	[sflag:s5] =	ssyncset.done $0x0  }
0x21c: {  	[sflag:s5] =	ssyncadd.s32 $0xFFFFFF80  }
0x21d: {  	_ =	swait.ge [sflag:s5], $0x80  }
0x21e: {  	[sflag:s5] =	ssyncset.done $0x0  }
0x21f: {  	[sflag:s5] =	ssyncadd.s32 $0xFFFFFF80  }
0x220: {  	_ =	swait.ge [sflag:s5], $0x80  }
0x221: {  	[sflag:s5] =	ssyncset.done $0x0  }
0x222: {  	[sflag:s5] =	ssyncadd.s32 $0xFFFFFF80  }
0x223: {  	_ =	swait.ge [sflag:s5], $0x80  }
0x224: {  	[sflag:s5] =	ssyncset.done $0x0  }
0x225: {  	[sflag:s5] =	ssyncadd.s32 $0xFFFFFF80  }
0x226: {  	_ =	swait.ge [sflag:s5], $0x80  }
0x227: {  	[sflag:s5] =	ssyncset.done $0x0  }
0x228: {  	[sflag:s5] =	ssyncadd.s32 $0xFFFFFF80  }
0x229: {  	_ =	swait.ge [sflag:s5], $0x80  }
0x22a: {  	[sflag:s5] =	ssyncset.done $0x0  }
0x22b: {  	[sflag:s5] =	ssyncadd.s32 $0xFFFFFF80  }
0x22c: {  	_ =	swait.ge [sflag:s5], $0x80  }
0x22d: {  	[sflag:s5] =	ssyncset.done $0x0  }
0x22e: {  	[sflag:s5] =	ssyncadd.s32 $0xFFFFFF80  }
0x22f: {  	[spmem:s3] =	stream.indirect.scatter.add.f32 [tilespmem:s23], [sflag:$0x4], $0x1, s17, s10, $0xb8;
	[tilespmem:$0x5160] =	vst v63  }
0x230: {  	_ = 	snop  }
0x231: {  	[spmem:s3] =	stream.indirect.scatter.add.f32 [tilespmem:s23], [sflag:$0x4], $0x1, s18, s10, $0xb8;
	[tilespmem:$0x5160] =	vst v63  }
0x232: {  	s2 =	sadd.s32 $0x100, s2  }
0x233: {  	[spmem:s3] =	stream.indirect.scatter.add.f32 [tilespmem:s23], [sflag:$0x4], $0x1, s7, s10, $0xb8;
	[tilespmem:$0x5160] =	vst v63  }
0x234: {  	p1 =	sne.s32 s2, $0x900  }
0x235: {  	[spmem:s3] =	stream.indirect.scatter.add.f32 [tilespmem:s23], [sflag:$0x4], $0x1, s21, s10, $0xb8;
	[tilespmem:$0x5160] =	vst v63  }
.Ltmp6:
0x236: {  	_ = 	snop;
	(pc) =	sbr.rel @p1 .LBB2_11-.Ltmp6, $4  }
0x237: {  	s20 =	sadd.s32 $0x800, s20  }
0x238: {  	[spmem:s3] =	stream.indirect.scatter.add.f32 [tilespmem:s23], [sflag:$0x4], $0x1, s22, s10, $0xb8;
	[tilespmem:$0x5160] =	vst v63  }
0x239: {  	s30 =	smov.u32 s11;
	s11 =	simm.s32 $0x100;
	s19 =	smov.u32 s29  }
0x23a: {  	[spmem:s3] =	stream.indirect.scatter.add.f32 [tilespmem:s23], [sflag:$0x4], $0x1, s9, s10, $0xb8;
	[tilespmem:$0x5160] =	vst v63  }
0x23b: {  	[spmem:s3] =	stream.indirect.scatter.add.f32 [tilespmem:s23], [sflag:$0x4], $0x1, s24, s10, $0xb8;
	[tilespmem:$0x5160] =	vst v63  }
0x23c: {  	s0 =	simm.s32 @!p0 $0x4  }
0x23d: {  	[spmem:s3] =	stream.indirect.scatter.add.f32 [tilespmem:s23], [sflag:$0x4], $0x1, s8, s10, $0xb8;
	[tilespmem:$0x5160] =	vst v63  }
0x23e: {  	_ =	swait.ge @!p0 [sflag:s0], $0x80  }
0x23f: {  	[sflag:s0] =	ssyncset.done @!p0 $0x0  }
0x240: {  	[sflag:s0] =	ssyncadd.s32 @!p0 $0xFFFFFF80  }
0x241: {  	_ =	swait.ge @!p0 [sflag:s0], $0x80  }
0x242: {  	[sflag:s0] =	ssyncset.done @!p0 $0x0  }
0x243: {  	[sflag:s0] =	ssyncadd.s32 @!p0 $0xFFFFFF80  }
0x244: {  	_ =	swait.ge @!p0 [sflag:s0], $0x80  }
0x245: {  	[sflag:s0] =	ssyncset.done @!p0 $0x0  }
0x246: {  	[sflag:s0] =	ssyncadd.s32 @!p0 $0xFFFFFF80  }
0x247: {  	_ =	swait.ge @!p0 [sflag:s0], $0x80  }
0x248: {  	[sflag:s0] =	ssyncset.done @!p0 $0x0  }
0x249: {  	[sflag:s0] =	ssyncadd.s32 @!p0 $0xFFFFFF80  }
0x24a: {  	_ =	swait.ge @!p0 [sflag:s0], $0x80  }
0x24b: {  	[sflag:s0] =	ssyncset.done @!p0 $0x0  }
0x24c: {  	[sflag:s0] =	ssyncadd.s32 @!p0 $0xFFFFFF80  }
0x24d: {  	_ =	swait.ge @!p0 [sflag:s0], $0x80  }
0x24e: {  	[sflag:s0] =	ssyncset.done @!p0 $0x0  }
0x24f: {  	[sflag:s0] =	ssyncadd.s32 @!p0 $0xFFFFFF80  }
0x250: {  	_ =	swait.ge @!p0 [sflag:s0], $0x80  }
0x251: {  	[sflag:s0] =	ssyncset.done @!p0 $0x0  }
0x252: {  	[sflag:s0] =	ssyncadd.s32 @!p0 $0xFFFFFF80  }
0x253: {  	_ =	swait.ge @!p0 [sflag:s0], $0x80  }
0x254: {  	s1 =	rddreg [dreg:$0x14];
	[sflag:s0] =	ssyncset.done @!p0 $0x0  }
0x255: {  	s2 =	rddreg [dreg:$0x13];
	[sflag:s0] =	ssyncadd.s32 @!p0 $0xFFFFFF80;
	s1 =	sadd.s32 s19, s1  }
0x256: {  	[tilespmem:s17], [sflag:$0x2] =	stream.linear.gather [hbm4b:s1+s4], $0x80, $0x38;
	[tilespmem:$0x5160] =	vst v63  }
0x257: {  	s0 =	rddreg [dreg:$0x12];
	s2 =	sadd.s32 s19, s2  }
0x258: {  	[tilespmem:s18], [sflag:$0x2] =	stream.linear.gather [hbm4b:s2+s4], $0x80, $0x38;
	[tilespmem:$0x5160] =	vst v63  }
0x259: {  	s26 =	rddreg [dreg:$0x11];
	s0 =	sadd.s32 s19, s0  }
0x25a: {  	[tilespmem:s7], [sflag:$0x2] =	stream.linear.gather [hbm4b:s0+s4], $0x80, $0x38;
	[tilespmem:$0x5160] =	vst v63  }
0x25b: {  	s26 =	sadd.s32 s19, s26;
	s1 =	rddreg [dreg:$0x10]  }
0x25c: {  	[tilespmem:s21], [sflag:$0x2] =	stream.linear.gather [hbm4b:s26+s4], $0x80, $0x38;
	[tilespmem:$0x5160] =	vst v63  }
0x25d: {  	s2 =	rddreg [dreg:$0xf];
	s26 =	sadd.s32 s19, s1  }
0x25e: {  	[tilespmem:s22], [sflag:$0x2] =	stream.linear.gather [hbm4b:s26+s4], $0x80, $0x38;
	[tilespmem:$0x5160] =	vst v63  }
0x25f: {  	s1 =	rddreg [dreg:$0xe];
	s26 =	sadd.s32 s19, s2  }
0x260: {  	[tilespmem:s9], [sflag:$0x2] =	stream.linear.gather [hbm4b:s26+s4], $0x80, $0x38;
	[tilespmem:$0x5160] =	vst v63  }
0x261: {  	s2 =	rddreg [dreg:$0xd];
	s26 =	sadd.s32 s19, s1  }
0x262: {  	[tilespmem:s24], [sflag:$0x2] =	stream.linear.gather [hbm4b:s26+s4], $0x80, $0x38;
	[tilespmem:$0x5160] =	vst v63  }
0x263: {  	s1 =	sadd.s32 s19, s2  }
0x264: {  	[tilespmem:s8], [sflag:$0x2] =	stream.linear.gather [hbm4b:s1+s4], $0x80, $0x38;
	[tilespmem:$0x5160] =	vst v63  }
0x265: {  	_ =	swait.ge [sflag:s6], $0x80  }
0x266: {  	[sflag:s6] =	ssyncset.done $0x0  }
0x267: {  	[sflag:s6] =	ssyncadd.s32 $0xFFFFFF80  }
0x268: {  	_ =	swait.ge [sflag:s6], $0x80  }
0x269: {  	[sflag:s6] =	ssyncset.done $0x0  }
0x26a: {  	[sflag:s6] =	ssyncadd.s32 $0xFFFFFF80  }
0x26b: {  	_ =	swait.ge [sflag:s6], $0x80  }
0x26c: {  	[sflag:s6] =	ssyncset.done $0x0  }
0x26d: {  	[sflag:s6] =	ssyncadd.s32 $0xFFFFFF80  }
0x26e: {  	_ =	swait.ge [sflag:s6], $0x80  }
0x26f: {  	[sflag:s6] =	ssyncset.done $0x0  }
0x270: {  	[sflag:s6] =	ssyncadd.s32 $0xFFFFFF80  }
0x271: {  	_ =	swait.ge [sflag:s6], $0x80  }
0x272: {  	[sflag:s6] =	ssyncset.done $0x0  }
0x273: {  	[sflag:s6] =	ssyncadd.s32 $0xFFFFFF80  }
0x274: {  	_ =	swait.ge [sflag:s6], $0x80  }
0x275: {  	[sflag:s6] =	ssyncset.done $0x0  }
0x276: {  	[sflag:s6] =	ssyncadd.s32 $0xFFFFFF80  }
0x277: {  	_ =	swait.ge [sflag:s6], $0x80  }
0x278: {  	[sflag:s6] =	ssyncset.done $0x0  }
0x279: {  	[sflag:s6] =	ssyncadd.s32 $0xFFFFFF80  }
0x27a: {  	_ =	swait.ge [sflag:s6], $0x80  }
0x27b: {  	[sflag:s6] =	ssyncset.done $0x0  }
0x27c: {  	[sflag:s6] =	ssyncadd.s32 $0xFFFFFF80  }
0x27d: {  	[spmem:s3] =	stream.indirect.scatter.add.f32 [tilespmem:s23], [sflag:$0x3], $0x1, s4, s10, $0xb8;
	[tilespmem:$0x5160] =	vst v63  }
0x27e: {  	_ = 	snop  }
0x27f: {  	[spmem:s3] =	stream.indirect.scatter.add.f32 [tilespmem:s23], [sflag:$0x3], $0x1, s10, s10, $0xb8;
	[tilespmem:$0x5160] =	vst v63  }
0x280: {  	_ = 	snop  }
0x281: {  	[spmem:s3] =	stream.indirect.scatter.add.f32 [tilespmem:s23], [sflag:$0x3], $0x1, s11, s10, $0xb8;
	[tilespmem:$0x5160] =	vst v63  }
0x282: {  	_ = 	snop  }
0x283: {  	[spmem:s3] =	stream.indirect.scatter.add.f32 [tilespmem:s23], [sflag:$0x3], $0x1, s12, s10, $0xb8;
	[tilespmem:$0x5160] =	vst v63  }
0x284: {  	_ = 	snop  }
0x285: {  	[spmem:s3] =	stream.indirect.scatter.add.f32 [tilespmem:s23], [sflag:$0x3], $0x1, s13, s10, $0xb8;
	[tilespmem:$0x5160] =	vst v63  }
0x286: {  	_ = 	snop  }
0x287: {  	[spmem:s3] =	stream.indirect.scatter.add.f32 [tilespmem:s23], [sflag:$0x3], $0x1, s14, s10, $0xb8;
	[tilespmem:$0x5160] =	vst v63  }
0x288: {  	_ = 	snop  }
0x289: {  	[spmem:s3] =	stream.indirect.scatter.add.f32 [tilespmem:s23], [sflag:$0x3], $0x1, s15, s10, $0xb8;
	[tilespmem:$0x5160] =	vst v63  }
0x28a: {  	_ = 	snop  }
0x28b: {  	[spmem:s3] =	stream.indirect.scatter.add.f32 [tilespmem:s23], [sflag:$0x3], $0x1, s16, s10, $0xb8;
	[tilespmem:$0x5160] =	vst v63  }
0x28c: {  	_ =	swait.ge [sflag:s25], $0x80  }
0x28d: {  	[sflag:s25] =	ssyncset.done $0x0  }
0x28e: {  	[sflag:s25] =	ssyncadd.s32 $0xFFFFFF80  }
0x28f: {  	_ =	swait.ge [sflag:s25], $0x80  }
0x290: {  	[sflag:s25] =	ssyncset.done $0x0  }
0x291: {  	[sflag:s25] =	ssyncadd.s32 $0xFFFFFF80  }
0x292: {  	_ =	swait.ge [sflag:s25], $0x80  }
0x293: {  	[sflag:s25] =	ssyncset.done $0x0  }
0x294: {  	[sflag:s25] =	ssyncadd.s32 $0xFFFFFF80  }
0x295: {  	_ =	swait.ge [sflag:s25], $0x80  }
0x296: {  	[sflag:s25] =	ssyncset.done $0x0  }
0x297: {  	[sflag:s25] =	ssyncadd.s32 $0xFFFFFF80  }
0x298: {  	_ =	swait.ge [sflag:s25], $0x80  }
0x299: {  	[sflag:s25] =	ssyncset.done $0x0  }
0x29a: {  	[sflag:s25] =	ssyncadd.s32 $0xFFFFFF80  }
0x29b: {  	_ =	swait.ge [sflag:s25], $0x80  }
0x29c: {  	[sflag:s25] =	ssyncset.done $0x0  }
0x29d: {  	[sflag:s25] =	ssyncadd.s32 $0xFFFFFF80  }
0x29e: {  	_ =	swait.ge [sflag:s25], $0x80  }
0x29f: {  	[sflag:s25] =	ssyncset.done $0x0  }
0x2a0: {  	p0 =	seq.s32 s19, $0x800;
	[sflag:s25] =	ssyncadd.s32 $0xFFFFFF80  }
0x2a1: {  	s0 =	sshrl.u32 @!p0 s20, $0x3;
	_ =	swait.ge [sflag:s25], $0x80  }
0x2a2: {  	s0 =	sadd.s32 @!p0 s30, s0;
	[sflag:s25] =	ssyncset.done $0x0  }
0x2a3: {  	s2 =	simm.s32 @!p0 $0x0;
	s1 =	rddreg [dreg:$0xc];
	[sflag:s25] =	ssyncadd.s32 $0xFFFFFF80  }
0x2a4: {  	[tilespmem:s2], [sflag:$0x1] =	stream.linear.gather @!p0 [hbm4b:s0+s2], $0x80, $0x38;
	[tilespmem:$0x5160] =	vst v63  }
0x2a5: {  	s20 =	simm.s32 @!p0 $0x80;
	s1 =	sadd.s32 @!p0 s19, s1;
	s0 =	rddreg [dreg:$0xb]  }
0x2a6: {  	[tilespmem:s20], [sflag:$0x1] =	stream.linear.gather @!p0 [hbm4b:s1+s2], $0x80, $0x38;
	[tilespmem:$0x5160] =	vst v63  }
0x2a7: {  	s0 =	sadd.s32 @!p0 s19, s0;
	s1 =	rddreg [dreg:$0xa];
	s20 =	simm.s32 @!p0 $0x100  }
0x2a8: {  	[tilespmem:s20], [sflag:$0x1] =	stream.linear.gather @!p0 [hbm4b:s0+s2], $0x80, $0x38;
	[tilespmem:$0x5160] =	vst v63  }
0x2a9: {  	s1 =	sadd.s32 @!p0 s19, s1;
	s0 =	rddreg [dreg:$0x9];
	s20 =	simm.s32 @!p0 $0x180  }
0x2aa: {  	[tilespmem:s20], [sflag:$0x1] =	stream.linear.gather @!p0 [hbm4b:s1+s2], $0x80, $0x38;
	[tilespmem:$0x5160] =	vst v63  }
0x2ab: {  	s0 =	sadd.s32 @!p0 s19, s0;
	s1 =	rddreg [dreg:$0x8];
	s20 =	simm.s32 @!p0 $0x200  }
0x2ac: {  	[tilespmem:s20], [sflag:$0x1] =	stream.linear.gather @!p0 [hbm4b:s0+s2], $0x80, $0x38;
	[tilespmem:$0x5160] =	vst v63  }
0x2ad: {  	s1 =	sadd.s32 @!p0 s19, s1;
	s0 =	rddreg [dreg:$0x7];
	s20 =	simm.s32 @!p0 $0x280  }
0x2ae: {  	[tilespmem:s20], [sflag:$0x1] =	stream.linear.gather @!p0 [hbm4b:s1+s2], $0x80, $0x38;
	[tilespmem:$0x5160] =	vst v63  }
0x2af: {  	s0 =	sadd.s32 @!p0 s19, s0;
	s1 =	rddreg [dreg:$0x6];
	s20 =	simm.s32 @!p0 $0x300  }
0x2b0: {  	[tilespmem:s20], [sflag:$0x1] =	stream.linear.gather @!p0 [hbm4b:s0+s2], $0x80, $0x38;
	[tilespmem:$0x5160] =	vst v63  }
0x2b1: {  	s0 =	sadd.s32 @!p0 s19, s1;
	s1 =	simm.s32 @!p0 $0x380  }
0x2b2: {  	[tilespmem:s1], [sflag:$0x1] =	stream.linear.gather @!p0 [hbm4b:s0+s2], $0x80, $0x38;
	[tilespmem:$0x5160] =	vst v63  }
0x2b3: {  	_ =	swait.ge [sflag:s5], $0x80  }
0x2b4: {  	[sflag:s5] =	ssyncset.done $0x0  }
0x2b5: {  	[sflag:s5] =	ssyncadd.s32 $0xFFFFFF80  }
0x2b6: {  	_ =	swait.ge [sflag:s5], $0x80  }
0x2b7: {  	[sflag:s5] =	ssyncset.done $0x0  }
0x2b8: {  	[sflag:s5] =	ssyncadd.s32 $0xFFFFFF80  }
0x2b9: {  	_ =	swait.ge [sflag:s5], $0x80  }
0x2ba: {  	[sflag:s5] =	ssyncset.done $0x0  }
0x2bb: {  	[sflag:s5] =	ssyncadd.s32 $0xFFFFFF80  }
0x2bc: {  	_ =	swait.ge [sflag:s5], $0x80  }
0x2bd: {  	[sflag:s5] =	ssyncset.done $0x0  }
0x2be: {  	[sflag:s5] =	ssyncadd.s32 $0xFFFFFF80  }
0x2bf: {  	_ =	swait.ge [sflag:s5], $0x80  }
0x2c0: {  	[sflag:s5] =	ssyncset.done $0x0  }
0x2c1: {  	[sflag:s5] =	ssyncadd.s32 $0xFFFFFF80  }
0x2c2: {  	_ =	swait.ge [sflag:s5], $0x80  }
0x2c3: {  	[sflag:s5] =	ssyncset.done $0x0  }
0x2c4: {  	[sflag:s5] =	ssyncadd.s32 $0xFFFFFF80  }
0x2c5: {  	_ =	swait.ge [sflag:s5], $0x80  }
0x2c6: {  	[sflag:s5] =	ssyncset.done $0x0  }
0x2c7: {  	[sflag:s5] =	ssyncadd.s32 $0xFFFFFF80  }
0x2c8: {  	_ =	swait.ge [sflag:s5], $0x80  }
0x2c9: {  	[sflag:s5] =	ssyncset.done $0x0  }
0x2ca: {  	[sflag:s5] =	ssyncadd.s32 $0xFFFFFF80  }
0x2cb: {  	[spmem:s3] =	stream.indirect.scatter.add.f32 [tilespmem:s23], [sflag:$0x4], $0x1, s17, s10, $0xb8;
	[tilespmem:$0x5160] =	vst v63  }
0x2cc: {  	_ = 	snop  }
0x2cd: {  	[spmem:s3] =	stream.indirect.scatter.add.f32 [tilespmem:s23], [sflag:$0x4], $0x1, s18, s10, $0xb8;
	[tilespmem:$0x5160] =	vst v63  }
0x2ce: {  	_ = 	snop  }
0x2cf: {  	[spmem:s3] =	stream.indirect.scatter.add.f32 [tilespmem:s23], [sflag:$0x4], $0x1, s7, s10, $0xb8;
	[tilespmem:$0x5160] =	vst v63  }
0x2d0: {  	_ = 	snop  }
0x2d1: {  	[spmem:s3] =	stream.indirect.scatter.add.f32 [tilespmem:s23], [sflag:$0x4], $0x1, s21, s10, $0xb8;
	[tilespmem:$0x5160] =	vst v63  }
0x2d2: {  	_ = 	snop  }
0x2d3: {  	[spmem:s3] =	stream.indirect.scatter.add.f32 [tilespmem:s23], [sflag:$0x4], $0x1, s22, s10, $0xb8;
	[tilespmem:$0x5160] =	vst v63  }
0x2d4: {  	_ = 	snop  }
0x2d5: {  	[spmem:s3] =	stream.indirect.scatter.add.f32 [tilespmem:s23], [sflag:$0x4], $0x1, s9, s10, $0xb8;
	[tilespmem:$0x5160] =	vst v63  }
0x2d6: {  	_ = 	snop  }
0x2d7: {  	[spmem:s3] =	stream.indirect.scatter.add.f32 [tilespmem:s23], [sflag:$0x4], $0x1, s24, s10, $0xb8;
	[tilespmem:$0x5160] =	vst v63  }
0x2d8: {  	s2 =	simm.s32 $0x4  }
0x2d9: {  	[spmem:s3] =	stream.indirect.scatter.add.f32 [tilespmem:s23], [sflag:$0x4], $0x1, s8, s10, $0xb8;
	[tilespmem:$0x5160] =	vst v63  }
0x2da: {  	_ =	swait.ge [sflag:s2], $0x80  }
0x2db: {  	[sflag:s2] =	ssyncset.done $0x0  }
0x2dc: {  	[sflag:s2] =	ssyncadd.s32 $0xFFFFFF80  }
0x2dd: {  	_ =	swait.ge [sflag:s2], $0x80  }
0x2de: {  	[sflag:s2] =	ssyncset.done $0x0  }
0x2df: {  	[sflag:s2] =	ssyncadd.s32 $0xFFFFFF80  }
0x2e0: {  	_ =	swait.ge [sflag:s2], $0x80  }
0x2e1: {  	[sflag:s2] =	ssyncset.done $0x0  }
0x2e2: {  	[sflag:s2] =	ssyncadd.s32 $0xFFFFFF80  }
0x2e3: {  	_ =	swait.ge [sflag:s2], $0x80  }
0x2e4: {  	[sflag:s2] =	ssyncset.done $0x0  }
0x2e5: {  	[sflag:s2] =	ssyncadd.s32 $0xFFFFFF80  }
0x2e6: {  	_ =	swait.ge [sflag:s2], $0x80  }
0x2e7: {  	[sflag:s2] =	ssyncset.done $0x0  }
0x2e8: {  	[sflag:s2] =	ssyncadd.s32 $0xFFFFFF80  }
0x2e9: {  	_ =	swait.ge [sflag:s2], $0x80  }
0x2ea: {  	[sflag:s2] =	ssyncset.done $0x0  }
0x2eb: {  	[sflag:s2] =	ssyncadd.s32 $0xFFFFFF80  }
0x2ec: {  	_ =	swait.ge [sflag:s2], $0x80  }
0x2ed: {  	[sflag:s2] =	ssyncset.done $0x0  }
0x2ee: {  	[sflag:s2] =	ssyncadd.s32 $0xFFFFFF80  }
0x2ef: {  	_ =	swait.ge [sflag:s2], $0x80  }
0x2f0: {  	[sflag:s2] =	ssyncset.done $0x0  }
0x2f1: {  	[sflag:s2] =	ssyncadd.s32 $0xFFFFFF80  }
0x2f2: {  	[bflag:$0x0] =	sbarrier.arrive $0xFFFF  }
0x2f3: {  	s28 =	simm.s32 $0x2080;
	s29 =	simm.s32 $0x9;
	s20 =	rddreg [dreg:$0x16]  }
0x2f4: {  	[tilespmem:s28], [sflag:$0x9] =	stream.linear.gather [spmem:s20], $0x1870, $0x38;
	[tilespmem:$0x5160] =	vst v63  }
0x2f5: {  	_ =	swait.ge [sflag:s29], $0x1870  }
0x2f6: {  	s11 =	sld [smem:$0x7F6]  }
0x2f7: {  	[sflag:s29] =	ssyncset.done $0x0  }
0x2f8: {  	[sflag:s29] =	ssyncadd.s32 $0xFFFFE790  }
0x2f9: {  	[hbm4b:s11+s4] =	stream.linear.scatter [tilespmem:s28], [sflag:$0x9], $0x1870, $0x38;
	[tilespmem:$0x5160] =	vst v63  }
0x2fa: {  	_ =	swait.ge [sflag:s29], $0x1870  }
0x2fb: {  	s19 =	sld [smem:$0x7F5]  }
0x2fc: {  	s26 =	sld [smem:$0x7F8];
	_ =	sdelay $0x1  }
0x2fd: {  	s2 =	sadd.s32 $0x1, s19  }
0x2fe: {  	p0 =	sne.s32 s2, s26  }
.Ltmp7:
0x2ff: {  	_ = 	snop;
	(pc) =	sbr.rel @p0 .LBB2_1-.Ltmp7, $3  }
0x300: {  	_ =	sdelay $0x1  }
0x301: {  	[sflag:s29] =	ssyncset.done $0x0;
	s1 =	sld [smem:$0x7FC]  }
0x302: {  	s31 =	simm.s32 $0x800;
	s11 =	sld [smem:$0x7FD];
	[sflag:s29] =	ssyncadd.s32 $0xFFFFE790  }
0x303: {  	_ =	sfence.sel $0x180000  }
0x304: {  	[bflag:$0x0] =	sbarrier.arrive $0xFFFF  }
0x305: {  	_ =	strace $0x90000047  }
0x306: {  	s0 =	stileid.u32;
	[bflag:$0x2] =	sbarrier.arrive $0xFFFF  }
0x307: {  	p0 =	sne.s32 s0, $0x0;
	s0 =	rddreg [dreg:$0x5]  }
0x308: {  	s0 =	sadd.s32 @!p0 $0x100000, s0  }
0x309: {  	[sflag:s0] =	ssyncadd.tile.s32 @!p0 $0x1;
	_ =	shalt  }
.Lfunc_end2:
_tile_overlayer_lowered:
.L_overlay_start_2:
0x30a: {  	(tag) =	ssettag $0x2  }
0x30b: {  	s0 =	rddreg [dreg:$0x0];
	s2 =	stileid.u32  }
0x30c: {  	s1 =	rddreg [dreg:$0x1];
	p0 =	sne.s32 s2, $0x0  }
0x30d: {  	s3 =	rddreg [dreg:$0x2];
	[bflag:$0x3] =	sbarrier.arrive $0xFFFF;
	s2 =	simm.s32 @!p0 $0x1C09  }
0x30e: {  	[timem:s3], [sflag:s2] =	dma.local @!p0 [hbm:s0], s1  }
0x30f: {  	s0 =	simm.s32 @!p0 $0x9  }
0x310: {  	_ =	swait.ge @!p0 [sflag:s0], s1  }
0x311: {  	s1 =	ssub.s32 @!p0 $0x0, s1;
	[sflag:s0] =	ssyncset.done @!p0 $0x0  }
0x312: {  	[sflag:s0] =	ssyncadd.s32 @!p0 s1  }
0x313: {  	[bflag:$0x3] =	sbarrier.arrive $0xFFFF  }
0x314: {  	_ =	shalt  }

</sc_bundles>
